<compile_context>
chip_gen: v7x
topology: tpu7x:2x2x1
jax: 0.10.2.dev20260603
libtpu: 0.0.44.dev20260713+nightly
codegen_flags: <defaults>
</compile_context>

<pallas_src>
import functools

import jax
import jax.numpy as jnp
from jax import lax
from jax.experimental import pallas as pl
from jax.experimental.pallas import tpu as pltpu
from jax.experimental.pallas import tpu_sc as plsc

NC = 2
NS = 16
NW = NC * NS
CHUNK = 128



def _mm_split_block(relu_in, hh, x_ref, w_ref, b_ref, o_ref):
    x = x_ref[...]
    if relu_in:
        x = jnp.maximum(x, 0.0)
    r = jnp.dot(x, w_ref[...], preferred_element_type=jnp.float32) + b_ref[...]
    o_ref[0] = r[:, :hh]
    o_ref[1] = r[:, hh:]


@functools.lru_cache(maxsize=None)
def _make_mm_split(n, k, h, bm, relu_in):
    hh = h // 2
    return pl.pallas_call(
        functools.partial(_mm_split_block, relu_in, hh),
        grid=(n // bm,),
        in_specs=[
            pl.BlockSpec((bm, k), lambda i: (i, 0)),
            pl.BlockSpec((k, h), lambda i: (0, 0)),
            pl.BlockSpec((1, h), lambda i: (0, 0)),
        ],
        out_specs=pl.BlockSpec((2, bm, hh), lambda i: (0, i, 0)),
        out_shape=jax.ShapeDtypeStruct((2, n, hh), jnp.float32),
    )



@functools.lru_cache(maxsize=None)
def _make_sc_agg_feat(n_nodes, n_chunks, dh, nbuf):
    cpw = -(-n_chunks // NS)
    slab = (n_nodes // NS) // 8 * 8
    rem = n_nodes - NS * slab
    assert rem % 8 == 0

    mesh = plsc.VectorSubcoreMesh(core_axis_name="c", subcore_axis_name="s")
    scratch = [
        pltpu.VMEM((cpw, CHUNK), jnp.int32),
        pltpu.VMEM((cpw, CHUNK), jnp.int32),
        pltpu.VMEM((nbuf, CHUNK, dh), jnp.float32),
        pltpu.VMEM_SHARED((n_nodes, dh), jnp.float32),
    ] + [pltpu.SemaphoreType.DMA] * nbuf

    @functools.partial(
        pl.kernel,
        out_type=jax.ShapeDtypeStruct((n_nodes, 2 * dh), jnp.float32),
        mesh=mesh,
        scratch_types=scratch,
        compiler_params=pltpu.CompilerParams(use_tc_tiling_on_sc=False),
    )
    def agg(h_hbm, src_hbm, dst_hbm, zeros_hbm, out_hbm,
            src_v, dst_v, rows_v, acc_sh, *sems):
        c = lax.axis_index("c")
        s = lax.axis_index("s")
        row0 = s * slab
        c0 = s * cpw
        hc = h_hbm.at[c]
        cpw_eff = jnp.clip(n_chunks - c0, 0, cpw)

        pltpu.sync_copy(src_hbm.at[pl.ds(c0, cpw)], src_v)
        pltpu.sync_copy(dst_hbm.at[pl.ds(c0, cpw)], dst_v)

        for b in range(nbuf):
            @pl.when(b < cpw_eff)
            def _():
                pltpu.async_copy(hc.at[src_v.at[b]], rows_v.at[b], sems[b])

        pltpu.sync_copy(zeros_hbm.at[pl.ds(row0, slab)],
                        acc_sh.at[pl.ds(row0, slab)])
        if rem:
            @pl.when(s == NS - 1)
            def _():
                pltpu.sync_copy(zeros_hbm.at[pl.ds(NS * slab, rem)],
                                acc_sh.at[pl.ds(NS * slab, rem)])
        plsc.subcore_barrier()

        def _wait(b):
            pltpu.make_async_copy(
                hc.at[pl.ds(0, CHUNK)], rows_v.at[b], sems[b]).wait()

        n_groups = -(-cpw // nbuf)

        def step(g, carry):
            for b in range(nbuf):
                chunk = g * nbuf + b
                nxt = (g + 1) * nbuf + b

                @pl.when(chunk < cpw_eff)
                def _():
                    _wait(b)
                    pltpu.sync_copy(rows_v.at[b], acc_sh.at[dst_v.at[chunk]],
                                    add=True)

                @pl.when(nxt < cpw_eff)
                def _():
                    pltpu.async_copy(hc.at[src_v.at[nxt]],
                                     rows_v.at[b], sems[b])
            return carry

        lax.fori_loop(0, n_groups, step, 0)

        plsc.subcore_barrier()
        pltpu.sync_copy(acc_sh.at[pl.ds(row0, slab)],
                        out_hbm.at[pl.ds(row0, slab), pl.ds(c * dh, dh)])
        if rem:
            @pl.when(s == NS - 1)
            def _():
                pltpu.sync_copy(
                    acc_sh.at[pl.ds(NS * slab, rem)],
                    out_hbm.at[pl.ds(NS * slab, rem), pl.ds(c * dh, dh)])

    return agg



def kernel(x, adj, W1, b1, W2, b2):
    n, f = x.shape
    h1w = W1.shape[1]
    h2w = W2.shape[1]
    e = adj.shape[1]
    n_chunks = e // CHUNK
    pad_chunks = -(-n_chunks // NW) * NW
    idx = adj.astype(jnp.int32).reshape(2, n_chunks, CHUNK)
    idx = jnp.pad(idx, ((0, 0), (0, pad_chunks - n_chunks), (0, 0)))
    src, dst = idx[0], idx[1]

    bm = 2000
    h1 = _make_mm_split(n, f, h1w, bm, False)(x, W1, b1.reshape(1, h1w))
    z1 = jnp.zeros((n, h1w // 2), jnp.float32)
    g1 = _make_sc_agg_feat(n, n_chunks, h1w // 2, 6)(h1, src, dst, z1)
    z2 = _make_mm_split(n, h1w, h2w, bm, True)(g1, W2, b2.reshape(1, h2w))
    zz = jnp.zeros((n, h2w // 2), jnp.float32)
    return _make_sc_agg_feat(n, n_chunks, h2w // 2, 6)(z2, src, dst, zz)

# --- scband reference (transcript-rebuilt; emitter-appended) ---
"""Pipeline reference for scband-gcn-70961449665143 (READ-ONLY COPY).

The authoritative reference and input builder live on the scoring server;
editing this copy changes nothing except your own understanding.
"""

import jax, jax.numpy as jnp
import numpy as np

N_NODES = 10000
N_EDGES = 160000
N_FEAT = 128
N_HID = 128
N_CLASSES = 64


def setup_inputs(seed: int = 0) -> dict:
    key = jax.random.key(seed)
    k_x, k_adj, k_w1, k_w2 = jax.random.split(key, 4)
    x = jax.random.normal(k_x, (N_NODES, N_FEAT), dtype=jnp.float32)
    adj = jax.random.randint(k_adj, (2, N_EDGES), 0, N_NODES, dtype=jnp.int64)
    # GraphConv learned parameters (glorot-ish init like torch Linear)
    s1 = 1.0 / np.sqrt(N_FEAT)
    s2 = 1.0 / np.sqrt(N_HID)
    W1 = jax.random.uniform(k_w1, (N_FEAT, N_HID), dtype=jnp.float32, minval=-s1, maxval=s1)
    b1 = jnp.zeros((N_HID,), dtype=jnp.float32)
    W2 = jax.random.uniform(k_w2, (N_HID, N_CLASSES), dtype=jnp.float32, minval=-s2, maxval=s2)
    b2 = jnp.zeros((N_CLASSES,), dtype=jnp.float32)
    return {"x": x, "adj": adj, "W1": W1, "b1": b1, "W2": W2, "b2": b2}


def _graph_conv(x, adj, W, b):
    # GraphConv: linear transform then sparse adjacency aggregation (spmm)
    h = x @ W + b
    src = adj[0]
    dst = adj[1]
    msgs = jnp.take(h, src, axis=0)            # gather (SparseCore-friendly)
    agg = jax.ops.segment_sum(msgs, dst, num_segments=N_NODES)  # scatter-add
    return agg


def reference(x, adj, W1, b1, W2, b2):
    # GCN.forward: gc1 -> dropout (identity, eval mode) -> relu -> gc2
    h = _graph_conv(x, adj, W1, b1)
    h = jax.nn.relu(h)
    out = _graph_conv(h, adj, W2, b2)
    return out

if __name__ == "__main__":
    import jax
    _d = setup_inputs()
    print(jax.jit(kernel)(*tuple(_d.values())))

</pallas_src>

<mosaic_0001>
#map = affine_map<(d0, d1) -> (0, 0, 0)>
#map1 = affine_map<(d0, d1) -> (0, 0)>
module attributes {stable_mosaic.version = 14 : i64} {
  func.func @agg(%arg0: i32, %arg1: i32, %arg2: memref<2x10000x32xf32, #tpu.memory_space<hbm>>, %arg3: memref<1280x128xi32, #tpu.memory_space<hbm>>, %arg4: memref<1280x128xi32, #tpu.memory_space<hbm>>, %arg5: memref<10000x32xf32, #tpu.memory_space<hbm>>, %arg6: memref<10000x64xf32, #tpu.memory_space<hbm>>, %arg7: memref<79x128xi32, #tpu.memory_space<vmem>>, %arg8: memref<79x128xi32, #tpu.memory_space<vmem>>, %arg9: memref<6x128x32xf32, #tpu.memory_space<vmem>>, %arg10: memref<10000x32xf32, #tpu.memory_space<vmem_shared>>, %arg11: memref<!tpu.dma_semaphore, #tpu.memory_space<semaphore_mem>>, %arg12: memref<!tpu.dma_semaphore, #tpu.memory_space<semaphore_mem>>, %arg13: memref<!tpu.dma_semaphore, #tpu.memory_space<semaphore_mem>>, %arg14: memref<!tpu.dma_semaphore, #tpu.memory_space<semaphore_mem>>, %arg15: memref<!tpu.dma_semaphore, #tpu.memory_space<semaphore_mem>>, %arg16: memref<!tpu.dma_semaphore, #tpu.memory_space<semaphore_mem>>) attributes {dimension_semantics = [#tpu.dimension_semantics<core_parallel>, #tpu.dimension_semantics<subcore_parallel>], iteration_bounds = array<i64: 2, 16>, scalar_prefetch = 0 : i64, scratch_operands = 10 : i64, tpu.core_type = #tpu.core_type<sc_vector_subcore>, window_params = [{transform_indices = #map}, {transform_indices = #map1}, {transform_indices = #map1}, {transform_indices = #map1}, {transform_indices = #map1}]} {
    %mul3A = arith.constant 624 : i32
    %mul3A_0 = arith.muli %arg1, %mul3A : i32
    %mul3A_1 = arith.constant 79 : i32
    %mul3A_2 = arith.muli %arg1, %mul3A_1 : i32
    %sub3A = arith.constant 1250 : i32
    %sub3A_3 = arith.subi %sub3A, %mul3A_2 : i32
    %jit3A = arith.constant 0 : i32
    %jit3A_4 = arith.constant 79 : i32
    %max3A = arith.maxsi %jit3A, %sub3A_3 : i32
    %min3A = arith.minsi %jit3A_4, %max3A : i32
    "tpu.region"() ({
      %run_scoped3A = tpu.sem_alloc : memref<!tpu.dma_semaphore, #tpu.memory_space<semaphore_mem>>
      %dma_start3A = arith.constant 0 : i32
      %dma_start3A_49 = tpu.memref_slice %arg3[%mul3A_2, %dma_start3A] : memref<1280x128xi32, #tpu.memory_space<hbm>> -> memref<79x128xi32, #tpu.memory_space<hbm>>
      %dma_start3A_50 = arith.constant 0 : i32
      %dma_start3A_51 = tpu.memref_slice %arg3[%mul3A_2, %dma_start3A_50] : memref<1280x128xi32, #tpu.memory_space<hbm>> -> memref<79x128xi32, #tpu.memory_space<hbm>>
      tpu.enqueue_dma source(%dma_start3A_51 : memref<79x128xi32, #tpu.memory_space<hbm>>) target(%arg7 : memref<79x128xi32, #tpu.memory_space<vmem>>) target_semaphore(%run_scoped3A : memref<!tpu.dma_semaphore, #tpu.memory_space<semaphore_mem>>)
      %dma_wait3A = arith.constant 0 : i32
      %dma_wait3A_52 = tpu.memref_slice %arg3[%mul3A_2, %dma_wait3A] : memref<1280x128xi32, #tpu.memory_space<hbm>> -> memref<79x128xi32, #tpu.memory_space<hbm>>
      %dma_wait3A_53 = arith.constant 0 : i32
      %dma_wait3A_54 = tpu.memref_slice %arg3[%mul3A_2, %dma_wait3A_53] : memref<1280x128xi32, #tpu.memory_space<hbm>> -> memref<79x128xi32, #tpu.memory_space<hbm>>
      tpu.wait_dma2 semaphore(%run_scoped3A : memref<!tpu.dma_semaphore, #tpu.memory_space<semaphore_mem>>) src(%dma_wait3A_54 : memref<79x128xi32, #tpu.memory_space<hbm>>) dst(%arg7 : memref<79x128xi32, #tpu.memory_space<vmem>>)
      tpu.yield
    }) : () -> ()
    "tpu.region"() ({
      %run_scoped3A = tpu.sem_alloc : memref<!tpu.dma_semaphore, #tpu.memory_space<semaphore_mem>>
      %dma_start3A = arith.constant 0 : i32
      %dma_start3A_49 = tpu.memref_slice %arg4[%mul3A_2, %dma_start3A] : memref<1280x128xi32, #tpu.memory_space<hbm>> -> memref<79x128xi32, #tpu.memory_space<hbm>>
      %dma_start3A_50 = arith.constant 0 : i32
      %dma_start3A_51 = tpu.memref_slice %arg4[%mul3A_2, %dma_start3A_50] : memref<1280x128xi32, #tpu.memory_space<hbm>> -> memref<79x128xi32, #tpu.memory_space<hbm>>
      tpu.enqueue_dma source(%dma_start3A_51 : memref<79x128xi32, #tpu.memory_space<hbm>>) target(%arg8 : memref<79x128xi32, #tpu.memory_space<vmem>>) target_semaphore(%run_scoped3A : memref<!tpu.dma_semaphore, #tpu.memory_space<semaphore_mem>>)
      %dma_wait3A = arith.constant 0 : i32
      %dma_wait3A_52 = tpu.memref_slice %arg4[%mul3A_2, %dma_wait3A] : memref<1280x128xi32, #tpu.memory_space<hbm>> -> memref<79x128xi32, #tpu.memory_space<hbm>>
      %dma_wait3A_53 = arith.constant 0 : i32
      %dma_wait3A_54 = tpu.memref_slice %arg4[%mul3A_2, %dma_wait3A_53] : memref<1280x128xi32, #tpu.memory_space<hbm>> -> memref<79x128xi32, #tpu.memory_space<hbm>>
      tpu.wait_dma2 semaphore(%run_scoped3A : memref<!tpu.dma_semaphore, #tpu.memory_space<semaphore_mem>>) src(%dma_wait3A_54 : memref<79x128xi32, #tpu.memory_space<hbm>>) dst(%arg8 : memref<79x128xi32, #tpu.memory_space<vmem>>)
      tpu.yield
    }) : () -> ()
    %gt3A = arith.constant 0 : i32
    %gt3A_5 = arith.cmpi sgt, %min3A, %gt3A : i32
    %convert_element_type3A = arith.extui %gt3A_5 : i1 to i32
    %cond3A = arith.constant 0 : i32
    %cond3A_6 = arith.cmpi ne, %convert_element_type3A, %cond3A : i32
    scf.if %cond3A_6 {
      %dma_start3A = arith.constant 0 : i32
      %dma_start3A_49 = arith.constant 0 : i32
      %dma_start3A_50 = arith.constant 0 : i32
      %dma_start3A_51 = arith.constant 0 : i32
      %dma_start3A_52 = tpu.memref_slice %arg9[%dma_start3A_49, %dma_start3A_50, %dma_start3A_51] : memref<6x128x32xf32, #tpu.memory_space<vmem>> -> memref<1x128x32xf32, #tpu.memory_space<vmem>>
      %dma_start3A_53 = tpu.memref_squeeze %dma_start3A_52 : memref<1x128x32xf32, #tpu.memory_space<vmem>> -> memref<128x32xf32, #tpu.memory_space<vmem>>
      %dma_start3A_54 = arith.constant 0 : i32
      %dma_start3A_55 = tpu.memref_slice %arg7[%dma_start3A, %dma_start3A_54] : memref<79x128xi32, #tpu.memory_space<vmem>> -> memref<1x128xi32, #tpu.memory_space<vmem>>
      %dma_start3A_56 = tpu.memref_squeeze %dma_start3A_55 : memref<1x128xi32, #tpu.memory_space<vmem>> -> memref<128xi32, #tpu.memory_space<vmem>>
      %dma_start3A_57 = arith.constant 0 : i32
      %dma_start3A_58 = arith.constant 0 : i32
      %dma_start3A_59 = tpu.memref_slice %arg2[%arg0, %dma_start3A_57, %dma_start3A_58] : memref<2x10000x32xf32, #tpu.memory_space<hbm>> -> memref<1x10000x32xf32, #tpu.memory_space<hbm>>
      %dma_start3A_60 = tpu.memref_squeeze %dma_start3A_59 : memref<1x10000x32xf32, #tpu.memory_space<hbm>> -> memref<10000x32xf32, #tpu.memory_space<hbm>>
      %dma_start3A_61 = arith.constant 0 : i32
      %dma_start3A_62 = arith.constant 0 : i32
      %dma_start3A_63 = tpu.memref_slice %dma_start3A_60[%dma_start3A_61, %dma_start3A_62] : memref<10000x32xf32, #tpu.memory_space<hbm>> -> memref<10000x32xf32, #tpu.memory_space<hbm>>
      tpu.enqueue_indirect_dma source(%dma_start3A_63 : memref<10000x32xf32, #tpu.memory_space<hbm>>) target(%dma_start3A_53 : memref<128x32xf32, #tpu.memory_space<vmem>>) offsets(%dma_start3A_56 : memref<128xi32, #tpu.memory_space<vmem>>) semaphore(%arg11 : memref<!tpu.dma_semaphore, #tpu.memory_space<semaphore_mem>>)
    } else {
    }
    %gt3A_7 = arith.constant 1 : i32
    %gt3A_8 = arith.cmpi sgt, %min3A, %gt3A_7 : i32
    %convert_element_type3A_9 = arith.extui %gt3A_8 : i1 to i32
    %cond3A_10 = arith.constant 0 : i32
    %cond3A_11 = arith.cmpi ne, %convert_element_type3A_9, %cond3A_10 : i32
    scf.if %cond3A_11 {
      %dma_start3A = arith.constant 1 : i32
      %dma_start3A_49 = arith.constant 1 : i32
      %dma_start3A_50 = arith.constant 0 : i32
      %dma_start3A_51 = arith.constant 0 : i32
      %dma_start3A_52 = tpu.memref_slice %arg9[%dma_start3A_49, %dma_start3A_50, %dma_start3A_51] : memref<6x128x32xf32, #tpu.memory_space<vmem>> -> memref<1x128x32xf32, #tpu.memory_space<vmem>>
      %dma_start3A_53 = tpu.memref_squeeze %dma_start3A_52 : memref<1x128x32xf32, #tpu.memory_space<vmem>> -> memref<128x32xf32, #tpu.memory_space<vmem>>
      %dma_start3A_54 = arith.constant 0 : i32
      %dma_start3A_55 = tpu.memref_slice %arg7[%dma_start3A, %dma_start3A_54] : memref<79x128xi32, #tpu.memory_space<vmem>> -> memref<1x128xi32, #tpu.memory_space<vmem>>
      %dma_start3A_56 = tpu.memref_squeeze %dma_start3A_55 : memref<1x128xi32, #tpu.memory_space<vmem>> -> memref<128xi32, #tpu.memory_space<vmem>>
      %dma_start3A_57 = arith.constant 0 : i32
      %dma_start3A_58 = arith.constant 0 : i32
      %dma_start3A_59 = tpu.memref_slice %arg2[%arg0, %dma_start3A_57, %dma_start3A_58] : memref<2x10000x32xf32, #tpu.memory_space<hbm>> -> memref<1x10000x32xf32, #tpu.memory_space<hbm>>
      %dma_start3A_60 = tpu.memref_squeeze %dma_start3A_59 : memref<1x10000x32xf32, #tpu.memory_space<hbm>> -> memref<10000x32xf32, #tpu.memory_space<hbm>>
      %dma_start3A_61 = arith.constant 0 : i32
      %dma_start3A_62 = arith.constant 0 : i32
      %dma_start3A_63 = tpu.memref_slice %dma_start3A_60[%dma_start3A_61, %dma_start3A_62] : memref<10000x32xf32, #tpu.memory_space<hbm>> -> memref<10000x32xf32, #tpu.memory_space<hbm>>
      tpu.enqueue_indirect_dma source(%dma_start3A_63 : memref<10000x32xf32, #tpu.memory_space<hbm>>) target(%dma_start3A_53 : memref<128x32xf32, #tpu.memory_space<vmem>>) offsets(%dma_start3A_56 : memref<128xi32, #tpu.memory_space<vmem>>) semaphore(%arg12 : memref<!tpu.dma_semaphore, #tpu.memory_space<semaphore_mem>>)
    } else {
    }
    %gt3A_12 = arith.constant 2 : i32
    %gt3A_13 = arith.cmpi sgt, %min3A, %gt3A_12 : i32
    %convert_element_type3A_14 = arith.extui %gt3A_13 : i1 to i32
    %cond3A_15 = arith.constant 0 : i32
    %cond3A_16 = arith.cmpi ne, %convert_element_type3A_14, %cond3A_15 : i32
    scf.if %cond3A_16 {
      %dma_start3A = arith.constant 2 : i32
      %dma_start3A_49 = arith.constant 2 : i32
      %dma_start3A_50 = arith.constant 0 : i32
      %dma_start3A_51 = arith.constant 0 : i32
      %dma_start3A_52 = tpu.memref_slice %arg9[%dma_start3A_49, %dma_start3A_50, %dma_start3A_51] : memref<6x128x32xf32, #tpu.memory_space<vmem>> -> memref<1x128x32xf32, #tpu.memory_space<vmem>>
      %dma_start3A_53 = tpu.memref_squeeze %dma_start3A_52 : memref<1x128x32xf32, #tpu.memory_space<vmem>> -> memref<128x32xf32, #tpu.memory_space<vmem>>
      %dma_start3A_54 = arith.constant 0 : i32
      %dma_start3A_55 = tpu.memref_slice %arg7[%dma_start3A, %dma_start3A_54] : memref<79x128xi32, #tpu.memory_space<vmem>> -> memref<1x128xi32, #tpu.memory_space<vmem>>
      %dma_start3A_56 = tpu.memref_squeeze %dma_start3A_55 : memref<1x128xi32, #tpu.memory_space<vmem>> -> memref<128xi32, #tpu.memory_space<vmem>>
      %dma_start3A_57 = arith.constant 0 : i32
      %dma_start3A_58 = arith.constant 0 : i32
      %dma_start3A_59 = tpu.memref_slice %arg2[%arg0, %dma_start3A_57, %dma_start3A_58] : memref<2x10000x32xf32, #tpu.memory_space<hbm>> -> memref<1x10000x32xf32, #tpu.memory_space<hbm>>
      %dma_start3A_60 = tpu.memref_squeeze %dma_start3A_59 : memref<1x10000x32xf32, #tpu.memory_space<hbm>> -> memref<10000x32xf32, #tpu.memory_space<hbm>>
      %dma_start3A_61 = arith.constant 0 : i32
      %dma_start3A_62 = arith.constant 0 : i32
      %dma_start3A_63 = tpu.memref_slice %dma_start3A_60[%dma_start3A_61, %dma_start3A_62] : memref<10000x32xf32, #tpu.memory_space<hbm>> -> memref<10000x32xf32, #tpu.memory_space<hbm>>
      tpu.enqueue_indirect_dma source(%dma_start3A_63 : memref<10000x32xf32, #tpu.memory_space<hbm>>) target(%dma_start3A_53 : memref<128x32xf32, #tpu.memory_space<vmem>>) offsets(%dma_start3A_56 : memref<128xi32, #tpu.memory_space<vmem>>) semaphore(%arg13 : memref<!tpu.dma_semaphore, #tpu.memory_space<semaphore_mem>>)
    } else {
    }
    %gt3A_17 = arith.constant 3 : i32
    %gt3A_18 = arith.cmpi sgt, %min3A, %gt3A_17 : i32
    %convert_element_type3A_19 = arith.extui %gt3A_18 : i1 to i32
    %cond3A_20 = arith.constant 0 : i32
    %cond3A_21 = arith.cmpi ne, %convert_element_type3A_19, %cond3A_20 : i32
    scf.if %cond3A_21 {
      %dma_start3A = arith.constant 3 : i32
      %dma_start3A_49 = arith.constant 3 : i32
      %dma_start3A_50 = arith.constant 0 : i32
      %dma_start3A_51 = arith.constant 0 : i32
      %dma_start3A_52 = tpu.memref_slice %arg9[%dma_start3A_49, %dma_start3A_50, %dma_start3A_51] : memref<6x128x32xf32, #tpu.memory_space<vmem>> -> memref<1x128x32xf32, #tpu.memory_space<vmem>>
      %dma_start3A_53 = tpu.memref_squeeze %dma_start3A_52 : memref<1x128x32xf32, #tpu.memory_space<vmem>> -> memref<128x32xf32, #tpu.memory_space<vmem>>
      %dma_start3A_54 = arith.constant 0 : i32
      %dma_start3A_55 = tpu.memref_slice %arg7[%dma_start3A, %dma_start3A_54] : memref<79x128xi32, #tpu.memory_space<vmem>> -> memref<1x128xi32, #tpu.memory_space<vmem>>
      %dma_start3A_56 = tpu.memref_squeeze %dma_start3A_55 : memref<1x128xi32, #tpu.memory_space<vmem>> -> memref<128xi32, #tpu.memory_space<vmem>>
      %dma_start3A_57 = arith.constant 0 : i32
      %dma_start3A_58 = arith.constant 0 : i32
      %dma_start3A_59 = tpu.memref_slice %arg2[%arg0, %dma_start3A_57, %dma_start3A_58] : memref<2x10000x32xf32, #tpu.memory_space<hbm>> -> memref<1x10000x32xf32, #tpu.memory_space<hbm>>
      %dma_start3A_60 = tpu.memref_squeeze %dma_start3A_59 : memref<1x10000x32xf32, #tpu.memory_space<hbm>> -> memref<10000x32xf32, #tpu.memory_space<hbm>>
      %dma_start3A_61 = arith.constant 0 : i32
      %dma_start3A_62 = arith.constant 0 : i32
      %dma_start3A_63 = tpu.memref_slice %dma_start3A_60[%dma_start3A_61, %dma_start3A_62] : memref<10000x32xf32, #tpu.memory_space<hbm>> -> memref<10000x32xf32, #tpu.memory_space<hbm>>
      tpu.enqueue_indirect_dma source(%dma_start3A_63 : memref<10000x32xf32, #tpu.memory_space<hbm>>) target(%dma_start3A_53 : memref<128x32xf32, #tpu.memory_space<vmem>>) offsets(%dma_start3A_56 : memref<128xi32, #tpu.memory_space<vmem>>) semaphore(%arg14 : memref<!tpu.dma_semaphore, #tpu.memory_space<semaphore_mem>>)
    } else {
    }
    %gt3A_22 = arith.constant 4 : i32
    %gt3A_23 = arith.cmpi sgt, %min3A, %gt3A_22 : i32
    %convert_element_type3A_24 = arith.extui %gt3A_23 : i1 to i32
    %cond3A_25 = arith.constant 0 : i32
    %cond3A_26 = arith.cmpi ne, %convert_element_type3A_24, %cond3A_25 : i32
    scf.if %cond3A_26 {
      %dma_start3A = arith.constant 4 : i32
      %dma_start3A_49 = arith.constant 4 : i32
      %dma_start3A_50 = arith.constant 0 : i32
      %dma_start3A_51 = arith.constant 0 : i32
      %dma_start3A_52 = tpu.memref_slice %arg9[%dma_start3A_49, %dma_start3A_50, %dma_start3A_51] : memref<6x128x32xf32, #tpu.memory_space<vmem>> -> memref<1x128x32xf32, #tpu.memory_space<vmem>>
      %dma_start3A_53 = tpu.memref_squeeze %dma_start3A_52 : memref<1x128x32xf32, #tpu.memory_space<vmem>> -> memref<128x32xf32, #tpu.memory_space<vmem>>
      %dma_start3A_54 = arith.constant 0 : i32
      %dma_start3A_55 = tpu.memref_slice %arg7[%dma_start3A, %dma_start3A_54] : memref<79x128xi32, #tpu.memory_space<vmem>> -> memref<1x128xi32, #tpu.memory_space<vmem>>
      %dma_start3A_56 = tpu.memref_squeeze %dma_start3A_55 : memref<1x128xi32, #tpu.memory_space<vmem>> -> memref<128xi32, #tpu.memory_space<vmem>>
      %dma_start3A_57 = arith.constant 0 : i32
      %dma_start3A_58 = arith.constant 0 : i32
      %dma_start3A_59 = tpu.memref_slice %arg2[%arg0, %dma_start3A_57, %dma_start3A_58] : memref<2x10000x32xf32, #tpu.memory_space<hbm>> -> memref<1x10000x32xf32, #tpu.memory_space<hbm>>
      %dma_start3A_60 = tpu.memref_squeeze %dma_start3A_59 : memref<1x10000x32xf32, #tpu.memory_space<hbm>> -> memref<10000x32xf32, #tpu.memory_space<hbm>>
      %dma_start3A_61 = arith.constant 0 : i32
      %dma_start3A_62 = arith.constant 0 : i32
      %dma_start3A_63 = tpu.memref_slice %dma_start3A_60[%dma_start3A_61, %dma_start3A_62] : memref<10000x32xf32, #tpu.memory_space<hbm>> -> memref<10000x32xf32, #tpu.memory_space<hbm>>
      tpu.enqueue_indirect_dma source(%dma_start3A_63 : memref<10000x32xf32, #tpu.memory_space<hbm>>) target(%dma_start3A_53 : memref<128x32xf32, #tpu.memory_space<vmem>>) offsets(%dma_start3A_56 : memref<128xi32, #tpu.memory_space<vmem>>) semaphore(%arg15 : memref<!tpu.dma_semaphore, #tpu.memory_space<semaphore_mem>>)
    } else {
    }
    %gt3A_27 = arith.constant 5 : i32
    %gt3A_28 = arith.cmpi sgt, %min3A, %gt3A_27 : i32
    %convert_element_type3A_29 = arith.extui %gt3A_28 : i1 to i32
    %cond3A_30 = arith.constant 0 : i32
    %cond3A_31 = arith.cmpi ne, %convert_element_type3A_29, %cond3A_30 : i32
    scf.if %cond3A_31 {
      %dma_start3A = arith.constant 5 : i32
      %dma_start3A_49 = arith.constant 5 : i32
      %dma_start3A_50 = arith.constant 0 : i32
      %dma_start3A_51 = arith.constant 0 : i32
      %dma_start3A_52 = tpu.memref_slice %arg9[%dma_start3A_49, %dma_start3A_50, %dma_start3A_51] : memref<6x128x32xf32, #tpu.memory_space<vmem>> -> memref<1x128x32xf32, #tpu.memory_space<vmem>>
      %dma_start3A_53 = tpu.memref_squeeze %dma_start3A_52 : memref<1x128x32xf32, #tpu.memory_space<vmem>> -> memref<128x32xf32, #tpu.memory_space<vmem>>
      %dma_start3A_54 = arith.constant 0 : i32
      %dma_start3A_55 = tpu.memref_slice %arg7[%dma_start3A, %dma_start3A_54] : memref<79x128xi32, #tpu.memory_space<vmem>> -> memref<1x128xi32, #tpu.memory_space<vmem>>
      %dma_start3A_56 = tpu.memref_squeeze %dma_start3A_55 : memref<1x128xi32, #tpu.memory_space<vmem>> -> memref<128xi32, #tpu.memory_space<vmem>>
      %dma_start3A_57 = arith.constant 0 : i32
      %dma_start3A_58 = arith.constant 0 : i32
      %dma_start3A_59 = tpu.memref_slice %arg2[%arg0, %dma_start3A_57, %dma_start3A_58] : memref<2x10000x32xf32, #tpu.memory_space<hbm>> -> memref<1x10000x32xf32, #tpu.memory_space<hbm>>
      %dma_start3A_60 = tpu.memref_squeeze %dma_start3A_59 : memref<1x10000x32xf32, #tpu.memory_space<hbm>> -> memref<10000x32xf32, #tpu.memory_space<hbm>>
      %dma_start3A_61 = arith.constant 0 : i32
      %dma_start3A_62 = arith.constant 0 : i32
      %dma_start3A_63 = tpu.memref_slice %dma_start3A_60[%dma_start3A_61, %dma_start3A_62] : memref<10000x32xf32, #tpu.memory_space<hbm>> -> memref<10000x32xf32, #tpu.memory_space<hbm>>
      tpu.enqueue_indirect_dma source(%dma_start3A_63 : memref<10000x32xf32, #tpu.memory_space<hbm>>) target(%dma_start3A_53 : memref<128x32xf32, #tpu.memory_space<vmem>>) offsets(%dma_start3A_56 : memref<128xi32, #tpu.memory_space<vmem>>) semaphore(%arg16 : memref<!tpu.dma_semaphore, #tpu.memory_space<semaphore_mem>>)
    } else {
    }
    "tpu.region"() ({
      %run_scoped3A = tpu.sem_alloc : memref<!tpu.dma_semaphore, #tpu.memory_space<semaphore_mem>>
      %dma_start3A = arith.constant 0 : i32
      %dma_start3A_49 = tpu.memref_slice %arg10[%mul3A_0, %dma_start3A] : memref<10000x32xf32, #tpu.memory_space<vmem_shared>> -> memref<624x32xf32, #tpu.memory_space<vmem_shared>>
      %dma_start3A_50 = arith.constant 0 : i32
      %dma_start3A_51 = tpu.memref_slice %arg5[%mul3A_0, %dma_start3A_50] : memref<10000x32xf32, #tpu.memory_space<hbm>> -> memref<624x32xf32, #tpu.memory_space<hbm>>
      tpu.enqueue_dma source(%dma_start3A_51 : memref<624x32xf32, #tpu.memory_space<hbm>>) target(%dma_start3A_49 : memref<624x32xf32, #tpu.memory_space<vmem_shared>>) target_semaphore(%run_scoped3A : memref<!tpu.dma_semaphore, #tpu.memory_space<semaphore_mem>>)
      %dma_wait3A = arith.constant 0 : i32
      %dma_wait3A_52 = tpu.memref_slice %arg10[%mul3A_0, %dma_wait3A] : memref<10000x32xf32, #tpu.memory_space<vmem_shared>> -> memref<624x32xf32, #tpu.memory_space<vmem_shared>>
      %dma_wait3A_53 = arith.constant 0 : i32
      %dma_wait3A_54 = tpu.memref_slice %arg5[%mul3A_0, %dma_wait3A_53] : memref<10000x32xf32, #tpu.memory_space<hbm>> -> memref<624x32xf32, #tpu.memory_space<hbm>>
      tpu.wait_dma2 semaphore(%run_scoped3A : memref<!tpu.dma_semaphore, #tpu.memory_space<semaphore_mem>>) src(%dma_wait3A_54 : memref<624x32xf32, #tpu.memory_space<hbm>>) dst(%dma_wait3A_52 : memref<624x32xf32, #tpu.memory_space<vmem_shared>>)
      tpu.yield
    }) : () -> ()
    %eq3A = arith.constant 15 : i32
    %eq3A_32 = arith.cmpi eq, %arg1, %eq3A : i32
    %convert_element_type3A_33 = arith.extui %eq3A_32 : i1 to i32
    %cond3A_34 = arith.constant 0 : i32
    %cond3A_35 = arith.cmpi ne, %convert_element_type3A_33, %cond3A_34 : i32
    scf.if %cond3A_35 {
      "tpu.region"() ({
        %run_scoped3A = tpu.sem_alloc : memref<!tpu.dma_semaphore, #tpu.memory_space<semaphore_mem>>
        %dma_start3A = arith.constant 9984 : i32
        %dma_start3A_49 = arith.constant 0 : i32
        %dma_start3A_50 = tpu.memref_slice %arg10[%dma_start3A, %dma_start3A_49] : memref<10000x32xf32, #tpu.memory_space<vmem_shared>> -> memref<16x32xf32, #tpu.memory_space<vmem_shared>>
        %dma_start3A_51 = arith.constant 9984 : i32
        %dma_start3A_52 = arith.constant 0 : i32
        %dma_start3A_53 = tpu.memref_slice %arg5[%dma_start3A_51, %dma_start3A_52] : memref<10000x32xf32, #tpu.memory_space<hbm>> -> memref<16x32xf32, #tpu.memory_space<hbm>>
        tpu.enqueue_dma source(%dma_start3A_53 : memref<16x32xf32, #tpu.memory_space<hbm>>) target(%dma_start3A_50 : memref<16x32xf32, #tpu.memory_space<vmem_shared>>) target_semaphore(%run_scoped3A : memref<!tpu.dma_semaphore, #tpu.memory_space<semaphore_mem>>)
        %dma_wait3A = arith.constant 9984 : i32
        %dma_wait3A_54 = arith.constant 0 : i32
        %dma_wait3A_55 = tpu.memref_slice %arg10[%dma_wait3A, %dma_wait3A_54] : memref<10000x32xf32, #tpu.memory_space<vmem_shared>> -> memref<16x32xf32, #tpu.memory_space<vmem_shared>>
        %dma_wait3A_56 = arith.constant 9984 : i32
        %dma_wait3A_57 = arith.constant 0 : i32
        %dma_wait3A_58 = tpu.memref_slice %arg5[%dma_wait3A_56, %dma_wait3A_57] : memref<10000x32xf32, #tpu.memory_space<hbm>> -> memref<16x32xf32, #tpu.memory_space<hbm>>
        tpu.wait_dma2 semaphore(%run_scoped3A : memref<!tpu.dma_semaphore, #tpu.memory_space<semaphore_mem>>) src(%dma_wait3A_58 : memref<16x32xf32, #tpu.memory_space<hbm>>) dst(%dma_wait3A_55 : memref<16x32xf32, #tpu.memory_space<vmem_shared>>)
        tpu.yield
      }) : () -> ()
    } else {
    }
    %barrier3A = arith.constant 0 : index
    tpu.barrier barrier_id(%barrier3A)
    %scan3A = arith.constant 0 : i32
    %scan3A_36 = arith.constant 0 : i32
    %scan3A_37 = arith.constant 14 : i32
    %scan3A_38 = arith.addi %scan3A_36, %scan3A_37 : i32
    %scan3A_39 = arith.constant 1 : i32
    scf.for %scan3A_49 = %scan3A_36 to %scan3A_38 step %scan3A_39  : i32 {
      %mul3A_50 = arith.constant 6 : i32
      %mul3A_51 = arith.muli %scan3A_49, %mul3A_50 : i32
      %add3A = arith.constant 0 : i32
      %add3A_52 = arith.addi %mul3A_51, %add3A : i32
      %add3A_53 = arith.constant 1 : i32
      %add3A_54 = arith.addi %scan3A_49, %add3A_53 : i32
      %mul3A_55 = arith.constant 6 : i32
      %mul3A_56 = arith.muli %add3A_54, %mul3A_55 : i32
      %add3A_57 = arith.constant 0 : i32
      %add3A_58 = arith.addi %mul3A_56, %add3A_57 : i32
      %lt3A = arith.cmpi slt, %add3A_52, %min3A : i32
      %convert_element_type3A_59 = arith.extui %lt3A : i1 to i32
      %cond3A_60 = arith.constant 0 : i32
      %cond3A_61 = arith.cmpi ne, %convert_element_type3A_59, %cond3A_60 : i32
      scf.if %cond3A_61 {
        %dma_wait3A = arith.constant 0 : i32
        %dma_wait3A_156 = arith.constant 0 : i32
        %dma_wait3A_157 = arith.constant 0 : i32
        %dma_wait3A_158 = tpu.memref_slice %arg9[%dma_wait3A, %dma_wait3A_156, %dma_wait3A_157] : memref<6x128x32xf32, #tpu.memory_space<vmem>> -> memref<1x128x32xf32, #tpu.memory_space<vmem>>
        %dma_wait3A_159 = tpu.memref_squeeze %dma_wait3A_158 : memref<1x128x32xf32, #tpu.memory_space<vmem>> -> memref<128x32xf32, #tpu.memory_space<vmem>>
        %dma_wait3A_160 = arith.constant 0 : i32
        %dma_wait3A_161 = arith.constant 0 : i32
        %dma_wait3A_162 = tpu.memref_slice %arg2[%arg0, %dma_wait3A_160, %dma_wait3A_161] : memref<2x10000x32xf32, #tpu.memory_space<hbm>> -> memref<1x10000x32xf32, #tpu.memory_space<hbm>>
        %dma_wait3A_163 = tpu.memref_squeeze %dma_wait3A_162 : memref<1x10000x32xf32, #tpu.memory_space<hbm>> -> memref<10000x32xf32, #tpu.memory_space<hbm>>
        %dma_wait3A_164 = arith.constant 0 : i32
        %dma_wait3A_165 = arith.constant 0 : i32
        %dma_wait3A_166 = tpu.memref_slice %dma_wait3A_163[%dma_wait3A_164, %dma_wait3A_165] : memref<10000x32xf32, #tpu.memory_space<hbm>> -> memref<128x32xf32, #tpu.memory_space<hbm>>
        %dma_wait3A_167 = arith.constant 0 : i32
        %dma_wait3A_168 = arith.constant 0 : i32
        %dma_wait3A_169 = tpu.memref_slice %arg9[%dma_wait3A, %dma_wait3A_167, %dma_wait3A_168] : memref<6x128x32xf32, #tpu.memory_space<vmem>> -> memref<1x128x32xf32, #tpu.memory_space<vmem>>
        %dma_wait3A_170 = tpu.memref_squeeze %dma_wait3A_169 : memref<1x128x32xf32, #tpu.memory_space<vmem>> -> memref<128x32xf32, #tpu.memory_space<vmem>>
        %dma_wait3A_171 = arith.constant 0 : i32
        %dma_wait3A_172 = arith.constant 0 : i32
        %dma_wait3A_173 = tpu.memref_slice %arg2[%arg0, %dma_wait3A_171, %dma_wait3A_172] : memref<2x10000x32xf32, #tpu.memory_space<hbm>> -> memref<1x10000x32xf32, #tpu.memory_space<hbm>>
        %dma_wait3A_174 = tpu.memref_squeeze %dma_wait3A_173 : memref<1x10000x32xf32, #tpu.memory_space<hbm>> -> memref<10000x32xf32, #tpu.memory_space<hbm>>
        %dma_wait3A_175 = arith.constant 0 : i32
        %dma_wait3A_176 = arith.constant 0 : i32
        %dma_wait3A_177 = tpu.memref_slice %dma_wait3A_174[%dma_wait3A_175, %dma_wait3A_176] : memref<10000x32xf32, #tpu.memory_space<hbm>> -> memref<128x32xf32, #tpu.memory_space<hbm>>
        tpu.wait_dma2 semaphore(%arg11 : memref<!tpu.dma_semaphore, #tpu.memory_space<semaphore_mem>>) src(%dma_wait3A_177 : memref<128x32xf32, #tpu.memory_space<hbm>>) dst(%dma_wait3A_170 : memref<128x32xf32, #tpu.memory_space<vmem>>)
        %run_scoped3A = arith.constant 0 : i32
        "tpu.region"() ({
          %run_scoped3A_178 = tpu.sem_alloc : memref<!tpu.dma_semaphore, #tpu.memory_space<semaphore_mem>>
          %dma_start3A = arith.constant 0 : i32
          %dma_start3A_179 = arith.constant 0 : i32
          %dma_start3A_180 = tpu.memref_slice %arg9[%run_scoped3A, %dma_start3A, %dma_start3A_179] : memref<6x128x32xf32, #tpu.memory_space<vmem>> -> memref<1x128x32xf32, #tpu.memory_space<vmem>>
          %dma_start3A_181 = tpu.memref_squeeze %dma_start3A_180 : memref<1x128x32xf32, #tpu.memory_space<vmem>> -> memref<128x32xf32, #tpu.memory_space<vmem>>
          %dma_start3A_182 = arith.constant 0 : i32
          %dma_start3A_183 = tpu.memref_slice %arg8[%add3A_52, %dma_start3A_182] : memref<79x128xi32, #tpu.memory_space<vmem>> -> memref<1x128xi32, #tpu.memory_space<vmem>>
          %dma_start3A_184 = tpu.memref_squeeze %dma_start3A_183 : memref<1x128xi32, #tpu.memory_space<vmem>> -> memref<128xi32, #tpu.memory_space<vmem>>
          %dma_start3A_185 = arith.constant 0 : i32
          %dma_start3A_186 = arith.constant 0 : i32
          %dma_start3A_187 = tpu.memref_slice %arg10[%dma_start3A_185, %dma_start3A_186] : memref<10000x32xf32, #tpu.memory_space<vmem_shared>> -> memref<10000x32xf32, #tpu.memory_space<vmem_shared>>
          tpu.enqueue_indirect_dma source(%dma_start3A_181 : memref<128x32xf32, #tpu.memory_space<vmem>>) target(%dma_start3A_187 : memref<10000x32xf32, #tpu.memory_space<vmem_shared>>) offsets(%dma_start3A_184 : memref<128xi32, #tpu.memory_space<vmem>>) semaphore(%run_scoped3A_178 : memref<!tpu.dma_semaphore, #tpu.memory_space<semaphore_mem>>) {add = true}
          %dma_wait3A_188 = arith.constant 0 : i32
          %dma_wait3A_189 = arith.constant 0 : i32
          %dma_wait3A_190 = tpu.memref_slice %arg9[%run_scoped3A, %dma_wait3A_188, %dma_wait3A_189] : memref<6x128x32xf32, #tpu.memory_space<vmem>> -> memref<1x128x32xf32, #tpu.memory_space<vmem>>
          %dma_wait3A_191 = tpu.memref_squeeze %dma_wait3A_190 : memref<1x128x32xf32, #tpu.memory_space<vmem>> -> memref<128x32xf32, #tpu.memory_space<vmem>>
          %dma_wait3A_192 = arith.constant 0 : i32
          %dma_wait3A_193 = tpu.memref_slice %arg8[%add3A_52, %dma_wait3A_192] : memref<79x128xi32, #tpu.memory_space<vmem>> -> memref<1x128xi32, #tpu.memory_space<vmem>>
          %dma_wait3A_194 = tpu.memref_squeeze %dma_wait3A_193 : memref<1x128xi32, #tpu.memory_space<vmem>> -> memref<128xi32, #tpu.memory_space<vmem>>
          %dma_wait3A_195 = arith.constant 0 : i32
          %dma_wait3A_196 = arith.constant 0 : i32
          %dma_wait3A_197 = tpu.memref_slice %arg10[%dma_wait3A_195, %dma_wait3A_196] : memref<10000x32xf32, #tpu.memory_space<vmem_shared>> -> memref<10000x32xf32, #tpu.memory_space<vmem_shared>>
          tpu.wait_indirect_dma semaphore(%run_scoped3A_178 : memref<!tpu.dma_semaphore, #tpu.memory_space<semaphore_mem>>) src(%dma_wait3A_191 : memref<128x32xf32, #tpu.memory_space<vmem>>) dst(%dma_wait3A_197 : memref<10000x32xf32, #tpu.memory_space<vmem_shared>>)
          tpu.yield
        }) : () -> ()
      } else {
      }
      %lt3A_62 = arith.cmpi slt, %add3A_58, %min3A : i32
      %convert_element_type3A_63 = arith.extui %lt3A_62 : i1 to i32
      %cond3A_64 = arith.constant 0 : i32
      %cond3A_65 = arith.cmpi ne, %convert_element_type3A_63, %cond3A_64 : i32
      scf.if %cond3A_65 {
        %dma_start3A = arith.constant 0 : i32
        %dma_start3A_156 = arith.constant 0 : i32
        %dma_start3A_157 = arith.constant 0 : i32
        %dma_start3A_158 = tpu.memref_slice %arg9[%dma_start3A, %dma_start3A_156, %dma_start3A_157] : memref<6x128x32xf32, #tpu.memory_space<vmem>> -> memref<1x128x32xf32, #tpu.memory_space<vmem>>
        %dma_start3A_159 = tpu.memref_squeeze %dma_start3A_158 : memref<1x128x32xf32, #tpu.memory_space<vmem>> -> memref<128x32xf32, #tpu.memory_space<vmem>>
        %dma_start3A_160 = arith.constant 0 : i32
        %dma_start3A_161 = tpu.memref_slice %arg7[%add3A_58, %dma_start3A_160] : memref<79x128xi32, #tpu.memory_space<vmem>> -> memref<1x128xi32, #tpu.memory_space<vmem>>
        %dma_start3A_162 = tpu.memref_squeeze %dma_start3A_161 : memref<1x128xi32, #tpu.memory_space<vmem>> -> memref<128xi32, #tpu.memory_space<vmem>>
        %dma_start3A_163 = arith.constant 0 : i32
        %dma_start3A_164 = arith.constant 0 : i32
        %dma_start3A_165 = tpu.memref_slice %arg2[%arg0, %dma_start3A_163, %dma_start3A_164] : memref<2x10000x32xf32, #tpu.memory_space<hbm>> -> memref<1x10000x32xf32, #tpu.memory_space<hbm>>
        %dma_start3A_166 = tpu.memref_squeeze %dma_start3A_165 : memref<1x10000x32xf32, #tpu.memory_space<hbm>> -> memref<10000x32xf32, #tpu.memory_space<hbm>>
        %dma_start3A_167 = arith.constant 0 : i32
        %dma_start3A_168 = arith.constant 0 : i32
        %dma_start3A_169 = tpu.memref_slice %dma_start3A_166[%dma_start3A_167, %dma_start3A_168] : memref<10000x32xf32, #tpu.memory_space<hbm>> -> memref<10000x32xf32, #tpu.memory_space<hbm>>
        tpu.enqueue_indirect_dma source(%dma_start3A_169 : memref<10000x32xf32, #tpu.memory_space<hbm>>) target(%dma_start3A_159 : memref<128x32xf32, #tpu.memory_space<vmem>>) offsets(%dma_start3A_162 : memref<128xi32, #tpu.memory_space<vmem>>) semaphore(%arg11 : memref<!tpu.dma_semaphore, #tpu.memory_space<semaphore_mem>>)
      } else {
      }
      %mul3A_66 = arith.constant 6 : i32
      %mul3A_67 = arith.muli %scan3A_49, %mul3A_66 : i32
      %add3A_68 = arith.constant 1 : i32
      %add3A_69 = arith.addi %mul3A_67, %add3A_68 : i32
      %add3A_70 = arith.constant 1 : i32
      %add3A_71 = arith.addi %scan3A_49, %add3A_70 : i32
      %mul3A_72 = arith.constant 6 : i32
      %mul3A_73 = arith.muli %add3A_71, %mul3A_72 : i32
      %add3A_74 = arith.constant 1 : i32
      %add3A_75 = arith.addi %mul3A_73, %add3A_74 : i32
      %lt3A_76 = arith.cmpi slt, %add3A_69, %min3A : i32
      %convert_element_type3A_77 = arith.extui %lt3A_76 : i1 to i32
      %cond3A_78 = arith.constant 0 : i32
      %cond3A_79 = arith.cmpi ne, %convert_element_type3A_77, %cond3A_78 : i32
      scf.if %cond3A_79 {
        %dma_wait3A = arith.constant 1 : i32
        %dma_wait3A_156 = arith.constant 0 : i32
        %dma_wait3A_157 = arith.constant 0 : i32
        %dma_wait3A_158 = tpu.memref_slice %arg9[%dma_wait3A, %dma_wait3A_156, %dma_wait3A_157] : memref<6x128x32xf32, #tpu.memory_space<vmem>> -> memref<1x128x32xf32, #tpu.memory_space<vmem>>
        %dma_wait3A_159 = tpu.memref_squeeze %dma_wait3A_158 : memref<1x128x32xf32, #tpu.memory_space<vmem>> -> memref<128x32xf32, #tpu.memory_space<vmem>>
        %dma_wait3A_160 = arith.constant 0 : i32
        %dma_wait3A_161 = arith.constant 0 : i32
        %dma_wait3A_162 = tpu.memref_slice %arg2[%arg0, %dma_wait3A_160, %dma_wait3A_161] : memref<2x10000x32xf32, #tpu.memory_space<hbm>> -> memref<1x10000x32xf32, #tpu.memory_space<hbm>>
        %dma_wait3A_163 = tpu.memref_squeeze %dma_wait3A_162 : memref<1x10000x32xf32, #tpu.memory_space<hbm>> -> memref<10000x32xf32, #tpu.memory_space<hbm>>
        %dma_wait3A_164 = arith.constant 0 : i32
        %dma_wait3A_165 = arith.constant 0 : i32
        %dma_wait3A_166 = tpu.memref_slice %dma_wait3A_163[%dma_wait3A_164, %dma_wait3A_165] : memref<10000x32xf32, #tpu.memory_space<hbm>> -> memref<128x32xf32, #tpu.memory_space<hbm>>
        %dma_wait3A_167 = arith.constant 0 : i32
        %dma_wait3A_168 = arith.constant 0 : i32
        %dma_wait3A_169 = tpu.memref_slice %arg9[%dma_wait3A, %dma_wait3A_167, %dma_wait3A_168] : memref<6x128x32xf32, #tpu.memory_space<vmem>> -> memref<1x128x32xf32, #tpu.memory_space<vmem>>
        %dma_wait3A_170 = tpu.memref_squeeze %dma_wait3A_169 : memref<1x128x32xf32, #tpu.memory_space<vmem>> -> memref<128x32xf32, #tpu.memory_space<vmem>>
        %dma_wait3A_171 = arith.constant 0 : i32
        %dma_wait3A_172 = arith.constant 0 : i32
        %dma_wait3A_173 = tpu.memref_slice %arg2[%arg0, %dma_wait3A_171, %dma_wait3A_172] : memref<2x10000x32xf32, #tpu.memory_space<hbm>> -> memref<1x10000x32xf32, #tpu.memory_space<hbm>>
        %dma_wait3A_174 = tpu.memref_squeeze %dma_wait3A_173 : memref<1x10000x32xf32, #tpu.memory_space<hbm>> -> memref<10000x32xf32, #tpu.memory_space<hbm>>
        %dma_wait3A_175 = arith.constant 0 : i32
        %dma_wait3A_176 = arith.constant 0 : i32
        %dma_wait3A_177 = tpu.memref_slice %dma_wait3A_174[%dma_wait3A_175, %dma_wait3A_176] : memref<10000x32xf32, #tpu.memory_space<hbm>> -> memref<128x32xf32, #tpu.memory_space<hbm>>
        tpu.wait_dma2 semaphore(%arg12 : memref<!tpu.dma_semaphore, #tpu.memory_space<semaphore_mem>>) src(%dma_wait3A_177 : memref<128x32xf32, #tpu.memory_space<hbm>>) dst(%dma_wait3A_170 : memref<128x32xf32, #tpu.memory_space<vmem>>)
        %run_scoped3A = arith.constant 1 : i32
        "tpu.region"() ({
          %run_scoped3A_178 = tpu.sem_alloc : memref<!tpu.dma_semaphore, #tpu.memory_space<semaphore_mem>>
          %dma_start3A = arith.constant 0 : i32
          %dma_start3A_179 = arith.constant 0 : i32
          %dma_start3A_180 = tpu.memref_slice %arg9[%run_scoped3A, %dma_start3A, %dma_start3A_179] : memref<6x128x32xf32, #tpu.memory_space<vmem>> -> memref<1x128x32xf32, #tpu.memory_space<vmem>>
          %dma_start3A_181 = tpu.memref_squeeze %dma_start3A_180 : memref<1x128x32xf32, #tpu.memory_space<vmem>> -> memref<128x32xf32, #tpu.memory_space<vmem>>
          %dma_start3A_182 = arith.constant 0 : i32
          %dma_start3A_183 = tpu.memref_slice %arg8[%add3A_69, %dma_start3A_182] : memref<79x128xi32, #tpu.memory_space<vmem>> -> memref<1x128xi32, #tpu.memory_space<vmem>>
          %dma_start3A_184 = tpu.memref_squeeze %dma_start3A_183 : memref<1x128xi32, #tpu.memory_space<vmem>> -> memref<128xi32, #tpu.memory_space<vmem>>
          %dma_start3A_185 = arith.constant 0 : i32
          %dma_start3A_186 = arith.constant 0 : i32
          %dma_start3A_187 = tpu.memref_slice %arg10[%dma_start3A_185, %dma_start3A_186] : memref<10000x32xf32, #tpu.memory_space<vmem_shared>> -> memref<10000x32xf32, #tpu.memory_space<vmem_shared>>
          tpu.enqueue_indirect_dma source(%dma_start3A_181 : memref<128x32xf32, #tpu.memory_space<vmem>>) target(%dma_start3A_187 : memref<10000x32xf32, #tpu.memory_space<vmem_shared>>) offsets(%dma_start3A_184 : memref<128xi32, #tpu.memory_space<vmem>>) semaphore(%run_scoped3A_178 : memref<!tpu.dma_semaphore, #tpu.memory_space<semaphore_mem>>) {add = true}
          %dma_wait3A_188 = arith.constant 0 : i32
          %dma_wait3A_189 = arith.constant 0 : i32
          %dma_wait3A_190 = tpu.memref_slice %arg9[%run_scoped3A, %dma_wait3A_188, %dma_wait3A_189] : memref<6x128x32xf32, #tpu.memory_space<vmem>> -> memref<1x128x32xf32, #tpu.memory_space<vmem>>
          %dma_wait3A_191 = tpu.memref_squeeze %dma_wait3A_190 : memref<1x128x32xf32, #tpu.memory_space<vmem>> -> memref<128x32xf32, #tpu.memory_space<vmem>>
          %dma_wait3A_192 = arith.constant 0 : i32
          %dma_wait3A_193 = tpu.memref_slice %arg8[%add3A_69, %dma_wait3A_192] : memref<79x128xi32, #tpu.memory_space<vmem>> -> memref<1x128xi32, #tpu.memory_space<vmem>>
          %dma_wait3A_194 = tpu.memref_squeeze %dma_wait3A_193 : memref<1x128xi32, #tpu.memory_space<vmem>> -> memref<128xi32, #tpu.memory_space<vmem>>
          %dma_wait3A_195 = arith.constant 0 : i32
          %dma_wait3A_196 = arith.constant 0 : i32
          %dma_wait3A_197 = tpu.memref_slice %arg10[%dma_wait3A_195, %dma_wait3A_196] : memref<10000x32xf32, #tpu.memory_space<vmem_shared>> -> memref<10000x32xf32, #tpu.memory_space<vmem_shared>>
          tpu.wait_indirect_dma semaphore(%run_scoped3A_178 : memref<!tpu.dma_semaphore, #tpu.memory_space<semaphore_mem>>) src(%dma_wait3A_191 : memref<128x32xf32, #tpu.memory_space<vmem>>) dst(%dma_wait3A_197 : memref<10000x32xf32, #tpu.memory_space<vmem_shared>>)
          tpu.yield
        }) : () -> ()
      } else {
      }
      %lt3A_80 = arith.cmpi slt, %add3A_75, %min3A : i32
      %convert_element_type3A_81 = arith.extui %lt3A_80 : i1 to i32
      %cond3A_82 = arith.constant 0 : i32
      %cond3A_83 = arith.cmpi ne, %convert_element_type3A_81, %cond3A_82 : i32
      scf.if %cond3A_83 {
        %dma_start3A = arith.constant 1 : i32
        %dma_start3A_156 = arith.constant 0 : i32
        %dma_start3A_157 = arith.constant 0 : i32
        %dma_start3A_158 = tpu.memref_slice %arg9[%dma_start3A, %dma_start3A_156, %dma_start3A_157] : memref<6x128x32xf32, #tpu.memory_space<vmem>> -> memref<1x128x32xf32, #tpu.memory_space<vmem>>
        %dma_start3A_159 = tpu.memref_squeeze %dma_start3A_158 : memref<1x128x32xf32, #tpu.memory_space<vmem>> -> memref<128x32xf32, #tpu.memory_space<vmem>>
        %dma_start3A_160 = arith.constant 0 : i32
        %dma_start3A_161 = tpu.memref_slice %arg7[%add3A_75, %dma_start3A_160] : memref<79x128xi32, #tpu.memory_space<vmem>> -> memref<1x128xi32, #tpu.memory_space<vmem>>
        %dma_start3A_162 = tpu.memref_squeeze %dma_start3A_161 : memref<1x128xi32, #tpu.memory_space<vmem>> -> memref<128xi32, #tpu.memory_space<vmem>>
        %dma_start3A_163 = arith.constant 0 : i32
        %dma_start3A_164 = arith.constant 0 : i32
        %dma_start3A_165 = tpu.memref_slice %arg2[%arg0, %dma_start3A_163, %dma_start3A_164] : memref<2x10000x32xf32, #tpu.memory_space<hbm>> -> memref<1x10000x32xf32, #tpu.memory_space<hbm>>
        %dma_start3A_166 = tpu.memref_squeeze %dma_start3A_165 : memref<1x10000x32xf32, #tpu.memory_space<hbm>> -> memref<10000x32xf32, #tpu.memory_space<hbm>>
        %dma_start3A_167 = arith.constant 0 : i32
        %dma_start3A_168 = arith.constant 0 : i32
        %dma_start3A_169 = tpu.memref_slice %dma_start3A_166[%dma_start3A_167, %dma_start3A_168] : memref<10000x32xf32, #tpu.memory_space<hbm>> -> memref<10000x32xf32, #tpu.memory_space<hbm>>
        tpu.enqueue_indirect_dma source(%dma_start3A_169 : memref<10000x32xf32, #tpu.memory_space<hbm>>) target(%dma_start3A_159 : memref<128x32xf32, #tpu.memory_space<vmem>>) offsets(%dma_start3A_162 : memref<128xi32, #tpu.memory_space<vmem>>) semaphore(%arg12 : memref<!tpu.dma_semaphore, #tpu.memory_space<semaphore_mem>>)
      } else {
      }
      %mul3A_84 = arith.constant 6 : i32
      %mul3A_85 = arith.muli %scan3A_49, %mul3A_84 : i32
      %add3A_86 = arith.constant 2 : i32
      %add3A_87 = arith.addi %mul3A_85, %add3A_86 : i32
      %add3A_88 = arith.constant 1 : i32
      %add3A_89 = arith.addi %scan3A_49, %add3A_88 : i32
      %mul3A_90 = arith.constant 6 : i32
      %mul3A_91 = arith.muli %add3A_89, %mul3A_90 : i32
      %add3A_92 = arith.constant 2 : i32
      %add3A_93 = arith.addi %mul3A_91, %add3A_92 : i32
      %lt3A_94 = arith.cmpi slt, %add3A_87, %min3A : i32
      %convert_element_type3A_95 = arith.extui %lt3A_94 : i1 to i32
      %cond3A_96 = arith.constant 0 : i32
      %cond3A_97 = arith.cmpi ne, %convert_element_type3A_95, %cond3A_96 : i32
      scf.if %cond3A_97 {
        %dma_wait3A = arith.constant 2 : i32
        %dma_wait3A_156 = arith.constant 0 : i32
        %dma_wait3A_157 = arith.constant 0 : i32
        %dma_wait3A_158 = tpu.memref_slice %arg9[%dma_wait3A, %dma_wait3A_156, %dma_wait3A_157] : memref<6x128x32xf32, #tpu.memory_space<vmem>> -> memref<1x128x32xf32, #tpu.memory_space<vmem>>
        %dma_wait3A_159 = tpu.memref_squeeze %dma_wait3A_158 : memref<1x128x32xf32, #tpu.memory_space<vmem>> -> memref<128x32xf32, #tpu.memory_space<vmem>>
        %dma_wait3A_160 = arith.constant 0 : i32
        %dma_wait3A_161 = arith.constant 0 : i32
        %dma_wait3A_162 = tpu.memref_slice %arg2[%arg0, %dma_wait3A_160, %dma_wait3A_161] : memref<2x10000x32xf32, #tpu.memory_space<hbm>> -> memref<1x10000x32xf32, #tpu.memory_space<hbm>>
        %dma_wait3A_163 = tpu.memref_squeeze %dma_wait3A_162 : memref<1x10000x32xf32, #tpu.memory_space<hbm>> -> memref<10000x32xf32, #tpu.memory_space<hbm>>
        %dma_wait3A_164 = arith.constant 0 : i32
        %dma_wait3A_165 = arith.constant 0 : i32
        %dma_wait3A_166 = tpu.memref_slice %dma_wait3A_163[%dma_wait3A_164, %dma_wait3A_165] : memref<10000x32xf32, #tpu.memory_space<hbm>> -> memref<128x32xf32, #tpu.memory_space<hbm>>
        %dma_wait3A_167 = arith.constant 0 : i32
        %dma_wait3A_168 = arith.constant 0 : i32
        %dma_wait3A_169 = tpu.memref_slice %arg9[%dma_wait3A, %dma_wait3A_167, %dma_wait3A_168] : memref<6x128x32xf32, #tpu.memory_space<vmem>> -> memref<1x128x32xf32, #tpu.memory_space<vmem>>
        %dma_wait3A_170 = tpu.memref_squeeze %dma_wait3A_169 : memref<1x128x32xf32, #tpu.memory_space<vmem>> -> memref<128x32xf32, #tpu.memory_space<vmem>>
        %dma_wait3A_171 = arith.constant 0 : i32
        %dma_wait3A_172 = arith.constant 0 : i32
        %dma_wait3A_173 = tpu.memref_slice %arg2[%arg0, %dma_wait3A_171, %dma_wait3A_172] : memref<2x10000x32xf32, #tpu.memory_space<hbm>> -> memref<1x10000x32xf32, #tpu.memory_space<hbm>>
        %dma_wait3A_174 = tpu.memref_squeeze %dma_wait3A_173 : memref<1x10000x32xf32, #tpu.memory_space<hbm>> -> memref<10000x32xf32, #tpu.memory_space<hbm>>
        %dma_wait3A_175 = arith.constant 0 : i32
        %dma_wait3A_176 = arith.constant 0 : i32
        %dma_wait3A_177 = tpu.memref_slice %dma_wait3A_174[%dma_wait3A_175, %dma_wait3A_176] : memref<10000x32xf32, #tpu.memory_space<hbm>> -> memref<128x32xf32, #tpu.memory_space<hbm>>
        tpu.wait_dma2 semaphore(%arg13 : memref<!tpu.dma_semaphore, #tpu.memory_space<semaphore_mem>>) src(%dma_wait3A_177 : memref<128x32xf32, #tpu.memory_space<hbm>>) dst(%dma_wait3A_170 : memref<128x32xf32, #tpu.memory_space<vmem>>)
        %run_scoped3A = arith.constant 2 : i32
        "tpu.region"() ({
          %run_scoped3A_178 = tpu.sem_alloc : memref<!tpu.dma_semaphore, #tpu.memory_space<semaphore_mem>>
          %dma_start3A = arith.constant 0 : i32
          %dma_start3A_179 = arith.constant 0 : i32
          %dma_start3A_180 = tpu.memref_slice %arg9[%run_scoped3A, %dma_start3A, %dma_start3A_179] : memref<6x128x32xf32, #tpu.memory_space<vmem>> -> memref<1x128x32xf32, #tpu.memory_space<vmem>>
          %dma_start3A_181 = tpu.memref_squeeze %dma_start3A_180 : memref<1x128x32xf32, #tpu.memory_space<vmem>> -> memref<128x32xf32, #tpu.memory_space<vmem>>
          %dma_start3A_182 = arith.constant 0 : i32
          %dma_start3A_183 = tpu.memref_slice %arg8[%add3A_87, %dma_start3A_182] : memref<79x128xi32, #tpu.memory_space<vmem>> -> memref<1x128xi32, #tpu.memory_space<vmem>>
          %dma_start3A_184 = tpu.memref_squeeze %dma_start3A_183 : memref<1x128xi32, #tpu.memory_space<vmem>> -> memref<128xi32, #tpu.memory_space<vmem>>
          %dma_start3A_185 = arith.constant 0 : i32
          %dma_start3A_186 = arith.constant 0 : i32
          %dma_start3A_187 = tpu.memref_slice %arg10[%dma_start3A_185, %dma_start3A_186] : memref<10000x32xf32, #tpu.memory_space<vmem_shared>> -> memref<10000x32xf32, #tpu.memory_space<vmem_shared>>
          tpu.enqueue_indirect_dma source(%dma_start3A_181 : memref<128x32xf32, #tpu.memory_space<vmem>>) target(%dma_start3A_187 : memref<10000x32xf32, #tpu.memory_space<vmem_shared>>) offsets(%dma_start3A_184 : memref<128xi32, #tpu.memory_space<vmem>>) semaphore(%run_scoped3A_178 : memref<!tpu.dma_semaphore, #tpu.memory_space<semaphore_mem>>) {add = true}
          %dma_wait3A_188 = arith.constant 0 : i32
          %dma_wait3A_189 = arith.constant 0 : i32
          %dma_wait3A_190 = tpu.memref_slice %arg9[%run_scoped3A, %dma_wait3A_188, %dma_wait3A_189] : memref<6x128x32xf32, #tpu.memory_space<vmem>> -> memref<1x128x32xf32, #tpu.memory_space<vmem>>
          %dma_wait3A_191 = tpu.memref_squeeze %dma_wait3A_190 : memref<1x128x32xf32, #tpu.memory_space<vmem>> -> memref<128x32xf32, #tpu.memory_space<vmem>>
          %dma_wait3A_192 = arith.constant 0 : i32
          %dma_wait3A_193 = tpu.memref_slice %arg8[%add3A_87, %dma_wait3A_192] : memref<79x128xi32, #tpu.memory_space<vmem>> -> memref<1x128xi32, #tpu.memory_space<vmem>>
          %dma_wait3A_194 = tpu.memref_squeeze %dma_wait3A_193 : memref<1x128xi32, #tpu.memory_space<vmem>> -> memref<128xi32, #tpu.memory_space<vmem>>
          %dma_wait3A_195 = arith.constant 0 : i32
          %dma_wait3A_196 = arith.constant 0 : i32
          %dma_wait3A_197 = tpu.memref_slice %arg10[%dma_wait3A_195, %dma_wait3A_196] : memref<10000x32xf32, #tpu.memory_space<vmem_shared>> -> memref<10000x32xf32, #tpu.memory_space<vmem_shared>>
          tpu.wait_indirect_dma semaphore(%run_scoped3A_178 : memref<!tpu.dma_semaphore, #tpu.memory_space<semaphore_mem>>) src(%dma_wait3A_191 : memref<128x32xf32, #tpu.memory_space<vmem>>) dst(%dma_wait3A_197 : memref<10000x32xf32, #tpu.memory_space<vmem_shared>>)
          tpu.yield
        }) : () -> ()
      } else {
      }
      %lt3A_98 = arith.cmpi slt, %add3A_93, %min3A : i32
      %convert_element_type3A_99 = arith.extui %lt3A_98 : i1 to i32
      %cond3A_100 = arith.constant 0 : i32
      %cond3A_101 = arith.cmpi ne, %convert_element_type3A_99, %cond3A_100 : i32
      scf.if %cond3A_101 {
        %dma_start3A = arith.constant 2 : i32
        %dma_start3A_156 = arith.constant 0 : i32
        %dma_start3A_157 = arith.constant 0 : i32
        %dma_start3A_158 = tpu.memref_slice %arg9[%dma_start3A, %dma_start3A_156, %dma_start3A_157] : memref<6x128x32xf32, #tpu.memory_space<vmem>> -> memref<1x128x32xf32, #tpu.memory_space<vmem>>
        %dma_start3A_159 = tpu.memref_squeeze %dma_start3A_158 : memref<1x128x32xf32, #tpu.memory_space<vmem>> -> memref<128x32xf32, #tpu.memory_space<vmem>>
        %dma_start3A_160 = arith.constant 0 : i32
        %dma_start3A_161 = tpu.memref_slice %arg7[%add3A_93, %dma_start3A_160] : memref<79x128xi32, #tpu.memory_space<vmem>> -> memref<1x128xi32, #tpu.memory_space<vmem>>
        %dma_start3A_162 = tpu.memref_squeeze %dma_start3A_161 : memref<1x128xi32, #tpu.memory_space<vmem>> -> memref<128xi32, #tpu.memory_space<vmem>>
        %dma_start3A_163 = arith.constant 0 : i32
        %dma_start3A_164 = arith.constant 0 : i32
        %dma_start3A_165 = tpu.memref_slice %arg2[%arg0, %dma_start3A_163, %dma_start3A_164] : memref<2x10000x32xf32, #tpu.memory_space<hbm>> -> memref<1x10000x32xf32, #tpu.memory_space<hbm>>
        %dma_start3A_166 = tpu.memref_squeeze %dma_start3A_165 : memref<1x10000x32xf32, #tpu.memory_space<hbm>> -> memref<10000x32xf32, #tpu.memory_space<hbm>>
        %dma_start3A_167 = arith.constant 0 : i32
        %dma_start3A_168 = arith.constant 0 : i32
        %dma_start3A_169 = tpu.memref_slice %dma_start3A_166[%dma_start3A_167, %dma_start3A_168] : memref<10000x32xf32, #tpu.memory_space<hbm>> -> memref<10000x32xf32, #tpu.memory_space<hbm>>
        tpu.enqueue_indirect_dma source(%dma_start3A_169 : memref<10000x32xf32, #tpu.memory_space<hbm>>) target(%dma_start3A_159 : memref<128x32xf32, #tpu.memory_space<vmem>>) offsets(%dma_start3A_162 : memref<128xi32, #tpu.memory_space<vmem>>) semaphore(%arg13 : memref<!tpu.dma_semaphore, #tpu.memory_space<semaphore_mem>>)
      } else {
      }
      %mul3A_102 = arith.constant 6 : i32
      %mul3A_103 = arith.muli %scan3A_49, %mul3A_102 : i32
      %add3A_104 = arith.constant 3 : i32
      %add3A_105 = arith.addi %mul3A_103, %add3A_104 : i32
      %add3A_106 = arith.constant 1 : i32
      %add3A_107 = arith.addi %scan3A_49, %add3A_106 : i32
      %mul3A_108 = arith.constant 6 : i32
      %mul3A_109 = arith.muli %add3A_107, %mul3A_108 : i32
      %add3A_110 = arith.constant 3 : i32
      %add3A_111 = arith.addi %mul3A_109, %add3A_110 : i32
      %lt3A_112 = arith.cmpi slt, %add3A_105, %min3A : i32
      %convert_element_type3A_113 = arith.extui %lt3A_112 : i1 to i32
      %cond3A_114 = arith.constant 0 : i32
      %cond3A_115 = arith.cmpi ne, %convert_element_type3A_113, %cond3A_114 : i32
      scf.if %cond3A_115 {
        %dma_wait3A = arith.constant 3 : i32
        %dma_wait3A_156 = arith.constant 0 : i32
        %dma_wait3A_157 = arith.constant 0 : i32
        %dma_wait3A_158 = tpu.memref_slice %arg9[%dma_wait3A, %dma_wait3A_156, %dma_wait3A_157] : memref<6x128x32xf32, #tpu.memory_space<vmem>> -> memref<1x128x32xf32, #tpu.memory_space<vmem>>
        %dma_wait3A_159 = tpu.memref_squeeze %dma_wait3A_158 : memref<1x128x32xf32, #tpu.memory_space<vmem>> -> memref<128x32xf32, #tpu.memory_space<vmem>>
        %dma_wait3A_160 = arith.constant 0 : i32
        %dma_wait3A_161 = arith.constant 0 : i32
        %dma_wait3A_162 = tpu.memref_slice %arg2[%arg0, %dma_wait3A_160, %dma_wait3A_161] : memref<2x10000x32xf32, #tpu.memory_space<hbm>> -> memref<1x10000x32xf32, #tpu.memory_space<hbm>>
        %dma_wait3A_163 = tpu.memref_squeeze %dma_wait3A_162 : memref<1x10000x32xf32, #tpu.memory_space<hbm>> -> memref<10000x32xf32, #tpu.memory_space<hbm>>
        %dma_wait3A_164 = arith.constant 0 : i32
        %dma_wait3A_165 = arith.constant 0 : i32
        %dma_wait3A_166 = tpu.memref_slice %dma_wait3A_163[%dma_wait3A_164, %dma_wait3A_165] : memref<10000x32xf32, #tpu.memory_space<hbm>> -> memref<128x32xf32, #tpu.memory_space<hbm>>
        %dma_wait3A_167 = arith.constant 0 : i32
        %dma_wait3A_168 = arith.constant 0 : i32
        %dma_wait3A_169 = tpu.memref_slice %arg9[%dma_wait3A, %dma_wait3A_167, %dma_wait3A_168] : memref<6x128x32xf32, #tpu.memory_space<vmem>> -> memref<1x128x32xf32, #tpu.memory_space<vmem>>
        %dma_wait3A_170 = tpu.memref_squeeze %dma_wait3A_169 : memref<1x128x32xf32, #tpu.memory_space<vmem>> -> memref<128x32xf32, #tpu.memory_space<vmem>>
        %dma_wait3A_171 = arith.constant 0 : i32
        %dma_wait3A_172 = arith.constant 0 : i32
        %dma_wait3A_173 = tpu.memref_slice %arg2[%arg0, %dma_wait3A_171, %dma_wait3A_172] : memref<2x10000x32xf32, #tpu.memory_space<hbm>> -> memref<1x10000x32xf32, #tpu.memory_space<hbm>>
        %dma_wait3A_174 = tpu.memref_squeeze %dma_wait3A_173 : memref<1x10000x32xf32, #tpu.memory_space<hbm>> -> memref<10000x32xf32, #tpu.memory_space<hbm>>
        %dma_wait3A_175 = arith.constant 0 : i32
        %dma_wait3A_176 = arith.constant 0 : i32
        %dma_wait3A_177 = tpu.memref_slice %dma_wait3A_174[%dma_wait3A_175, %dma_wait3A_176] : memref<10000x32xf32, #tpu.memory_space<hbm>> -> memref<128x32xf32, #tpu.memory_space<hbm>>
        tpu.wait_dma2 semaphore(%arg14 : memref<!tpu.dma_semaphore, #tpu.memory_space<semaphore_mem>>) src(%dma_wait3A_177 : memref<128x32xf32, #tpu.memory_space<hbm>>) dst(%dma_wait3A_170 : memref<128x32xf32, #tpu.memory_space<vmem>>)
        %run_scoped3A = arith.constant 3 : i32
        "tpu.region"() ({
          %run_scoped3A_178 = tpu.sem_alloc : memref<!tpu.dma_semaphore, #tpu.memory_space<semaphore_mem>>
          %dma_start3A = arith.constant 0 : i32
          %dma_start3A_179 = arith.constant 0 : i32
          %dma_start3A_180 = tpu.memref_slice %arg9[%run_scoped3A, %dma_start3A, %dma_start3A_179] : memref<6x128x32xf32, #tpu.memory_space<vmem>> -> memref<1x128x32xf32, #tpu.memory_space<vmem>>
          %dma_start3A_181 = tpu.memref_squeeze %dma_start3A_180 : memref<1x128x32xf32, #tpu.memory_space<vmem>> -> memref<128x32xf32, #tpu.memory_space<vmem>>
          %dma_start3A_182 = arith.constant 0 : i32
          %dma_start3A_183 = tpu.memref_slice %arg8[%add3A_105, %dma_start3A_182] : memref<79x128xi32, #tpu.memory_space<vmem>> -> memref<1x128xi32, #tpu.memory_space<vmem>>
          %dma_start3A_184 = tpu.memref_squeeze %dma_start3A_183 : memref<1x128xi32, #tpu.memory_space<vmem>> -> memref<128xi32, #tpu.memory_space<vmem>>
          %dma_start3A_185 = arith.constant 0 : i32
          %dma_start3A_186 = arith.constant 0 : i32
          %dma_start3A_187 = tpu.memref_slice %arg10[%dma_start3A_185, %dma_start3A_186] : memref<10000x32xf32, #tpu.memory_space<vmem_shared>> -> memref<10000x32xf32, #tpu.memory_space<vmem_shared>>
          tpu.enqueue_indirect_dma source(%dma_start3A_181 : memref<128x32xf32, #tpu.memory_space<vmem>>) target(%dma_start3A_187 : memref<10000x32xf32, #tpu.memory_space<vmem_shared>>) offsets(%dma_start3A_184 : memref<128xi32, #tpu.memory_space<vmem>>) semaphore(%run_scoped3A_178 : memref<!tpu.dma_semaphore, #tpu.memory_space<semaphore_mem>>) {add = true}
          %dma_wait3A_188 = arith.constant 0 : i32
          %dma_wait3A_189 = arith.constant 0 : i32
          %dma_wait3A_190 = tpu.memref_slice %arg9[%run_scoped3A, %dma_wait3A_188, %dma_wait3A_189] : memref<6x128x32xf32, #tpu.memory_space<vmem>> -> memref<1x128x32xf32, #tpu.memory_space<vmem>>
          %dma_wait3A_191 = tpu.memref_squeeze %dma_wait3A_190 : memref<1x128x32xf32, #tpu.memory_space<vmem>> -> memref<128x32xf32, #tpu.memory_space<vmem>>
          %dma_wait3A_192 = arith.constant 0 : i32
          %dma_wait3A_193 = tpu.memref_slice %arg8[%add3A_105, %dma_wait3A_192] : memref<79x128xi32, #tpu.memory_space<vmem>> -> memref<1x128xi32, #tpu.memory_space<vmem>>
          %dma_wait3A_194 = tpu.memref_squeeze %dma_wait3A_193 : memref<1x128xi32, #tpu.memory_space<vmem>> -> memref<128xi32, #tpu.memory_space<vmem>>
          %dma_wait3A_195 = arith.constant 0 : i32
          %dma_wait3A_196 = arith.constant 0 : i32
          %dma_wait3A_197 = tpu.memref_slice %arg10[%dma_wait3A_195, %dma_wait3A_196] : memref<10000x32xf32, #tpu.memory_space<vmem_shared>> -> memref<10000x32xf32, #tpu.memory_space<vmem_shared>>
          tpu.wait_indirect_dma semaphore(%run_scoped3A_178 : memref<!tpu.dma_semaphore, #tpu.memory_space<semaphore_mem>>) src(%dma_wait3A_191 : memref<128x32xf32, #tpu.memory_space<vmem>>) dst(%dma_wait3A_197 : memref<10000x32xf32, #tpu.memory_space<vmem_shared>>)
          tpu.yield
        }) : () -> ()
      } else {
      }
      %lt3A_116 = arith.cmpi slt, %add3A_111, %min3A : i32
      %convert_element_type3A_117 = arith.extui %lt3A_116 : i1 to i32
      %cond3A_118 = arith.constant 0 : i32
      %cond3A_119 = arith.cmpi ne, %convert_element_type3A_117, %cond3A_118 : i32
      scf.if %cond3A_119 {
        %dma_start3A = arith.constant 3 : i32
        %dma_start3A_156 = arith.constant 0 : i32
        %dma_start3A_157 = arith.constant 0 : i32
        %dma_start3A_158 = tpu.memref_slice %arg9[%dma_start3A, %dma_start3A_156, %dma_start3A_157] : memref<6x128x32xf32, #tpu.memory_space<vmem>> -> memref<1x128x32xf32, #tpu.memory_space<vmem>>
        %dma_start3A_159 = tpu.memref_squeeze %dma_start3A_158 : memref<1x128x32xf32, #tpu.memory_space<vmem>> -> memref<128x32xf32, #tpu.memory_space<vmem>>
        %dma_start3A_160 = arith.constant 0 : i32
        %dma_start3A_161 = tpu.memref_slice %arg7[%add3A_111, %dma_start3A_160] : memref<79x128xi32, #tpu.memory_space<vmem>> -> memref<1x128xi32, #tpu.memory_space<vmem>>
        %dma_start3A_162 = tpu.memref_squeeze %dma_start3A_161 : memref<1x128xi32, #tpu.memory_space<vmem>> -> memref<128xi32, #tpu.memory_space<vmem>>
        %dma_start3A_163 = arith.constant 0 : i32
        %dma_start3A_164 = arith.constant 0 : i32
        %dma_start3A_165 = tpu.memref_slice %arg2[%arg0, %dma_start3A_163, %dma_start3A_164] : memref<2x10000x32xf32, #tpu.memory_space<hbm>> -> memref<1x10000x32xf32, #tpu.memory_space<hbm>>
        %dma_start3A_166 = tpu.memref_squeeze %dma_start3A_165 : memref<1x10000x32xf32, #tpu.memory_space<hbm>> -> memref<10000x32xf32, #tpu.memory_space<hbm>>
        %dma_start3A_167 = arith.constant 0 : i32
        %dma_start3A_168 = arith.constant 0 : i32
        %dma_start3A_169 = tpu.memref_slice %dma_start3A_166[%dma_start3A_167, %dma_start3A_168] : memref<10000x32xf32, #tpu.memory_space<hbm>> -> memref<10000x32xf32, #tpu.memory_space<hbm>>
        tpu.enqueue_indirect_dma source(%dma_start3A_169 : memref<10000x32xf32, #tpu.memory_space<hbm>>) target(%dma_start3A_159 : memref<128x32xf32, #tpu.memory_space<vmem>>) offsets(%dma_start3A_162 : memref<128xi32, #tpu.memory_space<vmem>>) semaphore(%arg14 : memref<!tpu.dma_semaphore, #tpu.memory_space<semaphore_mem>>)
      } else {
      }
      %mul3A_120 = arith.constant 6 : i32
      %mul3A_121 = arith.muli %scan3A_49, %mul3A_120 : i32
      %add3A_122 = arith.constant 4 : i32
      %add3A_123 = arith.addi %mul3A_121, %add3A_122 : i32
      %add3A_124 = arith.constant 1 : i32
      %add3A_125 = arith.addi %scan3A_49, %add3A_124 : i32
      %mul3A_126 = arith.constant 6 : i32
      %mul3A_127 = arith.muli %add3A_125, %mul3A_126 : i32
      %add3A_128 = arith.constant 4 : i32
      %add3A_129 = arith.addi %mul3A_127, %add3A_128 : i32
      %lt3A_130 = arith.cmpi slt, %add3A_123, %min3A : i32
      %convert_element_type3A_131 = arith.extui %lt3A_130 : i1 to i32
      %cond3A_132 = arith.constant 0 : i32
      %cond3A_133 = arith.cmpi ne, %convert_element_type3A_131, %cond3A_132 : i32
      scf.if %cond3A_133 {
        %dma_wait3A = arith.constant 4 : i32
        %dma_wait3A_156 = arith.constant 0 : i32
        %dma_wait3A_157 = arith.constant 0 : i32
        %dma_wait3A_158 = tpu.memref_slice %arg9[%dma_wait3A, %dma_wait3A_156, %dma_wait3A_157] : memref<6x128x32xf32, #tpu.memory_space<vmem>> -> memref<1x128x32xf32, #tpu.memory_space<vmem>>
        %dma_wait3A_159 = tpu.memref_squeeze %dma_wait3A_158 : memref<1x128x32xf32, #tpu.memory_space<vmem>> -> memref<128x32xf32, #tpu.memory_space<vmem>>
        %dma_wait3A_160 = arith.constant 0 : i32
        %dma_wait3A_161 = arith.constant 0 : i32
        %dma_wait3A_162 = tpu.memref_slice %arg2[%arg0, %dma_wait3A_160, %dma_wait3A_161] : memref<2x10000x32xf32, #tpu.memory_space<hbm>> -> memref<1x10000x32xf32, #tpu.memory_space<hbm>>
        %dma_wait3A_163 = tpu.memref_squeeze %dma_wait3A_162 : memref<1x10000x32xf32, #tpu.memory_space<hbm>> -> memref<10000x32xf32, #tpu.memory_space<hbm>>
        %dma_wait3A_164 = arith.constant 0 : i32
        %dma_wait3A_165 = arith.constant 0 : i32
        %dma_wait3A_166 = tpu.memref_slice %dma_wait3A_163[%dma_wait3A_164, %dma_wait3A_165] : memref<10000x32xf32, #tpu.memory_space<hbm>> -> memref<128x32xf32, #tpu.memory_space<hbm>>
        %dma_wait3A_167 = arith.constant 0 : i32
        %dma_wait3A_168 = arith.constant 0 : i32
        %dma_wait3A_169 = tpu.memref_slice %arg9[%dma_wait3A, %dma_wait3A_167, %dma_wait3A_168] : memref<6x128x32xf32, #tpu.memory_space<vmem>> -> memref<1x128x32xf32, #tpu.memory_space<vmem>>
        %dma_wait3A_170 = tpu.memref_squeeze %dma_wait3A_169 : memref<1x128x32xf32, #tpu.memory_space<vmem>> -> memref<128x32xf32, #tpu.memory_space<vmem>>
        %dma_wait3A_171 = arith.constant 0 : i32
        %dma_wait3A_172 = arith.constant 0 : i32
        %dma_wait3A_173 = tpu.memref_slice %arg2[%arg0, %dma_wait3A_171, %dma_wait3A_172] : memref<2x10000x32xf32, #tpu.memory_space<hbm>> -> memref<1x10000x32xf32, #tpu.memory_space<hbm>>
        %dma_wait3A_174 = tpu.memref_squeeze %dma_wait3A_173 : memref<1x10000x32xf32, #tpu.memory_space<hbm>> -> memref<10000x32xf32, #tpu.memory_space<hbm>>
        %dma_wait3A_175 = arith.constant 0 : i32
        %dma_wait3A_176 = arith.constant 0 : i32
        %dma_wait3A_177 = tpu.memref_slice %dma_wait3A_174[%dma_wait3A_175, %dma_wait3A_176] : memref<10000x32xf32, #tpu.memory_space<hbm>> -> memref<128x32xf32, #tpu.memory_space<hbm>>
        tpu.wait_dma2 semaphore(%arg15 : memref<!tpu.dma_semaphore, #tpu.memory_space<semaphore_mem>>) src(%dma_wait3A_177 : memref<128x32xf32, #tpu.memory_space<hbm>>) dst(%dma_wait3A_170 : memref<128x32xf32, #tpu.memory_space<vmem>>)
        %run_scoped3A = arith.constant 4 : i32
        "tpu.region"() ({
          %run_scoped3A_178 = tpu.sem_alloc : memref<!tpu.dma_semaphore, #tpu.memory_space<semaphore_mem>>
          %dma_start3A = arith.constant 0 : i32
          %dma_start3A_179 = arith.constant 0 : i32
          %dma_start3A_180 = tpu.memref_slice %arg9[%run_scoped3A, %dma_start3A, %dma_start3A_179] : memref<6x128x32xf32, #tpu.memory_space<vmem>> -> memref<1x128x32xf32, #tpu.memory_space<vmem>>
          %dma_start3A_181 = tpu.memref_squeeze %dma_start3A_180 : memref<1x128x32xf32, #tpu.memory_space<vmem>> -> memref<128x32xf32, #tpu.memory_space<vmem>>
          %dma_start3A_182 = arith.constant 0 : i32
          %dma_start3A_183 = tpu.memref_slice %arg8[%add3A_123, %dma_start3A_182] : memref<79x128xi32, #tpu.memory_space<vmem>> -> memref<1x128xi32, #tpu.memory_space<vmem>>
          %dma_start3A_184 = tpu.memref_squeeze %dma_start3A_183 : memref<1x128xi32, #tpu.memory_space<vmem>> -> memref<128xi32, #tpu.memory_space<vmem>>
          %dma_start3A_185 = arith.constant 0 : i32
          %dma_start3A_186 = arith.constant 0 : i32
          %dma_start3A_187 = tpu.memref_slice %arg10[%dma_start3A_185, %dma_start3A_186] : memref<10000x32xf32, #tpu.memory_space<vmem_shared>> -> memref<10000x32xf32, #tpu.memory_space<vmem_shared>>
          tpu.enqueue_indirect_dma source(%dma_start3A_181 : memref<128x32xf32, #tpu.memory_space<vmem>>) target(%dma_start3A_187 : memref<10000x32xf32, #tpu.memory_space<vmem_shared>>) offsets(%dma_start3A_184 : memref<128xi32, #tpu.memory_space<vmem>>) semaphore(%run_scoped3A_178 : memref<!tpu.dma_semaphore, #tpu.memory_space<semaphore_mem>>) {add = true}
          %dma_wait3A_188 = arith.constant 0 : i32
          %dma_wait3A_189 = arith.constant 0 : i32
          %dma_wait3A_190 = tpu.memref_slice %arg9[%run_scoped3A, %dma_wait3A_188, %dma_wait3A_189] : memref<6x128x32xf32, #tpu.memory_space<vmem>> -> memref<1x128x32xf32, #tpu.memory_space<vmem>>
          %dma_wait3A_191 = tpu.memref_squeeze %dma_wait3A_190 : memref<1x128x32xf32, #tpu.memory_space<vmem>> -> memref<128x32xf32, #tpu.memory_space<vmem>>
          %dma_wait3A_192 = arith.constant 0 : i32
          %dma_wait3A_193 = tpu.memref_slice %arg8[%add3A_123, %dma_wait3A_192] : memref<79x128xi32, #tpu.memory_space<vmem>> -> memref<1x128xi32, #tpu.memory_space<vmem>>
          %dma_wait3A_194 = tpu.memref_squeeze %dma_wait3A_193 : memref<1x128xi32, #tpu.memory_space<vmem>> -> memref<128xi32, #tpu.memory_space<vmem>>
          %dma_wait3A_195 = arith.constant 0 : i32
          %dma_wait3A_196 = arith.constant 0 : i32
          %dma_wait3A_197 = tpu.memref_slice %arg10[%dma_wait3A_195, %dma_wait3A_196] : memref<10000x32xf32, #tpu.memory_space<vmem_shared>> -> memref<10000x32xf32, #tpu.memory_space<vmem_shared>>
          tpu.wait_indirect_dma semaphore(%run_scoped3A_178 : memref<!tpu.dma_semaphore, #tpu.memory_space<semaphore_mem>>) src(%dma_wait3A_191 : memref<128x32xf32, #tpu.memory_space<vmem>>) dst(%dma_wait3A_197 : memref<10000x32xf32, #tpu.memory_space<vmem_shared>>)
          tpu.yield
        }) : () -> ()
      } else {
      }
      %lt3A_134 = arith.cmpi slt, %add3A_129, %min3A : i32
      %convert_element_type3A_135 = arith.extui %lt3A_134 : i1 to i32
      %cond3A_136 = arith.constant 0 : i32
      %cond3A_137 = arith.cmpi ne, %convert_element_type3A_135, %cond3A_136 : i32
      scf.if %cond3A_137 {
        %dma_start3A = arith.constant 4 : i32
        %dma_start3A_156 = arith.constant 0 : i32
        %dma_start3A_157 = arith.constant 0 : i32
        %dma_start3A_158 = tpu.memref_slice %arg9[%dma_start3A, %dma_start3A_156, %dma_start3A_157] : memref<6x128x32xf32, #tpu.memory_space<vmem>> -> memref<1x128x32xf32, #tpu.memory_space<vmem>>
        %dma_start3A_159 = tpu.memref_squeeze %dma_start3A_158 : memref<1x128x32xf32, #tpu.memory_space<vmem>> -> memref<128x32xf32, #tpu.memory_space<vmem>>
        %dma_start3A_160 = arith.constant 0 : i32
        %dma_start3A_161 = tpu.memref_slice %arg7[%add3A_129, %dma_start3A_160] : memref<79x128xi32, #tpu.memory_space<vmem>> -> memref<1x128xi32, #tpu.memory_space<vmem>>
        %dma_start3A_162 = tpu.memref_squeeze %dma_start3A_161 : memref<1x128xi32, #tpu.memory_space<vmem>> -> memref<128xi32, #tpu.memory_space<vmem>>
        %dma_start3A_163 = arith.constant 0 : i32
        %dma_start3A_164 = arith.constant 0 : i32
        %dma_start3A_165 = tpu.memref_slice %arg2[%arg0, %dma_start3A_163, %dma_start3A_164] : memref<2x10000x32xf32, #tpu.memory_space<hbm>> -> memref<1x10000x32xf32, #tpu.memory_space<hbm>>
        %dma_start3A_166 = tpu.memref_squeeze %dma_start3A_165 : memref<1x10000x32xf32, #tpu.memory_space<hbm>> -> memref<10000x32xf32, #tpu.memory_space<hbm>>
        %dma_start3A_167 = arith.constant 0 : i32
        %dma_start3A_168 = arith.constant 0 : i32
        %dma_start3A_169 = tpu.memref_slice %dma_start3A_166[%dma_start3A_167, %dma_start3A_168] : memref<10000x32xf32, #tpu.memory_space<hbm>> -> memref<10000x32xf32, #tpu.memory_space<hbm>>
        tpu.enqueue_indirect_dma source(%dma_start3A_169 : memref<10000x32xf32, #tpu.memory_space<hbm>>) target(%dma_start3A_159 : memref<128x32xf32, #tpu.memory_space<vmem>>) offsets(%dma_start3A_162 : memref<128xi32, #tpu.memory_space<vmem>>) semaphore(%arg15 : memref<!tpu.dma_semaphore, #tpu.memory_space<semaphore_mem>>)
      } else {
      }
      %mul3A_138 = arith.constant 6 : i32
      %mul3A_139 = arith.muli %scan3A_49, %mul3A_138 : i32
      %add3A_140 = arith.constant 5 : i32
      %add3A_141 = arith.addi %mul3A_139, %add3A_140 : i32
      %add3A_142 = arith.constant 1 : i32
      %add3A_143 = arith.addi %scan3A_49, %add3A_142 : i32
      %mul3A_144 = arith.constant 6 : i32
      %mul3A_145 = arith.muli %add3A_143, %mul3A_144 : i32
      %add3A_146 = arith.constant 5 : i32
      %add3A_147 = arith.addi %mul3A_145, %add3A_146 : i32
      %lt3A_148 = arith.cmpi slt, %add3A_141, %min3A : i32
      %convert_element_type3A_149 = arith.extui %lt3A_148 : i1 to i32
      %cond3A_150 = arith.constant 0 : i32
      %cond3A_151 = arith.cmpi ne, %convert_element_type3A_149, %cond3A_150 : i32
      scf.if %cond3A_151 {
        %dma_wait3A = arith.constant 5 : i32
        %dma_wait3A_156 = arith.constant 0 : i32
        %dma_wait3A_157 = arith.constant 0 : i32
        %dma_wait3A_158 = tpu.memref_slice %arg9[%dma_wait3A, %dma_wait3A_156, %dma_wait3A_157] : memref<6x128x32xf32, #tpu.memory_space<vmem>> -> memref<1x128x32xf32, #tpu.memory_space<vmem>>
        %dma_wait3A_159 = tpu.memref_squeeze %dma_wait3A_158 : memref<1x128x32xf32, #tpu.memory_space<vmem>> -> memref<128x32xf32, #tpu.memory_space<vmem>>
        %dma_wait3A_160 = arith.constant 0 : i32
        %dma_wait3A_161 = arith.constant 0 : i32
        %dma_wait3A_162 = tpu.memref_slice %arg2[%arg0, %dma_wait3A_160, %dma_wait3A_161] : memref<2x10000x32xf32, #tpu.memory_space<hbm>> -> memref<1x10000x32xf32, #tpu.memory_space<hbm>>
        %dma_wait3A_163 = tpu.memref_squeeze %dma_wait3A_162 : memref<1x10000x32xf32, #tpu.memory_space<hbm>> -> memref<10000x32xf32, #tpu.memory_space<hbm>>
        %dma_wait3A_164 = arith.constant 0 : i32
        %dma_wait3A_165 = arith.constant 0 : i32
        %dma_wait3A_166 = tpu.memref_slice %dma_wait3A_163[%dma_wait3A_164, %dma_wait3A_165] : memref<10000x32xf32, #tpu.memory_space<hbm>> -> memref<128x32xf32, #tpu.memory_space<hbm>>
        %dma_wait3A_167 = arith.constant 0 : i32
        %dma_wait3A_168 = arith.constant 0 : i32
        %dma_wait3A_169 = tpu.memref_slice %arg9[%dma_wait3A, %dma_wait3A_167, %dma_wait3A_168] : memref<6x128x32xf32, #tpu.memory_space<vmem>> -> memref<1x128x32xf32, #tpu.memory_space<vmem>>
        %dma_wait3A_170 = tpu.memref_squeeze %dma_wait3A_169 : memref<1x128x32xf32, #tpu.memory_space<vmem>> -> memref<128x32xf32, #tpu.memory_space<vmem>>
        %dma_wait3A_171 = arith.constant 0 : i32
        %dma_wait3A_172 = arith.constant 0 : i32
        %dma_wait3A_173 = tpu.memref_slice %arg2[%arg0, %dma_wait3A_171, %dma_wait3A_172] : memref<2x10000x32xf32, #tpu.memory_space<hbm>> -> memref<1x10000x32xf32, #tpu.memory_space<hbm>>
        %dma_wait3A_174 = tpu.memref_squeeze %dma_wait3A_173 : memref<1x10000x32xf32, #tpu.memory_space<hbm>> -> memref<10000x32xf32, #tpu.memory_space<hbm>>
        %dma_wait3A_175 = arith.constant 0 : i32
        %dma_wait3A_176 = arith.constant 0 : i32
        %dma_wait3A_177 = tpu.memref_slice %dma_wait3A_174[%dma_wait3A_175, %dma_wait3A_176] : memref<10000x32xf32, #tpu.memory_space<hbm>> -> memref<128x32xf32, #tpu.memory_space<hbm>>
        tpu.wait_dma2 semaphore(%arg16 : memref<!tpu.dma_semaphore, #tpu.memory_space<semaphore_mem>>) src(%dma_wait3A_177 : memref<128x32xf32, #tpu.memory_space<hbm>>) dst(%dma_wait3A_170 : memref<128x32xf32, #tpu.memory_space<vmem>>)
        %run_scoped3A = arith.constant 5 : i32
        "tpu.region"() ({
          %run_scoped3A_178 = tpu.sem_alloc : memref<!tpu.dma_semaphore, #tpu.memory_space<semaphore_mem>>
          %dma_start3A = arith.constant 0 : i32
          %dma_start3A_179 = arith.constant 0 : i32
          %dma_start3A_180 = tpu.memref_slice %arg9[%run_scoped3A, %dma_start3A, %dma_start3A_179] : memref<6x128x32xf32, #tpu.memory_space<vmem>> -> memref<1x128x32xf32, #tpu.memory_space<vmem>>
          %dma_start3A_181 = tpu.memref_squeeze %dma_start3A_180 : memref<1x128x32xf32, #tpu.memory_space<vmem>> -> memref<128x32xf32, #tpu.memory_space<vmem>>
          %dma_start3A_182 = arith.constant 0 : i32
          %dma_start3A_183 = tpu.memref_slice %arg8[%add3A_141, %dma_start3A_182] : memref<79x128xi32, #tpu.memory_space<vmem>> -> memref<1x128xi32, #tpu.memory_space<vmem>>
          %dma_start3A_184 = tpu.memref_squeeze %dma_start3A_183 : memref<1x128xi32, #tpu.memory_space<vmem>> -> memref<128xi32, #tpu.memory_space<vmem>>
          %dma_start3A_185 = arith.constant 0 : i32
          %dma_start3A_186 = arith.constant 0 : i32
          %dma_start3A_187 = tpu.memref_slice %arg10[%dma_start3A_185, %dma_start3A_186] : memref<10000x32xf32, #tpu.memory_space<vmem_shared>> -> memref<10000x32xf32, #tpu.memory_space<vmem_shared>>
          tpu.enqueue_indirect_dma source(%dma_start3A_181 : memref<128x32xf32, #tpu.memory_space<vmem>>) target(%dma_start3A_187 : memref<10000x32xf32, #tpu.memory_space<vmem_shared>>) offsets(%dma_start3A_184 : memref<128xi32, #tpu.memory_space<vmem>>) semaphore(%run_scoped3A_178 : memref<!tpu.dma_semaphore, #tpu.memory_space<semaphore_mem>>) {add = true}
          %dma_wait3A_188 = arith.constant 0 : i32
          %dma_wait3A_189 = arith.constant 0 : i32
          %dma_wait3A_190 = tpu.memref_slice %arg9[%run_scoped3A, %dma_wait3A_188, %dma_wait3A_189] : memref<6x128x32xf32, #tpu.memory_space<vmem>> -> memref<1x128x32xf32, #tpu.memory_space<vmem>>
          %dma_wait3A_191 = tpu.memref_squeeze %dma_wait3A_190 : memref<1x128x32xf32, #tpu.memory_space<vmem>> -> memref<128x32xf32, #tpu.memory_space<vmem>>
          %dma_wait3A_192 = arith.constant 0 : i32
          %dma_wait3A_193 = tpu.memref_slice %arg8[%add3A_141, %dma_wait3A_192] : memref<79x128xi32, #tpu.memory_space<vmem>> -> memref<1x128xi32, #tpu.memory_space<vmem>>
          %dma_wait3A_194 = tpu.memref_squeeze %dma_wait3A_193 : memref<1x128xi32, #tpu.memory_space<vmem>> -> memref<128xi32, #tpu.memory_space<vmem>>
          %dma_wait3A_195 = arith.constant 0 : i32
          %dma_wait3A_196 = arith.constant 0 : i32
          %dma_wait3A_197 = tpu.memref_slice %arg10[%dma_wait3A_195, %dma_wait3A_196] : memref<10000x32xf32, #tpu.memory_space<vmem_shared>> -> memref<10000x32xf32, #tpu.memory_space<vmem_shared>>
          tpu.wait_indirect_dma semaphore(%run_scoped3A_178 : memref<!tpu.dma_semaphore, #tpu.memory_space<semaphore_mem>>) src(%dma_wait3A_191 : memref<128x32xf32, #tpu.memory_space<vmem>>) dst(%dma_wait3A_197 : memref<10000x32xf32, #tpu.memory_space<vmem_shared>>)
          tpu.yield
        }) : () -> ()
      } else {
      }
      %lt3A_152 = arith.cmpi slt, %add3A_147, %min3A : i32
      %convert_element_type3A_153 = arith.extui %lt3A_152 : i1 to i32
      %cond3A_154 = arith.constant 0 : i32
      %cond3A_155 = arith.cmpi ne, %convert_element_type3A_153, %cond3A_154 : i32
      scf.if %cond3A_155 {
        %dma_start3A = arith.constant 5 : i32
        %dma_start3A_156 = arith.constant 0 : i32
        %dma_start3A_157 = arith.constant 0 : i32
        %dma_start3A_158 = tpu.memref_slice %arg9[%dma_start3A, %dma_start3A_156, %dma_start3A_157] : memref<6x128x32xf32, #tpu.memory_space<vmem>> -> memref<1x128x32xf32, #tpu.memory_space<vmem>>
        %dma_start3A_159 = tpu.memref_squeeze %dma_start3A_158 : memref<1x128x32xf32, #tpu.memory_space<vmem>> -> memref<128x32xf32, #tpu.memory_space<vmem>>
        %dma_start3A_160 = arith.constant 0 : i32
        %dma_start3A_161 = tpu.memref_slice %arg7[%add3A_147, %dma_start3A_160] : memref<79x128xi32, #tpu.memory_space<vmem>> -> memref<1x128xi32, #tpu.memory_space<vmem>>
        %dma_start3A_162 = tpu.memref_squeeze %dma_start3A_161 : memref<1x128xi32, #tpu.memory_space<vmem>> -> memref<128xi32, #tpu.memory_space<vmem>>
        %dma_start3A_163 = arith.constant 0 : i32
        %dma_start3A_164 = arith.constant 0 : i32
        %dma_start3A_165 = tpu.memref_slice %arg2[%arg0, %dma_start3A_163, %dma_start3A_164] : memref<2x10000x32xf32, #tpu.memory_space<hbm>> -> memref<1x10000x32xf32, #tpu.memory_space<hbm>>
        %dma_start3A_166 = tpu.memref_squeeze %dma_start3A_165 : memref<1x10000x32xf32, #tpu.memory_space<hbm>> -> memref<10000x32xf32, #tpu.memory_space<hbm>>
        %dma_start3A_167 = arith.constant 0 : i32
        %dma_start3A_168 = arith.constant 0 : i32
        %dma_start3A_169 = tpu.memref_slice %dma_start3A_166[%dma_start3A_167, %dma_start3A_168] : memref<10000x32xf32, #tpu.memory_space<hbm>> -> memref<10000x32xf32, #tpu.memory_space<hbm>>
        tpu.enqueue_indirect_dma source(%dma_start3A_169 : memref<10000x32xf32, #tpu.memory_space<hbm>>) target(%dma_start3A_159 : memref<128x32xf32, #tpu.memory_space<vmem>>) offsets(%dma_start3A_162 : memref<128xi32, #tpu.memory_space<vmem>>) semaphore(%arg16 : memref<!tpu.dma_semaphore, #tpu.memory_space<semaphore_mem>>)
      } else {
      }
    }
    %scan3A_40 = arith.constant 14 : i32
    %barrier3A_41 = arith.constant 0 : index
    tpu.barrier barrier_id(%barrier3A_41)
    %mul3A_42 = arith.constant 32 : i32
    %mul3A_43 = arith.muli %arg0, %mul3A_42 : i32
    "tpu.region"() ({
      %run_scoped3A = tpu.sem_alloc : memref<!tpu.dma_semaphore, #tpu.memory_space<semaphore_mem>>
      %dma_start3A = tpu.memref_slice %arg6[%mul3A_0, %mul3A_43] : memref<10000x64xf32, #tpu.memory_space<hbm>> -> memref<624x32xf32, #tpu.memory_space<hbm>>
      %dma_start3A_49 = arith.constant 0 : i32
      %dma_start3A_50 = tpu.memref_slice %arg10[%mul3A_0, %dma_start3A_49] : memref<10000x32xf32, #tpu.memory_space<vmem_shared>> -> memref<624x32xf32, #tpu.memory_space<vmem_shared>>
      tpu.enqueue_dma source(%dma_start3A_50 : memref<624x32xf32, #tpu.memory_space<vmem_shared>>) target(%dma_start3A : memref<624x32xf32, #tpu.memory_space<hbm>>) target_semaphore(%run_scoped3A : memref<!tpu.dma_semaphore, #tpu.memory_space<semaphore_mem>>)
      %dma_wait3A = tpu.memref_slice %arg6[%mul3A_0, %mul3A_43] : memref<10000x64xf32, #tpu.memory_space<hbm>> -> memref<624x32xf32, #tpu.memory_space<hbm>>
      %dma_wait3A_51 = arith.constant 0 : i32
      %dma_wait3A_52 = tpu.memref_slice %arg10[%mul3A_0, %dma_wait3A_51] : memref<10000x32xf32, #tpu.memory_space<vmem_shared>> -> memref<624x32xf32, #tpu.memory_space<vmem_shared>>
      tpu.wait_dma2 semaphore(%run_scoped3A : memref<!tpu.dma_semaphore, #tpu.memory_space<semaphore_mem>>) src(%dma_wait3A_52 : memref<624x32xf32, #tpu.memory_space<vmem_shared>>) dst(%dma_wait3A : memref<624x32xf32, #tpu.memory_space<hbm>>)
      tpu.yield
    }) : () -> ()
    %eq3A_44 = arith.constant 15 : i32
    %eq3A_45 = arith.cmpi eq, %arg1, %eq3A_44 : i32
    %convert_element_type3A_46 = arith.extui %eq3A_45 : i1 to i32
    %cond3A_47 = arith.constant 0 : i32
    %cond3A_48 = arith.cmpi ne, %convert_element_type3A_46, %cond3A_47 : i32
    scf.if %cond3A_48 {
      %mul3A_49 = arith.constant 32 : i32
      %mul3A_50 = arith.muli %arg0, %mul3A_49 : i32
      "tpu.region"() ({
        %run_scoped3A = tpu.sem_alloc : memref<!tpu.dma_semaphore, #tpu.memory_space<semaphore_mem>>
        %dma_start3A = arith.constant 9984 : i32
        %dma_start3A_51 = tpu.memref_slice %arg6[%dma_start3A, %mul3A_50] : memref<10000x64xf32, #tpu.memory_space<hbm>> -> memref<16x32xf32, #tpu.memory_space<hbm>>
        %dma_start3A_52 = arith.constant 9984 : i32
        %dma_start3A_53 = arith.constant 0 : i32
        %dma_start3A_54 = tpu.memref_slice %arg10[%dma_start3A_52, %dma_start3A_53] : memref<10000x32xf32, #tpu.memory_space<vmem_shared>> -> memref<16x32xf32, #tpu.memory_space<vmem_shared>>
        tpu.enqueue_dma source(%dma_start3A_54 : memref<16x32xf32, #tpu.memory_space<vmem_shared>>) target(%dma_start3A_51 : memref<16x32xf32, #tpu.memory_space<hbm>>) target_semaphore(%run_scoped3A : memref<!tpu.dma_semaphore, #tpu.memory_space<semaphore_mem>>)
        %dma_wait3A = arith.constant 9984 : i32
        %dma_wait3A_55 = tpu.memref_slice %arg6[%dma_wait3A, %mul3A_50] : memref<10000x64xf32, #tpu.memory_space<hbm>> -> memref<16x32xf32, #tpu.memory_space<hbm>>
        %dma_wait3A_56 = arith.constant 9984 : i32
        %dma_wait3A_57 = arith.constant 0 : i32
        %dma_wait3A_58 = tpu.memref_slice %arg10[%dma_wait3A_56, %dma_wait3A_57] : memref<10000x32xf32, #tpu.memory_space<vmem_shared>> -> memref<16x32xf32, #tpu.memory_space<vmem_shared>>
        tpu.wait_dma2 semaphore(%run_scoped3A : memref<!tpu.dma_semaphore, #tpu.memory_space<semaphore_mem>>) src(%dma_wait3A_58 : memref<16x32xf32, #tpu.memory_space<vmem_shared>>) dst(%dma_wait3A_55 : memref<16x32xf32, #tpu.memory_space<hbm>>)
        tpu.yield
      }) : () -> ()
    } else {
    }
    return
  }
}

#map = affine_map<(d0, d1) -> (0, 0, 0)>
#map1 = affine_map<(d0, d1) -> (0, 0)>
module attributes {stable_mosaic.version = 14 : i64} {
  func.func @agg(%arg0: i32, %arg1: i32, %arg2: memref<2x10000x64xf32, #tpu.memory_space<hbm>>, %arg3: memref<1280x128xi32, #tpu.memory_space<hbm>>, %arg4: memref<1280x128xi32, #tpu.memory_space<hbm>>, %arg5: memref<10000x64xf32, #tpu.memory_space<hbm>>, %arg6: memref<10000x128xf32, #tpu.memory_space<hbm>>, %arg7: memref<79x128xi32, #tpu.memory_space<vmem>>, %arg8: memref<79x128xi32, #tpu.memory_space<vmem>>, %arg9: memref<6x128x64xf32, #tpu.memory_space<vmem>>, %arg10: memref<10000x64xf32, #tpu.memory_space<vmem_shared>>, %arg11: memref<!tpu.dma_semaphore, #tpu.memory_space<semaphore_mem>>, %arg12: memref<!tpu.dma_semaphore, #tpu.memory_space<semaphore_mem>>, %arg13: memref<!tpu.dma_semaphore, #tpu.memory_space<semaphore_mem>>, %arg14: memref<!tpu.dma_semaphore, #tpu.memory_space<semaphore_mem>>, %arg15: memref<!tpu.dma_semaphore, #tpu.memory_space<semaphore_mem>>, %arg16: memref<!tpu.dma_semaphore, #tpu.memory_space<semaphore_mem>>) attributes {dimension_semantics = [#tpu.dimension_semantics<core_parallel>, #tpu.dimension_semantics<subcore_parallel>], iteration_bounds = array<i64: 2, 16>, scalar_prefetch = 0 : i64, scratch_operands = 10 : i64, tpu.core_type = #tpu.core_type<sc_vector_subcore>, window_params = [{transform_indices = #map}, {transform_indices = #map1}, {transform_indices = #map1}, {transform_indices = #map1}, {transform_indices = #map1}]} {
    %mul3A = arith.constant 624 : i32
    %mul3A_0 = arith.muli %arg1, %mul3A : i32
    %mul3A_1 = arith.constant 79 : i32
    %mul3A_2 = arith.muli %arg1, %mul3A_1 : i32
    %sub3A = arith.constant 1250 : i32
    %sub3A_3 = arith.subi %sub3A, %mul3A_2 : i32
    %jit3A = arith.constant 0 : i32
    %jit3A_4 = arith.constant 79 : i32
    %max3A = arith.maxsi %jit3A, %sub3A_3 : i32
    %min3A = arith.minsi %jit3A_4, %max3A : i32
    "tpu.region"() ({
      %run_scoped3A = tpu.sem_alloc : memref<!tpu.dma_semaphore, #tpu.memory_space<semaphore_mem>>
      %dma_start3A = arith.constant 0 : i32
      %dma_start3A_49 = tpu.memref_slice %arg3[%mul3A_2, %dma_start3A] : memref<1280x128xi32, #tpu.memory_space<hbm>> -> memref<79x128xi32, #tpu.memory_space<hbm>>
      %dma_start3A_50 = arith.constant 0 : i32
      %dma_start3A_51 = tpu.memref_slice %arg3[%mul3A_2, %dma_start3A_50] : memref<1280x128xi32, #tpu.memory_space<hbm>> -> memref<79x128xi32, #tpu.memory_space<hbm>>
      tpu.enqueue_dma source(%dma_start3A_51 : memref<79x128xi32, #tpu.memory_space<hbm>>) target(%arg7 : memref<79x128xi32, #tpu.memory_space<vmem>>) target_semaphore(%run_scoped3A : memref<!tpu.dma_semaphore, #tpu.memory_space<semaphore_mem>>)
      %dma_wait3A = arith.constant 0 : i32
      %dma_wait3A_52 = tpu.memref_slice %arg3[%mul3A_2, %dma_wait3A] : memref<1280x128xi32, #tpu.memory_space<hbm>> -> memref<79x128xi32, #tpu.memory_space<hbm>>
      %dma_wait3A_53 = arith.constant 0 : i32
      %dma_wait3A_54 = tpu.memref_slice %arg3[%mul3A_2, %dma_wait3A_53] : memref<1280x128xi32, #tpu.memory_space<hbm>> -> memref<79x128xi32, #tpu.memory_space<hbm>>
      tpu.wait_dma2 semaphore(%run_scoped3A : memref<!tpu.dma_semaphore, #tpu.memory_space<semaphore_mem>>) src(%dma_wait3A_54 : memref<79x128xi32, #tpu.memory_space<hbm>>) dst(%arg7 : memref<79x128xi32, #tpu.memory_space<vmem>>)
      tpu.yield
    }) : () -> ()
    "tpu.region"() ({
      %run_scoped3A = tpu.sem_alloc : memref<!tpu.dma_semaphore, #tpu.memory_space<semaphore_mem>>
      %dma_start3A = arith.constant 0 : i32
      %dma_start3A_49 = tpu.memref_slice %arg4[%mul3A_2, %dma_start3A] : memref<1280x128xi32, #tpu.memory_space<hbm>> -> memref<79x128xi32, #tpu.memory_space<hbm>>
      %dma_start3A_50 = arith.constant 0 : i32
      %dma_start3A_51 = tpu.memref_slice %arg4[%mul3A_2, %dma_start3A_50] : memref<1280x128xi32, #tpu.memory_space<hbm>> -> memref<79x128xi32, #tpu.memory_space<hbm>>
      tpu.enqueue_dma source(%dma_start3A_51 : memref<79x128xi32, #tpu.memory_space<hbm>>) target(%arg8 : memref<79x128xi32, #tpu.memory_space<vmem>>) target_semaphore(%run_scoped3A : memref<!tpu.dma_semaphore, #tpu.memory_space<semaphore_mem>>)
      %dma_wait3A = arith.constant 0 : i32
      %dma_wait3A_52 = tpu.memref_slice %arg4[%mul3A_2, %dma_wait3A] : memref<1280x128xi32, #tpu.memory_space<hbm>> -> memref<79x128xi32, #tpu.memory_space<hbm>>
      %dma_wait3A_53 = arith.constant 0 : i32
      %dma_wait3A_54 = tpu.memref_slice %arg4[%mul3A_2, %dma_wait3A_53] : memref<1280x128xi32, #tpu.memory_space<hbm>> -> memref<79x128xi32, #tpu.memory_space<hbm>>
      tpu.wait_dma2 semaphore(%run_scoped3A : memref<!tpu.dma_semaphore, #tpu.memory_space<semaphore_mem>>) src(%dma_wait3A_54 : memref<79x128xi32, #tpu.memory_space<hbm>>) dst(%arg8 : memref<79x128xi32, #tpu.memory_space<vmem>>)
      tpu.yield
    }) : () -> ()
    %gt3A = arith.constant 0 : i32
    %gt3A_5 = arith.cmpi sgt, %min3A, %gt3A : i32
    %convert_element_type3A = arith.extui %gt3A_5 : i1 to i32
    %cond3A = arith.constant 0 : i32
    %cond3A_6 = arith.cmpi ne, %convert_element_type3A, %cond3A : i32
    scf.if %cond3A_6 {
      %dma_start3A = arith.constant 0 : i32
      %dma_start3A_49 = arith.constant 0 : i32
      %dma_start3A_50 = arith.constant 0 : i32
      %dma_start3A_51 = arith.constant 0 : i32
      %dma_start3A_52 = tpu.memref_slice %arg9[%dma_start3A_49, %dma_start3A_50, %dma_start3A_51] : memref<6x128x64xf32, #tpu.memory_space<vmem>> -> memref<1x128x64xf32, #tpu.memory_space<vmem>>
      %dma_start3A_53 = tpu.memref_squeeze %dma_start3A_52 : memref<1x128x64xf32, #tpu.memory_space<vmem>> -> memref<128x64xf32, #tpu.memory_space<vmem>>
      %dma_start3A_54 = arith.constant 0 : i32
      %dma_start3A_55 = tpu.memref_slice %arg7[%dma_start3A, %dma_start3A_54] : memref<79x128xi32, #tpu.memory_space<vmem>> -> memref<1x128xi32, #tpu.memory_space<vmem>>
      %dma_start3A_56 = tpu.memref_squeeze %dma_start3A_55 : memref<1x128xi32, #tpu.memory_space<vmem>> -> memref<128xi32, #tpu.memory_space<vmem>>
      %dma_start3A_57 = arith.constant 0 : i32
      %dma_start3A_58 = arith.constant 0 : i32
      %dma_start3A_59 = tpu.memref_slice %arg2[%arg0, %dma_start3A_57, %dma_start3A_58] : memref<2x10000x64xf32, #tpu.memory_space<hbm>> -> memref<1x10000x64xf32, #tpu.memory_space<hbm>>
      %dma_start3A_60 = tpu.memref_squeeze %dma_start3A_59 : memref<1x10000x64xf32, #tpu.memory_space<hbm>> -> memref<10000x64xf32, #tpu.memory_space<hbm>>
      %dma_start3A_61 = arith.constant 0 : i32
      %dma_start3A_62 = arith.constant 0 : i32
      %dma_start3A_63 = tpu.memref_slice %dma_start3A_60[%dma_start3A_61, %dma_start3A_62] : memref<10000x64xf32, #tpu.memory_space<hbm>> -> memref<10000x64xf32, #tpu.memory_space<hbm>>
      tpu.enqueue_indirect_dma source(%dma_start3A_63 : memref<10000x64xf32, #tpu.memory_space<hbm>>) target(%dma_start3A_53 : memref<128x64xf32, #tpu.memory_space<vmem>>) offsets(%dma_start3A_56 : memref<128xi32, #tpu.memory_space<vmem>>) semaphore(%arg11 : memref<!tpu.dma_semaphore, #tpu.memory_space<semaphore_mem>>)
    } else {
    }
    %gt3A_7 = arith.constant 1 : i32
    %gt3A_8 = arith.cmpi sgt, %min3A, %gt3A_7 : i32
    %convert_element_type3A_9 = arith.extui %gt3A_8 : i1 to i32
    %cond3A_10 = arith.constant 0 : i32
    %cond3A_11 = arith.cmpi ne, %convert_element_type3A_9, %cond3A_10 : i32
    scf.if %cond3A_11 {
      %dma_start3A = arith.constant 1 : i32
      %dma_start3A_49 = arith.constant 1 : i32
      %dma_start3A_50 = arith.constant 0 : i32
      %dma_start3A_51 = arith.constant 0 : i32
      %dma_start3A_52 = tpu.memref_slice %arg9[%dma_start3A_49, %dma_start3A_50, %dma_start3A_51] : memref<6x128x64xf32, #tpu.memory_space<vmem>> -> memref<1x128x64xf32, #tpu.memory_space<vmem>>
      %dma_start3A_53 = tpu.memref_squeeze %dma_start3A_52 : memref<1x128x64xf32, #tpu.memory_space<vmem>> -> memref<128x64xf32, #tpu.memory_space<vmem>>
      %dma_start3A_54 = arith.constant 0 : i32
      %dma_start3A_55 = tpu.memref_slice %arg7[%dma_start3A, %dma_start3A_54] : memref<79x128xi32, #tpu.memory_space<vmem>> -> memref<1x128xi32, #tpu.memory_space<vmem>>
      %dma_start3A_56 = tpu.memref_squeeze %dma_start3A_55 : memref<1x128xi32, #tpu.memory_space<vmem>> -> memref<128xi32, #tpu.memory_space<vmem>>
      %dma_start3A_57 = arith.constant 0 : i32
      %dma_start3A_58 = arith.constant 0 : i32
      %dma_start3A_59 = tpu.memref_slice %arg2[%arg0, %dma_start3A_57, %dma_start3A_58] : memref<2x10000x64xf32, #tpu.memory_space<hbm>> -> memref<1x10000x64xf32, #tpu.memory_space<hbm>>
      %dma_start3A_60 = tpu.memref_squeeze %dma_start3A_59 : memref<1x10000x64xf32, #tpu.memory_space<hbm>> -> memref<10000x64xf32, #tpu.memory_space<hbm>>
      %dma_start3A_61 = arith.constant 0 : i32
      %dma_start3A_62 = arith.constant 0 : i32
      %dma_start3A_63 = tpu.memref_slice %dma_start3A_60[%dma_start3A_61, %dma_start3A_62] : memref<10000x64xf32, #tpu.memory_space<hbm>> -> memref<10000x64xf32, #tpu.memory_space<hbm>>
      tpu.enqueue_indirect_dma source(%dma_start3A_63 : memref<10000x64xf32, #tpu.memory_space<hbm>>) target(%dma_start3A_53 : memref<128x64xf32, #tpu.memory_space<vmem>>) offsets(%dma_start3A_56 : memref<128xi32, #tpu.memory_space<vmem>>) semaphore(%arg12 : memref<!tpu.dma_semaphore, #tpu.memory_space<semaphore_mem>>)
    } else {
    }
    %gt3A_12 = arith.constant 2 : i32
    %gt3A_13 = arith.cmpi sgt, %min3A, %gt3A_12 : i32
    %convert_element_type3A_14 = arith.extui %gt3A_13 : i1 to i32
    %cond3A_15 = arith.constant 0 : i32
    %cond3A_16 = arith.cmpi ne, %convert_element_type3A_14, %cond3A_15 : i32
    scf.if %cond3A_16 {
      %dma_start3A = arith.constant 2 : i32
      %dma_start3A_49 = arith.constant 2 : i32
      %dma_start3A_50 = arith.constant 0 : i32
      %dma_start3A_51 = arith.constant 0 : i32
      %dma_start3A_52 = tpu.memref_slice %arg9[%dma_start3A_49, %dma_start3A_50, %dma_start3A_51] : memref<6x128x64xf32, #tpu.memory_space<vmem>> -> memref<1x128x64xf32, #tpu.memory_space<vmem>>
      %dma_start3A_53 = tpu.memref_squeeze %dma_start3A_52 : memref<1x128x64xf32, #tpu.memory_space<vmem>> -> memref<128x64xf32, #tpu.memory_space<vmem>>
      %dma_start3A_54 = arith.constant 0 : i32
      %dma_start3A_55 = tpu.memref_slice %arg7[%dma_start3A, %dma_start3A_54] : memref<79x128xi32, #tpu.memory_space<vmem>> -> memref<1x128xi32, #tpu.memory_space<vmem>>
      %dma_start3A_56 = tpu.memref_squeeze %dma_start3A_55 : memref<1x128xi32, #tpu.memory_space<vmem>> -> memref<128xi32, #tpu.memory_space<vmem>>
      %dma_start3A_57 = arith.constant 0 : i32
      %dma_start3A_58 = arith.constant 0 : i32
      %dma_start3A_59 = tpu.memref_slice %arg2[%arg0, %dma_start3A_57, %dma_start3A_58] : memref<2x10000x64xf32, #tpu.memory_space<hbm>> -> memref<1x10000x64xf32, #tpu.memory_space<hbm>>
      %dma_start3A_60 = tpu.memref_squeeze %dma_start3A_59 : memref<1x10000x64xf32, #tpu.memory_space<hbm>> -> memref<10000x64xf32, #tpu.memory_space<hbm>>
      %dma_start3A_61 = arith.constant 0 : i32
      %dma_start3A_62 = arith.constant 0 : i32
      %dma_start3A_63 = tpu.memref_slice %dma_start3A_60[%dma_start3A_61, %dma_start3A_62] : memref<10000x64xf32, #tpu.memory_space<hbm>> -> memref<10000x64xf32, #tpu.memory_space<hbm>>
      tpu.enqueue_indirect_dma source(%dma_start3A_63 : memref<10000x64xf32, #tpu.memory_space<hbm>>) target(%dma_start3A_53 : memref<128x64xf32, #tpu.memory_space<vmem>>) offsets(%dma_start3A_56 : memref<128xi32, #tpu.memory_space<vmem>>) semaphore(%arg13 : memref<!tpu.dma_semaphore, #tpu.memory_space<semaphore_mem>>)
    } else {
    }
    %gt3A_17 = arith.constant 3 : i32
    %gt3A_18 = arith.cmpi sgt, %min3A, %gt3A_17 : i32
    %convert_element_type3A_19 = arith.extui %gt3A_18 : i1 to i32
    %cond3A_20 = arith.constant 0 : i32
    %cond3A_21 = arith.cmpi ne, %convert_element_type3A_19, %cond3A_20 : i32
    scf.if %cond3A_21 {
      %dma_start3A = arith.constant 3 : i32
      %dma_start3A_49 = arith.constant 3 : i32
      %dma_start3A_50 = arith.constant 0 : i32
      %dma_start3A_51 = arith.constant 0 : i32
      %dma_start3A_52 = tpu.memref_slice %arg9[%dma_start3A_49, %dma_start3A_50, %dma_start3A_51] : memref<6x128x64xf32, #tpu.memory_space<vmem>> -> memref<1x128x64xf32, #tpu.memory_space<vmem>>
      %dma_start3A_53 = tpu.memref_squeeze %dma_start3A_52 : memref<1x128x64xf32, #tpu.memory_space<vmem>> -> memref<128x64xf32, #tpu.memory_space<vmem>>
      %dma_start3A_54 = arith.constant 0 : i32
      %dma_start3A_55 = tpu.memref_slice %arg7[%dma_start3A, %dma_start3A_54] : memref<79x128xi32, #tpu.memory_space<vmem>> -> memref<1x128xi32, #tpu.memory_space<vmem>>
      %dma_start3A_56 = tpu.memref_squeeze %dma_start3A_55 : memref<1x128xi32, #tpu.memory_space<vmem>> -> memref<128xi32, #tpu.memory_space<vmem>>
      %dma_start3A_57 = arith.constant 0 : i32
      %dma_start3A_58 = arith.constant 0 : i32
      %dma_start3A_59 = tpu.memref_slice %arg2[%arg0, %dma_start3A_57, %dma_start3A_58] : memref<2x10000x64xf32, #tpu.memory_space<hbm>> -> memref<1x10000x64xf32, #tpu.memory_space<hbm>>
      %dma_start3A_60 = tpu.memref_squeeze %dma_start3A_59 : memref<1x10000x64xf32, #tpu.memory_space<hbm>> -> memref<10000x64xf32, #tpu.memory_space<hbm>>
      %dma_start3A_61 = arith.constant 0 : i32
      %dma_start3A_62 = arith.constant 0 : i32
      %dma_start3A_63 = tpu.memref_slice %dma_start3A_60[%dma_start3A_61, %dma_start3A_62] : memref<10000x64xf32, #tpu.memory_space<hbm>> -> memref<10000x64xf32, #tpu.memory_space<hbm>>
      tpu.enqueue_indirect_dma source(%dma_start3A_63 : memref<10000x64xf32, #tpu.memory_space<hbm>>) target(%dma_start3A_53 : memref<128x64xf32, #tpu.memory_space<vmem>>) offsets(%dma_start3A_56 : memref<128xi32, #tpu.memory_space<vmem>>) semaphore(%arg14 : memref<!tpu.dma_semaphore, #tpu.memory_space<semaphore_mem>>)
    } else {
    }
    %gt3A_22 = arith.constant 4 : i32
    %gt3A_23 = arith.cmpi sgt, %min3A, %gt3A_22 : i32
    %convert_element_type3A_24 = arith.extui %gt3A_23 : i1 to i32
    %cond3A_25 = arith.constant 0 : i32
    %cond3A_26 = arith.cmpi ne, %convert_element_type3A_24, %cond3A_25 : i32
    scf.if %cond3A_26 {
      %dma_start3A = arith.constant 4 : i32
      %dma_start3A_49 = arith.constant 4 : i32
      %dma_start3A_50 = arith.constant 0 : i32
      %dma_start3A_51 = arith.constant 0 : i32
      %dma_start3A_52 = tpu.memref_slice %arg9[%dma_start3A_49, %dma_start3A_50, %dma_start3A_51] : memref<6x128x64xf32, #tpu.memory_space<vmem>> -> memref<1x128x64xf32, #tpu.memory_space<vmem>>
      %dma_start3A_53 = tpu.memref_squeeze %dma_start3A_52 : memref<1x128x64xf32, #tpu.memory_space<vmem>> -> memref<128x64xf32, #tpu.memory_space<vmem>>
      %dma_start3A_54 = arith.constant 0 : i32
      %dma_start3A_55 = tpu.memref_slice %arg7[%dma_start3A, %dma_start3A_54] : memref<79x128xi32, #tpu.memory_space<vmem>> -> memref<1x128xi32, #tpu.memory_space<vmem>>
      %dma_start3A_56 = tpu.memref_squeeze %dma_start3A_55 : memref<1x128xi32, #tpu.memory_space<vmem>> -> memref<128xi32, #tpu.memory_space<vmem>>
      %dma_start3A_57 = arith.constant 0 : i32
      %dma_start3A_58 = arith.constant 0 : i32
      %dma_start3A_59 = tpu.memref_slice %arg2[%arg0, %dma_start3A_57, %dma_start3A_58] : memref<2x10000x64xf32, #tpu.memory_space<hbm>> -> memref<1x10000x64xf32, #tpu.memory_space<hbm>>
      %dma_start3A_60 = tpu.memref_squeeze %dma_start3A_59 : memref<1x10000x64xf32, #tpu.memory_space<hbm>> -> memref<10000x64xf32, #tpu.memory_space<hbm>>
      %dma_start3A_61 = arith.constant 0 : i32
      %dma_start3A_62 = arith.constant 0 : i32
      %dma_start3A_63 = tpu.memref_slice %dma_start3A_60[%dma_start3A_61, %dma_start3A_62] : memref<10000x64xf32, #tpu.memory_space<hbm>> -> memref<10000x64xf32, #tpu.memory_space<hbm>>
      tpu.enqueue_indirect_dma source(%dma_start3A_63 : memref<10000x64xf32, #tpu.memory_space<hbm>>) target(%dma_start3A_53 : memref<128x64xf32, #tpu.memory_space<vmem>>) offsets(%dma_start3A_56 : memref<128xi32, #tpu.memory_space<vmem>>) semaphore(%arg15 : memref<!tpu.dma_semaphore, #tpu.memory_space<semaphore_mem>>)
    } else {
    }
    %gt3A_27 = arith.constant 5 : i32
    %gt3A_28 = arith.cmpi sgt, %min3A, %gt3A_27 : i32
    %convert_element_type3A_29 = arith.extui %gt3A_28 : i1 to i32
    %cond3A_30 = arith.constant 0 : i32
    %cond3A_31 = arith.cmpi ne, %convert_element_type3A_29, %cond3A_30 : i32
    scf.if %cond3A_31 {
      %dma_start3A = arith.constant 5 : i32
      %dma_start3A_49 = arith.constant 5 : i32
      %dma_start3A_50 = arith.constant 0 : i32
      %dma_start3A_51 = arith.constant 0 : i32
      %dma_start3A_52 = tpu.memref_slice %arg9[%dma_start3A_49, %dma_start3A_50, %dma_start3A_51] : memref<6x128x64xf32, #tpu.memory_space<vmem>> -> memref<1x128x64xf32, #tpu.memory_space<vmem>>
      %dma_start3A_53 = tpu.memref_squeeze %dma_start3A_52 : memref<1x128x64xf32, #tpu.memory_space<vmem>> -> memref<128x64xf32, #tpu.memory_space<vmem>>
      %dma_start3A_54 = arith.constant 0 : i32
      %dma_start3A_55 = tpu.memref_slice %arg7[%dma_start3A, %dma_start3A_54] : memref<79x128xi32, #tpu.memory_space<vmem>> -> memref<1x128xi32, #tpu.memory_space<vmem>>
      %dma_start3A_56 = tpu.memref_squeeze %dma_start3A_55 : memref<1x128xi32, #tpu.memory_space<vmem>> -> memref<128xi32, #tpu.memory_space<vmem>>
      %dma_start3A_57 = arith.constant 0 : i32
      %dma_start3A_58 = arith.constant 0 : i32
      %dma_start3A_59 = tpu.memref_slice %arg2[%arg0, %dma_start3A_57, %dma_start3A_58] : memref<2x10000x64xf32, #tpu.memory_space<hbm>> -> memref<1x10000x64xf32, #tpu.memory_space<hbm>>
      %dma_start3A_60 = tpu.memref_squeeze %dma_start3A_59 : memref<1x10000x64xf32, #tpu.memory_space<hbm>> -> memref<10000x64xf32, #tpu.memory_space<hbm>>
      %dma_start3A_61 = arith.constant 0 : i32
      %dma_start3A_62 = arith.constant 0 : i32
      %dma_start3A_63 = tpu.memref_slice %dma_start3A_60[%dma_start3A_61, %dma_start3A_62] : memref<10000x64xf32, #tpu.memory_space<hbm>> -> memref<10000x64xf32, #tpu.memory_space<hbm>>
      tpu.enqueue_indirect_dma source(%dma_start3A_63 : memref<10000x64xf32, #tpu.memory_space<hbm>>) target(%dma_start3A_53 : memref<128x64xf32, #tpu.memory_space<vmem>>) offsets(%dma_start3A_56 : memref<128xi32, #tpu.memory_space<vmem>>) semaphore(%arg16 : memref<!tpu.dma_semaphore, #tpu.memory_space<semaphore_mem>>)
    } else {
    }
    "tpu.region"() ({
      %run_scoped3A = tpu.sem_alloc : memref<!tpu.dma_semaphore, #tpu.memory_space<semaphore_mem>>
      %dma_start3A = arith.constant 0 : i32
      %dma_start3A_49 = tpu.memref_slice %arg10[%mul3A_0, %dma_start3A] : memref<10000x64xf32, #tpu.memory_space<vmem_shared>> -> memref<624x64xf32, #tpu.memory_space<vmem_shared>>
      %dma_start3A_50 = arith.constant 0 : i32
      %dma_start3A_51 = tpu.memref_slice %arg5[%mul3A_0, %dma_start3A_50] : memref<10000x64xf32, #tpu.memory_space<hbm>> -> memref<624x64xf32, #tpu.memory_space<hbm>>
      tpu.enqueue_dma source(%dma_start3A_51 : memref<624x64xf32, #tpu.memory_space<hbm>>) target(%dma_start3A_49 : memref<624x64xf32, #tpu.memory_space<vmem_shared>>) target_semaphore(%run_scoped3A : memref<!tpu.dma_semaphore, #tpu.memory_space<semaphore_mem>>)
      %dma_wait3A = arith.constant 0 : i32
      %dma_wait3A_52 = tpu.memref_slice %arg10[%mul3A_0, %dma_wait3A] : memref<10000x64xf32, #tpu.memory_space<vmem_shared>> -> memref<624x64xf32, #tpu.memory_space<vmem_shared>>
      %dma_wait3A_53 = arith.constant 0 : i32
      %dma_wait3A_54 = tpu.memref_slice %arg5[%mul3A_0, %dma_wait3A_53] : memref<10000x64xf32, #tpu.memory_space<hbm>> -> memref<624x64xf32, #tpu.memory_space<hbm>>
      tpu.wait_dma2 semaphore(%run_scoped3A : memref<!tpu.dma_semaphore, #tpu.memory_space<semaphore_mem>>) src(%dma_wait3A_54 : memref<624x64xf32, #tpu.memory_space<hbm>>) dst(%dma_wait3A_52 : memref<624x64xf32, #tpu.memory_space<vmem_shared>>)
      tpu.yield
    }) : () -> ()
    %eq3A = arith.constant 15 : i32
    %eq3A_32 = arith.cmpi eq, %arg1, %eq3A : i32
    %convert_element_type3A_33 = arith.extui %eq3A_32 : i1 to i32
    %cond3A_34 = arith.constant 0 : i32
    %cond3A_35 = arith.cmpi ne, %convert_element_type3A_33, %cond3A_34 : i32
    scf.if %cond3A_35 {
      "tpu.region"() ({
        %run_scoped3A = tpu.sem_alloc : memref<!tpu.dma_semaphore, #tpu.memory_space<semaphore_mem>>
        %dma_start3A = arith.constant 9984 : i32
        %dma_start3A_49 = arith.constant 0 : i32
        %dma_start3A_50 = tpu.memref_slice %arg10[%dma_start3A, %dma_start3A_49] : memref<10000x64xf32, #tpu.memory_space<vmem_shared>> -> memref<16x64xf32, #tpu.memory_space<vmem_shared>>
        %dma_start3A_51 = arith.constant 9984 : i32
        %dma_start3A_52 = arith.constant 0 : i32
        %dma_start3A_53 = tpu.memref_slice %arg5[%dma_start3A_51, %dma_start3A_52] : memref<10000x64xf32, #tpu.memory_space<hbm>> -> memref<16x64xf32, #tpu.memory_space<hbm>>
        tpu.enqueue_dma source(%dma_start3A_53 : memref<16x64xf32, #tpu.memory_space<hbm>>) target(%dma_start3A_50 : memref<16x64xf32, #tpu.memory_space<vmem_shared>>) target_semaphore(%run_scoped3A : memref<!tpu.dma_semaphore, #tpu.memory_space<semaphore_mem>>)
        %dma_wait3A = arith.constant 9984 : i32
        %dma_wait3A_54 = arith.constant 0 : i32
        %dma_wait3A_55 = tpu.memref_slice %arg10[%dma_wait3A, %dma_wait3A_54] : memref<10000x64xf32, #tpu.memory_space<vmem_shared>> -> memref<16x64xf32, #tpu.memory_space<vmem_shared>>
        %dma_wait3A_56 = arith.constant 9984 : i32
        %dma_wait3A_57 = arith.constant 0 : i32
        %dma_wait3A_58 = tpu.memref_slice %arg5[%dma_wait3A_56, %dma_wait3A_57] : memref<10000x64xf32, #tpu.memory_space<hbm>> -> memref<16x64xf32, #tpu.memory_space<hbm>>
        tpu.wait_dma2 semaphore(%run_scoped3A : memref<!tpu.dma_semaphore, #tpu.memory_space<semaphore_mem>>) src(%dma_wait3A_58 : memref<16x64xf32, #tpu.memory_space<hbm>>) dst(%dma_wait3A_55 : memref<16x64xf32, #tpu.memory_space<vmem_shared>>)
        tpu.yield
      }) : () -> ()
    } else {
    }
    %barrier3A = arith.constant 0 : index
    tpu.barrier barrier_id(%barrier3A)
    %scan3A = arith.constant 0 : i32
    %scan3A_36 = arith.constant 0 : i32
    %scan3A_37 = arith.constant 14 : i32
    %scan3A_38 = arith.addi %scan3A_36, %scan3A_37 : i32
    %scan3A_39 = arith.constant 1 : i32
    scf.for %scan3A_49 = %scan3A_36 to %scan3A_38 step %scan3A_39  : i32 {
      %mul3A_50 = arith.constant 6 : i32
      %mul3A_51 = arith.muli %scan3A_49, %mul3A_50 : i32
      %add3A = arith.constant 0 : i32
      %add3A_52 = arith.addi %mul3A_51, %add3A : i32
      %add3A_53 = arith.constant 1 : i32
      %add3A_54 = arith.addi %scan3A_49, %add3A_53 : i32
      %mul3A_55 = arith.constant 6 : i32
      %mul3A_56 = arith.muli %add3A_54, %mul3A_55 : i32
      %add3A_57 = arith.constant 0 : i32
      %add3A_58 = arith.addi %mul3A_56, %add3A_57 : i32
      %lt3A = arith.cmpi slt, %add3A_52, %min3A : i32
      %convert_element_type3A_59 = arith.extui %lt3A : i1 to i32
      %cond3A_60 = arith.constant 0 : i32
      %cond3A_61 = arith.cmpi ne, %convert_element_type3A_59, %cond3A_60 : i32
      scf.if %cond3A_61 {
        %dma_wait3A = arith.constant 0 : i32
        %dma_wait3A_156 = arith.constant 0 : i32
        %dma_wait3A_157 = arith.constant 0 : i32
        %dma_wait3A_158 = tpu.memref_slice %arg9[%dma_wait3A, %dma_wait3A_156, %dma_wait3A_157] : memref<6x128x64xf32, #tpu.memory_space<vmem>> -> memref<1x128x64xf32, #tpu.memory_space<vmem>>
        %dma_wait3A_159 = tpu.memref_squeeze %dma_wait3A_158 : memref<1x128x64xf32, #tpu.memory_space<vmem>> -> memref<128x64xf32, #tpu.memory_space<vmem>>
        %dma_wait3A_160 = arith.constant 0 : i32
        %dma_wait3A_161 = arith.constant 0 : i32
        %dma_wait3A_162 = tpu.memref_slice %arg2[%arg0, %dma_wait3A_160, %dma_wait3A_161] : memref<2x10000x64xf32, #tpu.memory_space<hbm>> -> memref<1x10000x64xf32, #tpu.memory_space<hbm>>
        %dma_wait3A_163 = tpu.memref_squeeze %dma_wait3A_162 : memref<1x10000x64xf32, #tpu.memory_space<hbm>> -> memref<10000x64xf32, #tpu.memory_space<hbm>>
        %dma_wait3A_164 = arith.constant 0 : i32
        %dma_wait3A_165 = arith.constant 0 : i32
        %dma_wait3A_166 = tpu.memref_slice %dma_wait3A_163[%dma_wait3A_164, %dma_wait3A_165] : memref<10000x64xf32, #tpu.memory_space<hbm>> -> memref<128x64xf32, #tpu.memory_space<hbm>>
        %dma_wait3A_167 = arith.constant 0 : i32
        %dma_wait3A_168 = arith.constant 0 : i32
        %dma_wait3A_169 = tpu.memref_slice %arg9[%dma_wait3A, %dma_wait3A_167, %dma_wait3A_168] : memref<6x128x64xf32, #tpu.memory_space<vmem>> -> memref<1x128x64xf32, #tpu.memory_space<vmem>>
        %dma_wait3A_170 = tpu.memref_squeeze %dma_wait3A_169 : memref<1x128x64xf32, #tpu.memory_space<vmem>> -> memref<128x64xf32, #tpu.memory_space<vmem>>
        %dma_wait3A_171 = arith.constant 0 : i32
        %dma_wait3A_172 = arith.constant 0 : i32
        %dma_wait3A_173 = tpu.memref_slice %arg2[%arg0, %dma_wait3A_171, %dma_wait3A_172] : memref<2x10000x64xf32, #tpu.memory_space<hbm>> -> memref<1x10000x64xf32, #tpu.memory_space<hbm>>
        %dma_wait3A_174 = tpu.memref_squeeze %dma_wait3A_173 : memref<1x10000x64xf32, #tpu.memory_space<hbm>> -> memref<10000x64xf32, #tpu.memory_space<hbm>>
        %dma_wait3A_175 = arith.constant 0 : i32
        %dma_wait3A_176 = arith.constant 0 : i32
        %dma_wait3A_177 = tpu.memref_slice %dma_wait3A_174[%dma_wait3A_175, %dma_wait3A_176] : memref<10000x64xf32, #tpu.memory_space<hbm>> -> memref<128x64xf32, #tpu.memory_space<hbm>>
        tpu.wait_dma2 semaphore(%arg11 : memref<!tpu.dma_semaphore, #tpu.memory_space<semaphore_mem>>) src(%dma_wait3A_177 : memref<128x64xf32, #tpu.memory_space<hbm>>) dst(%dma_wait3A_170 : memref<128x64xf32, #tpu.memory_space<vmem>>)
        %run_scoped3A = arith.constant 0 : i32
        "tpu.region"() ({
          %run_scoped3A_178 = tpu.sem_alloc : memref<!tpu.dma_semaphore, #tpu.memory_space<semaphore_mem>>
          %dma_start3A = arith.constant 0 : i32
          %dma_start3A_179 = arith.constant 0 : i32
          %dma_start3A_180 = tpu.memref_slice %arg9[%run_scoped3A, %dma_start3A, %dma_start3A_179] : memref<6x128x64xf32, #tpu.memory_space<vmem>> -> memref<1x128x64xf32, #tpu.memory_space<vmem>>
          %dma_start3A_181 = tpu.memref_squeeze %dma_start3A_180 : memref<1x128x64xf32, #tpu.memory_space<vmem>> -> memref<128x64xf32, #tpu.memory_space<vmem>>
          %dma_start3A_182 = arith.constant 0 : i32
          %dma_start3A_183 = tpu.memref_slice %arg8[%add3A_52, %dma_start3A_182] : memref<79x128xi32, #tpu.memory_space<vmem>> -> memref<1x128xi32, #tpu.memory_space<vmem>>
          %dma_start3A_184 = tpu.memref_squeeze %dma_start3A_183 : memref<1x128xi32, #tpu.memory_space<vmem>> -> memref<128xi32, #tpu.memory_space<vmem>>
          %dma_start3A_185 = arith.constant 0 : i32
          %dma_start3A_186 = arith.constant 0 : i32
          %dma_start3A_187 = tpu.memref_slice %arg10[%dma_start3A_185, %dma_start3A_186] : memref<10000x64xf32, #tpu.memory_space<vmem_shared>> -> memref<10000x64xf32, #tpu.memory_space<vmem_shared>>
          tpu.enqueue_indirect_dma source(%dma_start3A_181 : memref<128x64xf32, #tpu.memory_space<vmem>>) target(%dma_start3A_187 : memref<10000x64xf32, #tpu.memory_space<vmem_shared>>) offsets(%dma_start3A_184 : memref<128xi32, #tpu.memory_space<vmem>>) semaphore(%run_scoped3A_178 : memref<!tpu.dma_semaphore, #tpu.memory_space<semaphore_mem>>) {add = true}
          %dma_wait3A_188 = arith.constant 0 : i32
          %dma_wait3A_189 = arith.constant 0 : i32
          %dma_wait3A_190 = tpu.memref_slice %arg9[%run_scoped3A, %dma_wait3A_188, %dma_wait3A_189] : memref<6x128x64xf32, #tpu.memory_space<vmem>> -> memref<1x128x64xf32, #tpu.memory_space<vmem>>
          %dma_wait3A_191 = tpu.memref_squeeze %dma_wait3A_190 : memref<1x128x64xf32, #tpu.memory_space<vmem>> -> memref<128x64xf32, #tpu.memory_space<vmem>>
          %dma_wait3A_192 = arith.constant 0 : i32
          %dma_wait3A_193 = tpu.memref_slice %arg8[%add3A_52, %dma_wait3A_192] : memref<79x128xi32, #tpu.memory_space<vmem>> -> memref<1x128xi32, #tpu.memory_space<vmem>>
          %dma_wait3A_194 = tpu.memref_squeeze %dma_wait3A_193 : memref<1x128xi32, #tpu.memory_space<vmem>> -> memref<128xi32, #tpu.memory_space<vmem>>
          %dma_wait3A_195 = arith.constant 0 : i32
          %dma_wait3A_196 = arith.constant 0 : i32
          %dma_wait3A_197 = tpu.memref_slice %arg10[%dma_wait3A_195, %dma_wait3A_196] : memref<10000x64xf32, #tpu.memory_space<vmem_shared>> -> memref<10000x64xf32, #tpu.memory_space<vmem_shared>>
          tpu.wait_indirect_dma semaphore(%run_scoped3A_178 : memref<!tpu.dma_semaphore, #tpu.memory_space<semaphore_mem>>) src(%dma_wait3A_191 : memref<128x64xf32, #tpu.memory_space<vmem>>) dst(%dma_wait3A_197 : memref<10000x64xf32, #tpu.memory_space<vmem_shared>>)
          tpu.yield
        }) : () -> ()
      } else {
      }
      %lt3A_62 = arith.cmpi slt, %add3A_58, %min3A : i32
      %convert_element_type3A_63 = arith.extui %lt3A_62 : i1 to i32
      %cond3A_64 = arith.constant 0 : i32
      %cond3A_65 = arith.cmpi ne, %convert_element_type3A_63, %cond3A_64 : i32
      scf.if %cond3A_65 {
        %dma_start3A = arith.constant 0 : i32
        %dma_start3A_156 = arith.constant 0 : i32
        %dma_start3A_157 = arith.constant 0 : i32
        %dma_start3A_158 = tpu.memref_slice %arg9[%dma_start3A, %dma_start3A_156, %dma_start3A_157] : memref<6x128x64xf32, #tpu.memory_space<vmem>> -> memref<1x128x64xf32, #tpu.memory_space<vmem>>
        %dma_start3A_159 = tpu.memref_squeeze %dma_start3A_158 : memref<1x128x64xf32, #tpu.memory_space<vmem>> -> memref<128x64xf32, #tpu.memory_space<vmem>>
        %dma_start3A_160 = arith.constant 0 : i32
        %dma_start3A_161 = tpu.memref_slice %arg7[%add3A_58, %dma_start3A_160] : memref<79x128xi32, #tpu.memory_space<vmem>> -> memref<1x128xi32, #tpu.memory_space<vmem>>
        %dma_start3A_162 = tpu.memref_squeeze %dma_start3A_161 : memref<1x128xi32, #tpu.memory_space<vmem>> -> memref<128xi32, #tpu.memory_space<vmem>>
        %dma_start3A_163 = arith.constant 0 : i32
        %dma_start3A_164 = arith.constant 0 : i32
        %dma_start3A_165 = tpu.memref_slice %arg2[%arg0, %dma_start3A_163, %dma_start3A_164] : memref<2x10000x64xf32, #tpu.memory_space<hbm>> -> memref<1x10000x64xf32, #tpu.memory_space<hbm>>
        %dma_start3A_166 = tpu.memref_squeeze %dma_start3A_165 : memref<1x10000x64xf32, #tpu.memory_space<hbm>> -> memref<10000x64xf32, #tpu.memory_space<hbm>>
        %dma_start3A_167 = arith.constant 0 : i32
        %dma_start3A_168 = arith.constant 0 : i32
        %dma_start3A_169 = tpu.memref_slice %dma_start3A_166[%dma_start3A_167, %dma_start3A_168] : memref<10000x64xf32, #tpu.memory_space<hbm>> -> memref<10000x64xf32, #tpu.memory_space<hbm>>
        tpu.enqueue_indirect_dma source(%dma_start3A_169 : memref<10000x64xf32, #tpu.memory_space<hbm>>) target(%dma_start3A_159 : memref<128x64xf32, #tpu.memory_space<vmem>>) offsets(%dma_start3A_162 : memref<128xi32, #tpu.memory_space<vmem>>) semaphore(%arg11 : memref<!tpu.dma_semaphore, #tpu.memory_space<semaphore_mem>>)
      } else {
      }
      %mul3A_66 = arith.constant 6 : i32
      %mul3A_67 = arith.muli %scan3A_49, %mul3A_66 : i32
      %add3A_68 = arith.constant 1 : i32
      %add3A_69 = arith.addi %mul3A_67, %add3A_68 : i32
      %add3A_70 = arith.constant 1 : i32
      %add3A_71 = arith.addi %scan3A_49, %add3A_70 : i32
      %mul3A_72 = arith.constant 6 : i32
      %mul3A_73 = arith.muli %add3A_71, %mul3A_72 : i32
      %add3A_74 = arith.constant 1 : i32
      %add3A_75 = arith.addi %mul3A_73, %add3A_74 : i32
      %lt3A_76 = arith.cmpi slt, %add3A_69, %min3A : i32
      %convert_element_type3A_77 = arith.extui %lt3A_76 : i1 to i32
      %cond3A_78 = arith.constant 0 : i32
      %cond3A_79 = arith.cmpi ne, %convert_element_type3A_77, %cond3A_78 : i32
      scf.if %cond3A_79 {
        %dma_wait3A = arith.constant 1 : i32
        %dma_wait3A_156 = arith.constant 0 : i32
        %dma_wait3A_157 = arith.constant 0 : i32
        %dma_wait3A_158 = tpu.memref_slice %arg9[%dma_wait3A, %dma_wait3A_156, %dma_wait3A_157] : memref<6x128x64xf32, #tpu.memory_space<vmem>> -> memref<1x128x64xf32, #tpu.memory_space<vmem>>
        %dma_wait3A_159 = tpu.memref_squeeze %dma_wait3A_158 : memref<1x128x64xf32, #tpu.memory_space<vmem>> -> memref<128x64xf32, #tpu.memory_space<vmem>>
        %dma_wait3A_160 = arith.constant 0 : i32
        %dma_wait3A_161 = arith.constant 0 : i32
        %dma_wait3A_162 = tpu.memref_slice %arg2[%arg0, %dma_wait3A_160, %dma_wait3A_161] : memref<2x10000x64xf32, #tpu.memory_space<hbm>> -> memref<1x10000x64xf32, #tpu.memory_space<hbm>>
        %dma_wait3A_163 = tpu.memref_squeeze %dma_wait3A_162 : memref<1x10000x64xf32, #tpu.memory_space<hbm>> -> memref<10000x64xf32, #tpu.memory_space<hbm>>
        %dma_wait3A_164 = arith.constant 0 : i32
        %dma_wait3A_165 = arith.constant 0 : i32
        %dma_wait3A_166 = tpu.memref_slice %dma_wait3A_163[%dma_wait3A_164, %dma_wait3A_165] : memref<10000x64xf32, #tpu.memory_space<hbm>> -> memref<128x64xf32, #tpu.memory_space<hbm>>
        %dma_wait3A_167 = arith.constant 0 : i32
        %dma_wait3A_168 = arith.constant 0 : i32
        %dma_wait3A_169 = tpu.memref_slice %arg9[%dma_wait3A, %dma_wait3A_167, %dma_wait3A_168] : memref<6x128x64xf32, #tpu.memory_space<vmem>> -> memref<1x128x64xf32, #tpu.memory_space<vmem>>
        %dma_wait3A_170 = tpu.memref_squeeze %dma_wait3A_169 : memref<1x128x64xf32, #tpu.memory_space<vmem>> -> memref<128x64xf32, #tpu.memory_space<vmem>>
        %dma_wait3A_171 = arith.constant 0 : i32
        %dma_wait3A_172 = arith.constant 0 : i32
        %dma_wait3A_173 = tpu.memref_slice %arg2[%arg0, %dma_wait3A_171, %dma_wait3A_172] : memref<2x10000x64xf32, #tpu.memory_space<hbm>> -> memref<1x10000x64xf32, #tpu.memory_space<hbm>>
        %dma_wait3A_174 = tpu.memref_squeeze %dma_wait3A_173 : memref<1x10000x64xf32, #tpu.memory_space<hbm>> -> memref<10000x64xf32, #tpu.memory_space<hbm>>
        %dma_wait3A_175 = arith.constant 0 : i32
        %dma_wait3A_176 = arith.constant 0 : i32
        %dma_wait3A_177 = tpu.memref_slice %dma_wait3A_174[%dma_wait3A_175, %dma_wait3A_176] : memref<10000x64xf32, #tpu.memory_space<hbm>> -> memref<128x64xf32, #tpu.memory_space<hbm>>
        tpu.wait_dma2 semaphore(%arg12 : memref<!tpu.dma_semaphore, #tpu.memory_space<semaphore_mem>>) src(%dma_wait3A_177 : memref<128x64xf32, #tpu.memory_space<hbm>>) dst(%dma_wait3A_170 : memref<128x64xf32, #tpu.memory_space<vmem>>)
        %run_scoped3A = arith.constant 1 : i32
        "tpu.region"() ({
          %run_scoped3A_178 = tpu.sem_alloc : memref<!tpu.dma_semaphore, #tpu.memory_space<semaphore_mem>>
          %dma_start3A = arith.constant 0 : i32
          %dma_start3A_179 = arith.constant 0 : i32
          %dma_start3A_180 = tpu.memref_slice %arg9[%run_scoped3A, %dma_start3A, %dma_start3A_179] : memref<6x128x64xf32, #tpu.memory_space<vmem>> -> memref<1x128x64xf32, #tpu.memory_space<vmem>>
          %dma_start3A_181 = tpu.memref_squeeze %dma_start3A_180 : memref<1x128x64xf32, #tpu.memory_space<vmem>> -> memref<128x64xf32, #tpu.memory_space<vmem>>
          %dma_start3A_182 = arith.constant 0 : i32
          %dma_start3A_183 = tpu.memref_slice %arg8[%add3A_69, %dma_start3A_182] : memref<79x128xi32, #tpu.memory_space<vmem>> -> memref<1x128xi32, #tpu.memory_space<vmem>>
          %dma_start3A_184 = tpu.memref_squeeze %dma_start3A_183 : memref<1x128xi32, #tpu.memory_space<vmem>> -> memref<128xi32, #tpu.memory_space<vmem>>
          %dma_start3A_185 = arith.constant 0 : i32
          %dma_start3A_186 = arith.constant 0 : i32
          %dma_start3A_187 = tpu.memref_slice %arg10[%dma_start3A_185, %dma_start3A_186] : memref<10000x64xf32, #tpu.memory_space<vmem_shared>> -> memref<10000x64xf32, #tpu.memory_space<vmem_shared>>
          tpu.enqueue_indirect_dma source(%dma_start3A_181 : memref<128x64xf32, #tpu.memory_space<vmem>>) target(%dma_start3A_187 : memref<10000x64xf32, #tpu.memory_space<vmem_shared>>) offsets(%dma_start3A_184 : memref<128xi32, #tpu.memory_space<vmem>>) semaphore(%run_scoped3A_178 : memref<!tpu.dma_semaphore, #tpu.memory_space<semaphore_mem>>) {add = true}
          %dma_wait3A_188 = arith.constant 0 : i32
          %dma_wait3A_189 = arith.constant 0 : i32
          %dma_wait3A_190 = tpu.memref_slice %arg9[%run_scoped3A, %dma_wait3A_188, %dma_wait3A_189] : memref<6x128x64xf32, #tpu.memory_space<vmem>> -> memref<1x128x64xf32, #tpu.memory_space<vmem>>
          %dma_wait3A_191 = tpu.memref_squeeze %dma_wait3A_190 : memref<1x128x64xf32, #tpu.memory_space<vmem>> -> memref<128x64xf32, #tpu.memory_space<vmem>>
          %dma_wait3A_192 = arith.constant 0 : i32
          %dma_wait3A_193 = tpu.memref_slice %arg8[%add3A_69, %dma_wait3A_192] : memref<79x128xi32, #tpu.memory_space<vmem>> -> memref<1x128xi32, #tpu.memory_space<vmem>>
          %dma_wait3A_194 = tpu.memref_squeeze %dma_wait3A_193 : memref<1x128xi32, #tpu.memory_space<vmem>> -> memref<128xi32, #tpu.memory_space<vmem>>
          %dma_wait3A_195 = arith.constant 0 : i32
          %dma_wait3A_196 = arith.constant 0 : i32
          %dma_wait3A_197 = tpu.memref_slice %arg10[%dma_wait3A_195, %dma_wait3A_196] : memref<10000x64xf32, #tpu.memory_space<vmem_shared>> -> memref<10000x64xf32, #tpu.memory_space<vmem_shared>>
          tpu.wait_indirect_dma semaphore(%run_scoped3A_178 : memref<!tpu.dma_semaphore, #tpu.memory_space<semaphore_mem>>) src(%dma_wait3A_191 : memref<128x64xf32, #tpu.memory_space<vmem>>) dst(%dma_wait3A_197 : memref<10000x64xf32, #tpu.memory_space<vmem_shared>>)
          tpu.yield
        }) : () -> ()
      } else {
      }
      %lt3A_80 = arith.cmpi slt, %add3A_75, %min3A : i32
      %convert_element_type3A_81 = arith.extui %lt3A_80 : i1 to i32
      %cond3A_82 = arith.constant 0 : i32
      %cond3A_83 = arith.cmpi ne, %convert_element_type3A_81, %cond3A_82 : i32
      scf.if %cond3A_83 {
        %dma_start3A = arith.constant 1 : i32
        %dma_start3A_156 = arith.constant 0 : i32
        %dma_start3A_157 = arith.constant 0 : i32
        %dma_start3A_158 = tpu.memref_slice %arg9[%dma_start3A, %dma_start3A_156, %dma_start3A_157] : memref<6x128x64xf32, #tpu.memory_space<vmem>> -> memref<1x128x64xf32, #tpu.memory_space<vmem>>
        %dma_start3A_159 = tpu.memref_squeeze %dma_start3A_158 : memref<1x128x64xf32, #tpu.memory_space<vmem>> -> memref<128x64xf32, #tpu.memory_space<vmem>>
        %dma_start3A_160 = arith.constant 0 : i32
        %dma_start3A_161 = tpu.memref_slice %arg7[%add3A_75, %dma_start3A_160] : memref<79x128xi32, #tpu.memory_space<vmem>> -> memref<1x128xi32, #tpu.memory_space<vmem>>
        %dma_start3A_162 = tpu.memref_squeeze %dma_start3A_161 : memref<1x128xi32, #tpu.memory_space<vmem>> -> memref<128xi32, #tpu.memory_space<vmem>>
        %dma_start3A_163 = arith.constant 0 : i32
        %dma_start3A_164 = arith.constant 0 : i32
        %dma_start3A_165 = tpu.memref_slice %arg2[%arg0, %dma_start3A_163, %dma_start3A_164] : memref<2x10000x64xf32, #tpu.memory_space<hbm>> -> memref<1x10000x64xf32, #tpu.memory_space<hbm>>
        %dma_start3A_166 = tpu.memref_squeeze %dma_start3A_165 : memref<1x10000x64xf32, #tpu.memory_space<hbm>> -> memref<10000x64xf32, #tpu.memory_space<hbm>>
        %dma_start3A_167 = arith.constant 0 : i32
        %dma_start3A_168 = arith.constant 0 : i32
        %dma_start3A_169 = tpu.memref_slice %dma_start3A_166[%dma_start3A_167, %dma_start3A_168] : memref<10000x64xf32, #tpu.memory_space<hbm>> -> memref<10000x64xf32, #tpu.memory_space<hbm>>
        tpu.enqueue_indirect_dma source(%dma_start3A_169 : memref<10000x64xf32, #tpu.memory_space<hbm>>) target(%dma_start3A_159 : memref<128x64xf32, #tpu.memory_space<vmem>>) offsets(%dma_start3A_162 : memref<128xi32, #tpu.memory_space<vmem>>) semaphore(%arg12 : memref<!tpu.dma_semaphore, #tpu.memory_space<semaphore_mem>>)
      } else {
      }
      %mul3A_84 = arith.constant 6 : i32
      %mul3A_85 = arith.muli %scan3A_49, %mul3A_84 : i32
      %add3A_86 = arith.constant 2 : i32
      %add3A_87 = arith.addi %mul3A_85, %add3A_86 : i32
      %add3A_88 = arith.constant 1 : i32
      %add3A_89 = arith.addi %scan3A_49, %add3A_88 : i32
      %mul3A_90 = arith.constant 6 : i32
      %mul3A_91 = arith.muli %add3A_89, %mul3A_90 : i32
      %add3A_92 = arith.constant 2 : i32
      %add3A_93 = arith.addi %mul3A_91, %add3A_92 : i32
      %lt3A_94 = arith.cmpi slt, %add3A_87, %min3A : i32
      %convert_element_type3A_95 = arith.extui %lt3A_94 : i1 to i32
      %cond3A_96 = arith.constant 0 : i32
      %cond3A_97 = arith.cmpi ne, %convert_element_type3A_95, %cond3A_96 : i32
      scf.if %cond3A_97 {
        %dma_wait3A = arith.constant 2 : i32
        %dma_wait3A_156 = arith.constant 0 : i32
        %dma_wait3A_157 = arith.constant 0 : i32
        %dma_wait3A_158 = tpu.memref_slice %arg9[%dma_wait3A, %dma_wait3A_156, %dma_wait3A_157] : memref<6x128x64xf32, #tpu.memory_space<vmem>> -> memref<1x128x64xf32, #tpu.memory_space<vmem>>
        %dma_wait3A_159 = tpu.memref_squeeze %dma_wait3A_158 : memref<1x128x64xf32, #tpu.memory_space<vmem>> -> memref<128x64xf32, #tpu.memory_space<vmem>>
        %dma_wait3A_160 = arith.constant 0 : i32
        %dma_wait3A_161 = arith.constant 0 : i32
        %dma_wait3A_162 = tpu.memref_slice %arg2[%arg0, %dma_wait3A_160, %dma_wait3A_161] : memref<2x10000x64xf32, #tpu.memory_space<hbm>> -> memref<1x10000x64xf32, #tpu.memory_space<hbm>>
        %dma_wait3A_163 = tpu.memref_squeeze %dma_wait3A_162 : memref<1x10000x64xf32, #tpu.memory_space<hbm>> -> memref<10000x64xf32, #tpu.memory_space<hbm>>
        %dma_wait3A_164 = arith.constant 0 : i32
        %dma_wait3A_165 = arith.constant 0 : i32
        %dma_wait3A_166 = tpu.memref_slice %dma_wait3A_163[%dma_wait3A_164, %dma_wait3A_165] : memref<10000x64xf32, #tpu.memory_space<hbm>> -> memref<128x64xf32, #tpu.memory_space<hbm>>
        %dma_wait3A_167 = arith.constant 0 : i32
        %dma_wait3A_168 = arith.constant 0 : i32
        %dma_wait3A_169 = tpu.memref_slice %arg9[%dma_wait3A, %dma_wait3A_167, %dma_wait3A_168] : memref<6x128x64xf32, #tpu.memory_space<vmem>> -> memref<1x128x64xf32, #tpu.memory_space<vmem>>
        %dma_wait3A_170 = tpu.memref_squeeze %dma_wait3A_169 : memref<1x128x64xf32, #tpu.memory_space<vmem>> -> memref<128x64xf32, #tpu.memory_space<vmem>>
        %dma_wait3A_171 = arith.constant 0 : i32
        %dma_wait3A_172 = arith.constant 0 : i32
        %dma_wait3A_173 = tpu.memref_slice %arg2[%arg0, %dma_wait3A_171, %dma_wait3A_172] : memref<2x10000x64xf32, #tpu.memory_space<hbm>> -> memref<1x10000x64xf32, #tpu.memory_space<hbm>>
        %dma_wait3A_174 = tpu.memref_squeeze %dma_wait3A_173 : memref<1x10000x64xf32, #tpu.memory_space<hbm>> -> memref<10000x64xf32, #tpu.memory_space<hbm>>
        %dma_wait3A_175 = arith.constant 0 : i32
        %dma_wait3A_176 = arith.constant 0 : i32
        %dma_wait3A_177 = tpu.memref_slice %dma_wait3A_174[%dma_wait3A_175, %dma_wait3A_176] : memref<10000x64xf32, #tpu.memory_space<hbm>> -> memref<128x64xf32, #tpu.memory_space<hbm>>
        tpu.wait_dma2 semaphore(%arg13 : memref<!tpu.dma_semaphore, #tpu.memory_space<semaphore_mem>>) src(%dma_wait3A_177 : memref<128x64xf32, #tpu.memory_space<hbm>>) dst(%dma_wait3A_170 : memref<128x64xf32, #tpu.memory_space<vmem>>)
        %run_scoped3A = arith.constant 2 : i32
        "tpu.region"() ({
          %run_scoped3A_178 = tpu.sem_alloc : memref<!tpu.dma_semaphore, #tpu.memory_space<semaphore_mem>>
          %dma_start3A = arith.constant 0 : i32
          %dma_start3A_179 = arith.constant 0 : i32
          %dma_start3A_180 = tpu.memref_slice %arg9[%run_scoped3A, %dma_start3A, %dma_start3A_179] : memref<6x128x64xf32, #tpu.memory_space<vmem>> -> memref<1x128x64xf32, #tpu.memory_space<vmem>>
          %dma_start3A_181 = tpu.memref_squeeze %dma_start3A_180 : memref<1x128x64xf32, #tpu.memory_space<vmem>> -> memref<128x64xf32, #tpu.memory_space<vmem>>
          %dma_start3A_182 = arith.constant 0 : i32
          %dma_start3A_183 = tpu.memref_slice %arg8[%add3A_87, %dma_start3A_182] : memref<79x128xi32, #tpu.memory_space<vmem>> -> memref<1x128xi32, #tpu.memory_space<vmem>>
          %dma_start3A_184 = tpu.memref_squeeze %dma_start3A_183 : memref<1x128xi32, #tpu.memory_space<vmem>> -> memref<128xi32, #tpu.memory_space<vmem>>
          %dma_start3A_185 = arith.constant 0 : i32
          %dma_start3A_186 = arith.constant 0 : i32
          %dma_start3A_187 = tpu.memref_slice %arg10[%dma_start3A_185, %dma_start3A_186] : memref<10000x64xf32, #tpu.memory_space<vmem_shared>> -> memref<10000x64xf32, #tpu.memory_space<vmem_shared>>
          tpu.enqueue_indirect_dma source(%dma_start3A_181 : memref<128x64xf32, #tpu.memory_space<vmem>>) target(%dma_start3A_187 : memref<10000x64xf32, #tpu.memory_space<vmem_shared>>) offsets(%dma_start3A_184 : memref<128xi32, #tpu.memory_space<vmem>>) semaphore(%run_scoped3A_178 : memref<!tpu.dma_semaphore, #tpu.memory_space<semaphore_mem>>) {add = true}
          %dma_wait3A_188 = arith.constant 0 : i32
          %dma_wait3A_189 = arith.constant 0 : i32
          %dma_wait3A_190 = tpu.memref_slice %arg9[%run_scoped3A, %dma_wait3A_188, %dma_wait3A_189] : memref<6x128x64xf32, #tpu.memory_space<vmem>> -> memref<1x128x64xf32, #tpu.memory_space<vmem>>
          %dma_wait3A_191 = tpu.memref_squeeze %dma_wait3A_190 : memref<1x128x64xf32, #tpu.memory_space<vmem>> -> memref<128x64xf32, #tpu.memory_space<vmem>>
          %dma_wait3A_192 = arith.constant 0 : i32
          %dma_wait3A_193 = tpu.memref_slice %arg8[%add3A_87, %dma_wait3A_192] : memref<79x128xi32, #tpu.memory_space<vmem>> -> memref<1x128xi32, #tpu.memory_space<vmem>>
          %dma_wait3A_194 = tpu.memref_squeeze %dma_wait3A_193 : memref<1x128xi32, #tpu.memory_space<vmem>> -> memref<128xi32, #tpu.memory_space<vmem>>
          %dma_wait3A_195 = arith.constant 0 : i32
          %dma_wait3A_196 = arith.constant 0 : i32
          %dma_wait3A_197 = tpu.memref_slice %arg10[%dma_wait3A_195, %dma_wait3A_196] : memref<10000x64xf32, #tpu.memory_space<vmem_shared>> -> memref<10000x64xf32, #tpu.memory_space<vmem_shared>>
          tpu.wait_indirect_dma semaphore(%run_scoped3A_178 : memref<!tpu.dma_semaphore, #tpu.memory_space<semaphore_mem>>) src(%dma_wait3A_191 : memref<128x64xf32, #tpu.memory_space<vmem>>) dst(%dma_wait3A_197 : memref<10000x64xf32, #tpu.memory_space<vmem_shared>>)
          tpu.yield
        }) : () -> ()
      } else {
      }
      %lt3A_98 = arith.cmpi slt, %add3A_93, %min3A : i32
      %convert_element_type3A_99 = arith.extui %lt3A_98 : i1 to i32
      %cond3A_100 = arith.constant 0 : i32
      %cond3A_101 = arith.cmpi ne, %convert_element_type3A_99, %cond3A_100 : i32
      scf.if %cond3A_101 {
        %dma_start3A = arith.constant 2 : i32
        %dma_start3A_156 = arith.constant 0 : i32
        %dma_start3A_157 = arith.constant 0 : i32
        %dma_start3A_158 = tpu.memref_slice %arg9[%dma_start3A, %dma_start3A_156, %dma_start3A_157] : memref<6x128x64xf32, #tpu.memory_space<vmem>> -> memref<1x128x64xf32, #tpu.memory_space<vmem>>
        %dma_start3A_159 = tpu.memref_squeeze %dma_start3A_158 : memref<1x128x64xf32, #tpu.memory_space<vmem>> -> memref<128x64xf32, #tpu.memory_space<vmem>>
        %dma_start3A_160 = arith.constant 0 : i32
        %dma_start3A_161 = tpu.memref_slice %arg7[%add3A_93, %dma_start3A_160] : memref<79x128xi32, #tpu.memory_space<vmem>> -> memref<1x128xi32, #tpu.memory_space<vmem>>
        %dma_start3A_162 = tpu.memref_squeeze %dma_start3A_161 : memref<1x128xi32, #tpu.memory_space<vmem>> -> memref<128xi32, #tpu.memory_space<vmem>>
        %dma_start3A_163 = arith.constant 0 : i32
        %dma_start3A_164 = arith.constant 0 : i32
        %dma_start3A_165 = tpu.memref_slice %arg2[%arg0, %dma_start3A_163, %dma_start3A_164] : memref<2x10000x64xf32, #tpu.memory_space<hbm>> -> memref<1x10000x64xf32, #tpu.memory_space<hbm>>
        %dma_start3A_166 = tpu.memref_squeeze %dma_start3A_165 : memref<1x10000x64xf32, #tpu.memory_space<hbm>> -> memref<10000x64xf32, #tpu.memory_space<hbm>>
        %dma_start3A_167 = arith.constant 0 : i32
        %dma_start3A_168 = arith.constant 0 : i32
        %dma_start3A_169 = tpu.memref_slice %dma_start3A_166[%dma_start3A_167, %dma_start3A_168] : memref<10000x64xf32, #tpu.memory_space<hbm>> -> memref<10000x64xf32, #tpu.memory_space<hbm>>
        tpu.enqueue_indirect_dma source(%dma_start3A_169 : memref<10000x64xf32, #tpu.memory_space<hbm>>) target(%dma_start3A_159 : memref<128x64xf32, #tpu.memory_space<vmem>>) offsets(%dma_start3A_162 : memref<128xi32, #tpu.memory_space<vmem>>) semaphore(%arg13 : memref<!tpu.dma_semaphore, #tpu.memory_space<semaphore_mem>>)
      } else {
      }
      %mul3A_102 = arith.constant 6 : i32
      %mul3A_103 = arith.muli %scan3A_49, %mul3A_102 : i32
      %add3A_104 = arith.constant 3 : i32
      %add3A_105 = arith.addi %mul3A_103, %add3A_104 : i32
      %add3A_106 = arith.constant 1 : i32
      %add3A_107 = arith.addi %scan3A_49, %add3A_106 : i32
      %mul3A_108 = arith.constant 6 : i32
      %mul3A_109 = arith.muli %add3A_107, %mul3A_108 : i32
      %add3A_110 = arith.constant 3 : i32
      %add3A_111 = arith.addi %mul3A_109, %add3A_110 : i32
      %lt3A_112 = arith.cmpi slt, %add3A_105, %min3A : i32
      %convert_element_type3A_113 = arith.extui %lt3A_112 : i1 to i32
      %cond3A_114 = arith.constant 0 : i32
      %cond3A_115 = arith.cmpi ne, %convert_element_type3A_113, %cond3A_114 : i32
      scf.if %cond3A_115 {
        %dma_wait3A = arith.constant 3 : i32
        %dma_wait3A_156 = arith.constant 0 : i32
        %dma_wait3A_157 = arith.constant 0 : i32
        %dma_wait3A_158 = tpu.memref_slice %arg9[%dma_wait3A, %dma_wait3A_156, %dma_wait3A_157] : memref<6x128x64xf32, #tpu.memory_space<vmem>> -> memref<1x128x64xf32, #tpu.memory_space<vmem>>
        %dma_wait3A_159 = tpu.memref_squeeze %dma_wait3A_158 : memref<1x128x64xf32, #tpu.memory_space<vmem>> -> memref<128x64xf32, #tpu.memory_space<vmem>>
        %dma_wait3A_160 = arith.constant 0 : i32
        %dma_wait3A_161 = arith.constant 0 : i32
        %dma_wait3A_162 = tpu.memref_slice %arg2[%arg0, %dma_wait3A_160, %dma_wait3A_161] : memref<2x10000x64xf32, #tpu.memory_space<hbm>> -> memref<1x10000x64xf32, #tpu.memory_space<hbm>>
        %dma_wait3A_163 = tpu.memref_squeeze %dma_wait3A_162 : memref<1x10000x64xf32, #tpu.memory_space<hbm>> -> memref<10000x64xf32, #tpu.memory_space<hbm>>
        %dma_wait3A_164 = arith.constant 0 : i32
        %dma_wait3A_165 = arith.constant 0 : i32
        %dma_wait3A_166 = tpu.memref_slice %dma_wait3A_163[%dma_wait3A_164, %dma_wait3A_165] : memref<10000x64xf32, #tpu.memory_space<hbm>> -> memref<128x64xf32, #tpu.memory_space<hbm>>
        %dma_wait3A_167 = arith.constant 0 : i32
        %dma_wait3A_168 = arith.constant 0 : i32
        %dma_wait3A_169 = tpu.memref_slice %arg9[%dma_wait3A, %dma_wait3A_167, %dma_wait3A_168] : memref<6x128x64xf32, #tpu.memory_space<vmem>> -> memref<1x128x64xf32, #tpu.memory_space<vmem>>
        %dma_wait3A_170 = tpu.memref_squeeze %dma_wait3A_169 : memref<1x128x64xf32, #tpu.memory_space<vmem>> -> memref<128x64xf32, #tpu.memory_space<vmem>>
        %dma_wait3A_171 = arith.constant 0 : i32
        %dma_wait3A_172 = arith.constant 0 : i32
        %dma_wait3A_173 = tpu.memref_slice %arg2[%arg0, %dma_wait3A_171, %dma_wait3A_172] : memref<2x10000x64xf32, #tpu.memory_space<hbm>> -> memref<1x10000x64xf32, #tpu.memory_space<hbm>>
        %dma_wait3A_174 = tpu.memref_squeeze %dma_wait3A_173 : memref<1x10000x64xf32, #tpu.memory_space<hbm>> -> memref<10000x64xf32, #tpu.memory_space<hbm>>
        %dma_wait3A_175 = arith.constant 0 : i32
        %dma_wait3A_176 = arith.constant 0 : i32
        %dma_wait3A_177 = tpu.memref_slice %dma_wait3A_174[%dma_wait3A_175, %dma_wait3A_176] : memref<10000x64xf32, #tpu.memory_space<hbm>> -> memref<128x64xf32, #tpu.memory_space<hbm>>
        tpu.wait_dma2 semaphore(%arg14 : memref<!tpu.dma_semaphore, #tpu.memory_space<semaphore_mem>>) src(%dma_wait3A_177 : memref<128x64xf32, #tpu.memory_space<hbm>>) dst(%dma_wait3A_170 : memref<128x64xf32, #tpu.memory_space<vmem>>)
        %run_scoped3A = arith.constant 3 : i32
        "tpu.region"() ({
          %run_scoped3A_178 = tpu.sem_alloc : memref<!tpu.dma_semaphore, #tpu.memory_space<semaphore_mem>>
          %dma_start3A = arith.constant 0 : i32
          %dma_start3A_179 = arith.constant 0 : i32
          %dma_start3A_180 = tpu.memref_slice %arg9[%run_scoped3A, %dma_start3A, %dma_start3A_179] : memref<6x128x64xf32, #tpu.memory_space<vmem>> -> memref<1x128x64xf32, #tpu.memory_space<vmem>>
          %dma_start3A_181 = tpu.memref_squeeze %dma_start3A_180 : memref<1x128x64xf32, #tpu.memory_space<vmem>> -> memref<128x64xf32, #tpu.memory_space<vmem>>
          %dma_start3A_182 = arith.constant 0 : i32
          %dma_start3A_183 = tpu.memref_slice %arg8[%add3A_105, %dma_start3A_182] : memref<79x128xi32, #tpu.memory_space<vmem>> -> memref<1x128xi32, #tpu.memory_space<vmem>>
          %dma_start3A_184 = tpu.memref_squeeze %dma_start3A_183 : memref<1x128xi32, #tpu.memory_space<vmem>> -> memref<128xi32, #tpu.memory_space<vmem>>
          %dma_start3A_185 = arith.constant 0 : i32
          %dma_start3A_186 = arith.constant 0 : i32
          %dma_start3A_187 = tpu.memref_slice %arg10[%dma_start3A_185, %dma_start3A_186] : memref<10000x64xf32, #tpu.memory_space<vmem_shared>> -> memref<10000x64xf32, #tpu.memory_space<vmem_shared>>
          tpu.enqueue_indirect_dma source(%dma_start3A_181 : memref<128x64xf32, #tpu.memory_space<vmem>>) target(%dma_start3A_187 : memref<10000x64xf32, #tpu.memory_space<vmem_shared>>) offsets(%dma_start3A_184 : memref<128xi32, #tpu.memory_space<vmem>>) semaphore(%run_scoped3A_178 : memref<!tpu.dma_semaphore, #tpu.memory_space<semaphore_mem>>) {add = true}
          %dma_wait3A_188 = arith.constant 0 : i32
          %dma_wait3A_189 = arith.constant 0 : i32
          %dma_wait3A_190 = tpu.memref_slice %arg9[%run_scoped3A, %dma_wait3A_188, %dma_wait3A_189] : memref<6x128x64xf32, #tpu.memory_space<vmem>> -> memref<1x128x64xf32, #tpu.memory_space<vmem>>
          %dma_wait3A_191 = tpu.memref_squeeze %dma_wait3A_190 : memref<1x128x64xf32, #tpu.memory_space<vmem>> -> memref<128x64xf32, #tpu.memory_space<vmem>>
          %dma_wait3A_192 = arith.constant 0 : i32
          %dma_wait3A_193 = tpu.memref_slice %arg8[%add3A_105, %dma_wait3A_192] : memref<79x128xi32, #tpu.memory_space<vmem>> -> memref<1x128xi32, #tpu.memory_space<vmem>>
          %dma_wait3A_194 = tpu.memref_squeeze %dma_wait3A_193 : memref<1x128xi32, #tpu.memory_space<vmem>> -> memref<128xi32, #tpu.memory_space<vmem>>
          %dma_wait3A_195 = arith.constant 0 : i32
          %dma_wait3A_196 = arith.constant 0 : i32
          %dma_wait3A_197 = tpu.memref_slice %arg10[%dma_wait3A_195, %dma_wait3A_196] : memref<10000x64xf32, #tpu.memory_space<vmem_shared>> -> memref<10000x64xf32, #tpu.memory_space<vmem_shared>>
          tpu.wait_indirect_dma semaphore(%run_scoped3A_178 : memref<!tpu.dma_semaphore, #tpu.memory_space<semaphore_mem>>) src(%dma_wait3A_191 : memref<128x64xf32, #tpu.memory_space<vmem>>) dst(%dma_wait3A_197 : memref<10000x64xf32, #tpu.memory_space<vmem_shared>>)
          tpu.yield
        }) : () -> ()
      } else {
      }
      %lt3A_116 = arith.cmpi slt, %add3A_111, %min3A : i32
      %convert_element_type3A_117 = arith.extui %lt3A_116 : i1 to i32
      %cond3A_118 = arith.constant 0 : i32
      %cond3A_119 = arith.cmpi ne, %convert_element_type3A_117, %cond3A_118 : i32
      scf.if %cond3A_119 {
        %dma_start3A = arith.constant 3 : i32
        %dma_start3A_156 = arith.constant 0 : i32
        %dma_start3A_157 = arith.constant 0 : i32
        %dma_start3A_158 = tpu.memref_slice %arg9[%dma_start3A, %dma_start3A_156, %dma_start3A_157] : memref<6x128x64xf32, #tpu.memory_space<vmem>> -> memref<1x128x64xf32, #tpu.memory_space<vmem>>
        %dma_start3A_159 = tpu.memref_squeeze %dma_start3A_158 : memref<1x128x64xf32, #tpu.memory_space<vmem>> -> memref<128x64xf32, #tpu.memory_space<vmem>>
        %dma_start3A_160 = arith.constant 0 : i32
        %dma_start3A_161 = tpu.memref_slice %arg7[%add3A_111, %dma_start3A_160] : memref<79x128xi32, #tpu.memory_space<vmem>> -> memref<1x128xi32, #tpu.memory_space<vmem>>
        %dma_start3A_162 = tpu.memref_squeeze %dma_start3A_161 : memref<1x128xi32, #tpu.memory_space<vmem>> -> memref<128xi32, #tpu.memory_space<vmem>>
        %dma_start3A_163 = arith.constant 0 : i32
        %dma_start3A_164 = arith.constant 0 : i32
        %dma_start3A_165 = tpu.memref_slice %arg2[%arg0, %dma_start3A_163, %dma_start3A_164] : memref<2x10000x64xf32, #tpu.memory_space<hbm>> -> memref<1x10000x64xf32, #tpu.memory_space<hbm>>
        %dma_start3A_166 = tpu.memref_squeeze %dma_start3A_165 : memref<1x10000x64xf32, #tpu.memory_space<hbm>> -> memref<10000x64xf32, #tpu.memory_space<hbm>>
        %dma_start3A_167 = arith.constant 0 : i32
        %dma_start3A_168 = arith.constant 0 : i32
        %dma_start3A_169 = tpu.memref_slice %dma_start3A_166[%dma_start3A_167, %dma_start3A_168] : memref<10000x64xf32, #tpu.memory_space<hbm>> -> memref<10000x64xf32, #tpu.memory_space<hbm>>
        tpu.enqueue_indirect_dma source(%dma_start3A_169 : memref<10000x64xf32, #tpu.memory_space<hbm>>) target(%dma_start3A_159 : memref<128x64xf32, #tpu.memory_space<vmem>>) offsets(%dma_start3A_162 : memref<128xi32, #tpu.memory_space<vmem>>) semaphore(%arg14 : memref<!tpu.dma_semaphore, #tpu.memory_space<semaphore_mem>>)
      } else {
      }
      %mul3A_120 = arith.constant 6 : i32
      %mul3A_121 = arith.muli %scan3A_49, %mul3A_120 : i32
      %add3A_122 = arith.constant 4 : i32
      %add3A_123 = arith.addi %mul3A_121, %add3A_122 : i32
      %add3A_124 = arith.constant 1 : i32
      %add3A_125 = arith.addi %scan3A_49, %add3A_124 : i32
      %mul3A_126 = arith.constant 6 : i32
      %mul3A_127 = arith.muli %add3A_125, %mul3A_126 : i32
      %add3A_128 = arith.constant 4 : i32
      %add3A_129 = arith.addi %mul3A_127, %add3A_128 : i32
      %lt3A_130 = arith.cmpi slt, %add3A_123, %min3A : i32
      %convert_element_type3A_131 = arith.extui %lt3A_130 : i1 to i32
      %cond3A_132 = arith.constant 0 : i32
      %cond3A_133 = arith.cmpi ne, %convert_element_type3A_131, %cond3A_132 : i32
      scf.if %cond3A_133 {
        %dma_wait3A = arith.constant 4 : i32
        %dma_wait3A_156 = arith.constant 0 : i32
        %dma_wait3A_157 = arith.constant 0 : i32
        %dma_wait3A_158 = tpu.memref_slice %arg9[%dma_wait3A, %dma_wait3A_156, %dma_wait3A_157] : memref<6x128x64xf32, #tpu.memory_space<vmem>> -> memref<1x128x64xf32, #tpu.memory_space<vmem>>
        %dma_wait3A_159 = tpu.memref_squeeze %dma_wait3A_158 : memref<1x128x64xf32, #tpu.memory_space<vmem>> -> memref<128x64xf32, #tpu.memory_space<vmem>>
        %dma_wait3A_160 = arith.constant 0 : i32
        %dma_wait3A_161 = arith.constant 0 : i32
        %dma_wait3A_162 = tpu.memref_slice %arg2[%arg0, %dma_wait3A_160, %dma_wait3A_161] : memref<2x10000x64xf32, #tpu.memory_space<hbm>> -> memref<1x10000x64xf32, #tpu.memory_space<hbm>>
        %dma_wait3A_163 = tpu.memref_squeeze %dma_wait3A_162 : memref<1x10000x64xf32, #tpu.memory_space<hbm>> -> memref<10000x64xf32, #tpu.memory_space<hbm>>
        %dma_wait3A_164 = arith.constant 0 : i32
        %dma_wait3A_165 = arith.constant 0 : i32
        %dma_wait3A_166 = tpu.memref_slice %dma_wait3A_163[%dma_wait3A_164, %dma_wait3A_165] : memref<10000x64xf32, #tpu.memory_space<hbm>> -> memref<128x64xf32, #tpu.memory_space<hbm>>
        %dma_wait3A_167 = arith.constant 0 : i32
        %dma_wait3A_168 = arith.constant 0 : i32
        %dma_wait3A_169 = tpu.memref_slice %arg9[%dma_wait3A, %dma_wait3A_167, %dma_wait3A_168] : memref<6x128x64xf32, #tpu.memory_space<vmem>> -> memref<1x128x64xf32, #tpu.memory_space<vmem>>
        %dma_wait3A_170 = tpu.memref_squeeze %dma_wait3A_169 : memref<1x128x64xf32, #tpu.memory_space<vmem>> -> memref<128x64xf32, #tpu.memory_space<vmem>>
        %dma_wait3A_171 = arith.constant 0 : i32
        %dma_wait3A_172 = arith.constant 0 : i32
        %dma_wait3A_173 = tpu.memref_slice %arg2[%arg0, %dma_wait3A_171, %dma_wait3A_172] : memref<2x10000x64xf32, #tpu.memory_space<hbm>> -> memref<1x10000x64xf32, #tpu.memory_space<hbm>>
        %dma_wait3A_174 = tpu.memref_squeeze %dma_wait3A_173 : memref<1x10000x64xf32, #tpu.memory_space<hbm>> -> memref<10000x64xf32, #tpu.memory_space<hbm>>
        %dma_wait3A_175 = arith.constant 0 : i32
        %dma_wait3A_176 = arith.constant 0 : i32
        %dma_wait3A_177 = tpu.memref_slice %dma_wait3A_174[%dma_wait3A_175, %dma_wait3A_176] : memref<10000x64xf32, #tpu.memory_space<hbm>> -> memref<128x64xf32, #tpu.memory_space<hbm>>
        tpu.wait_dma2 semaphore(%arg15 : memref<!tpu.dma_semaphore, #tpu.memory_space<semaphore_mem>>) src(%dma_wait3A_177 : memref<128x64xf32, #tpu.memory_space<hbm>>) dst(%dma_wait3A_170 : memref<128x64xf32, #tpu.memory_space<vmem>>)
        %run_scoped3A = arith.constant 4 : i32
        "tpu.region"() ({
          %run_scoped3A_178 = tpu.sem_alloc : memref<!tpu.dma_semaphore, #tpu.memory_space<semaphore_mem>>
          %dma_start3A = arith.constant 0 : i32
          %dma_start3A_179 = arith.constant 0 : i32
          %dma_start3A_180 = tpu.memref_slice %arg9[%run_scoped3A, %dma_start3A, %dma_start3A_179] : memref<6x128x64xf32, #tpu.memory_space<vmem>> -> memref<1x128x64xf32, #tpu.memory_space<vmem>>
          %dma_start3A_181 = tpu.memref_squeeze %dma_start3A_180 : memref<1x128x64xf32, #tpu.memory_space<vmem>> -> memref<128x64xf32, #tpu.memory_space<vmem>>
          %dma_start3A_182 = arith.constant 0 : i32
          %dma_start3A_183 = tpu.memref_slice %arg8[%add3A_123, %dma_start3A_182] : memref<79x128xi32, #tpu.memory_space<vmem>> -> memref<1x128xi32, #tpu.memory_space<vmem>>
          %dma_start3A_184 = tpu.memref_squeeze %dma_start3A_183 : memref<1x128xi32, #tpu.memory_space<vmem>> -> memref<128xi32, #tpu.memory_space<vmem>>
          %dma_start3A_185 = arith.constant 0 : i32
          %dma_start3A_186 = arith.constant 0 : i32
          %dma_start3A_187 = tpu.memref_slice %arg10[%dma_start3A_185, %dma_start3A_186] : memref<10000x64xf32, #tpu.memory_space<vmem_shared>> -> memref<10000x64xf32, #tpu.memory_space<vmem_shared>>
          tpu.enqueue_indirect_dma source(%dma_start3A_181 : memref<128x64xf32, #tpu.memory_space<vmem>>) target(%dma_start3A_187 : memref<10000x64xf32, #tpu.memory_space<vmem_shared>>) offsets(%dma_start3A_184 : memref<128xi32, #tpu.memory_space<vmem>>) semaphore(%run_scoped3A_178 : memref<!tpu.dma_semaphore, #tpu.memory_space<semaphore_mem>>) {add = true}
          %dma_wait3A_188 = arith.constant 0 : i32
          %dma_wait3A_189 = arith.constant 0 : i32
          %dma_wait3A_190 = tpu.memref_slice %arg9[%run_scoped3A, %dma_wait3A_188, %dma_wait3A_189] : memref<6x128x64xf32, #tpu.memory_space<vmem>> -> memref<1x128x64xf32, #tpu.memory_space<vmem>>
          %dma_wait3A_191 = tpu.memref_squeeze %dma_wait3A_190 : memref<1x128x64xf32, #tpu.memory_space<vmem>> -> memref<128x64xf32, #tpu.memory_space<vmem>>
          %dma_wait3A_192 = arith.constant 0 : i32
          %dma_wait3A_193 = tpu.memref_slice %arg8[%add3A_123, %dma_wait3A_192] : memref<79x128xi32, #tpu.memory_space<vmem>> -> memref<1x128xi32, #tpu.memory_space<vmem>>
          %dma_wait3A_194 = tpu.memref_squeeze %dma_wait3A_193 : memref<1x128xi32, #tpu.memory_space<vmem>> -> memref<128xi32, #tpu.memory_space<vmem>>
          %dma_wait3A_195 = arith.constant 0 : i32
          %dma_wait3A_196 = arith.constant 0 : i32
          %dma_wait3A_197 = tpu.memref_slice %arg10[%dma_wait3A_195, %dma_wait3A_196] : memref<10000x64xf32, #tpu.memory_space<vmem_shared>> -> memref<10000x64xf32, #tpu.memory_space<vmem_shared>>
          tpu.wait_indirect_dma semaphore(%run_scoped3A_178 : memref<!tpu.dma_semaphore, #tpu.memory_space<semaphore_mem>>) src(%dma_wait3A_191 : memref<128x64xf32, #tpu.memory_space<vmem>>) dst(%dma_wait3A_197 : memref<10000x64xf32, #tpu.memory_space<vmem_shared>>)
          tpu.yield
        }) : () -> ()
      } else {
      }
      %lt3A_134 = arith.cmpi slt, %add3A_129, %min3A : i32
      %convert_element_type3A_135 = arith.extui %lt3A_134 : i1 to i32
      %cond3A_136 = arith.constant 0 : i32
      %cond3A_137 = arith.cmpi ne, %convert_element_type3A_135, %cond3A_136 : i32
      scf.if %cond3A_137 {
        %dma_start3A = arith.constant 4 : i32
        %dma_start3A_156 = arith.constant 0 : i32
        %dma_start3A_157 = arith.constant 0 : i32
        %dma_start3A_158 = tpu.memref_slice %arg9[%dma_start3A, %dma_start3A_156, %dma_start3A_157] : memref<6x128x64xf32, #tpu.memory_space<vmem>> -> memref<1x128x64xf32, #tpu.memory_space<vmem>>
        %dma_start3A_159 = tpu.memref_squeeze %dma_start3A_158 : memref<1x128x64xf32, #tpu.memory_space<vmem>> -> memref<128x64xf32, #tpu.memory_space<vmem>>
        %dma_start3A_160 = arith.constant 0 : i32
        %dma_start3A_161 = tpu.memref_slice %arg7[%add3A_129, %dma_start3A_160] : memref<79x128xi32, #tpu.memory_space<vmem>> -> memref<1x128xi32, #tpu.memory_space<vmem>>
        %dma_start3A_162 = tpu.memref_squeeze %dma_start3A_161 : memref<1x128xi32, #tpu.memory_space<vmem>> -> memref<128xi32, #tpu.memory_space<vmem>>
        %dma_start3A_163 = arith.constant 0 : i32
        %dma_start3A_164 = arith.constant 0 : i32
        %dma_start3A_165 = tpu.memref_slice %arg2[%arg0, %dma_start3A_163, %dma_start3A_164] : memref<2x10000x64xf32, #tpu.memory_space<hbm>> -> memref<1x10000x64xf32, #tpu.memory_space<hbm>>
        %dma_start3A_166 = tpu.memref_squeeze %dma_start3A_165 : memref<1x10000x64xf32, #tpu.memory_space<hbm>> -> memref<10000x64xf32, #tpu.memory_space<hbm>>
        %dma_start3A_167 = arith.constant 0 : i32
        %dma_start3A_168 = arith.constant 0 : i32
        %dma_start3A_169 = tpu.memref_slice %dma_start3A_166[%dma_start3A_167, %dma_start3A_168] : memref<10000x64xf32, #tpu.memory_space<hbm>> -> memref<10000x64xf32, #tpu.memory_space<hbm>>
        tpu.enqueue_indirect_dma source(%dma_start3A_169 : memref<10000x64xf32, #tpu.memory_space<hbm>>) target(%dma_start3A_159 : memref<128x64xf32, #tpu.memory_space<vmem>>) offsets(%dma_start3A_162 : memref<128xi32, #tpu.memory_space<vmem>>) semaphore(%arg15 : memref<!tpu.dma_semaphore, #tpu.memory_space<semaphore_mem>>)
      } else {
      }
      %mul3A_138 = arith.constant 6 : i32
      %mul3A_139 = arith.muli %scan3A_49, %mul3A_138 : i32
      %add3A_140 = arith.constant 5 : i32
      %add3A_141 = arith.addi %mul3A_139, %add3A_140 : i32
      %add3A_142 = arith.constant 1 : i32
      %add3A_143 = arith.addi %scan3A_49, %add3A_142 : i32
      %mul3A_144 = arith.constant 6 : i32
      %mul3A_145 = arith.muli %add3A_143, %mul3A_144 : i32
      %add3A_146 = arith.constant 5 : i32
      %add3A_147 = arith.addi %mul3A_145, %add3A_146 : i32
      %lt3A_148 = arith.cmpi slt, %add3A_141, %min3A : i32
      %convert_element_type3A_149 = arith.extui %lt3A_148 : i1 to i32
      %cond3A_150 = arith.constant 0 : i32
      %cond3A_151 = arith.cmpi ne, %convert_element_type3A_149, %cond3A_150 : i32
      scf.if %cond3A_151 {
        %dma_wait3A = arith.constant 5 : i32
        %dma_wait3A_156 = arith.constant 0 : i32
        %dma_wait3A_157 = arith.constant 0 : i32
        %dma_wait3A_158 = tpu.memref_slice %arg9[%dma_wait3A, %dma_wait3A_156, %dma_wait3A_157] : memref<6x128x64xf32, #tpu.memory_space<vmem>> -> memref<1x128x64xf32, #tpu.memory_space<vmem>>
        %dma_wait3A_159 = tpu.memref_squeeze %dma_wait3A_158 : memref<1x128x64xf32, #tpu.memory_space<vmem>> -> memref<128x64xf32, #tpu.memory_space<vmem>>
        %dma_wait3A_160 = arith.constant 0 : i32
        %dma_wait3A_161 = arith.constant 0 : i32
        %dma_wait3A_162 = tpu.memref_slice %arg2[%arg0, %dma_wait3A_160, %dma_wait3A_161] : memref<2x10000x64xf32, #tpu.memory_space<hbm>> -> memref<1x10000x64xf32, #tpu.memory_space<hbm>>
        %dma_wait3A_163 = tpu.memref_squeeze %dma_wait3A_162 : memref<1x10000x64xf32, #tpu.memory_space<hbm>> -> memref<10000x64xf32, #tpu.memory_space<hbm>>
        %dma_wait3A_164 = arith.constant 0 : i32
        %dma_wait3A_165 = arith.constant 0 : i32
        %dma_wait3A_166 = tpu.memref_slice %dma_wait3A_163[%dma_wait3A_164, %dma_wait3A_165] : memref<10000x64xf32, #tpu.memory_space<hbm>> -> memref<128x64xf32, #tpu.memory_space<hbm>>
        %dma_wait3A_167 = arith.constant 0 : i32
        %dma_wait3A_168 = arith.constant 0 : i32
        %dma_wait3A_169 = tpu.memref_slice %arg9[%dma_wait3A, %dma_wait3A_167, %dma_wait3A_168] : memref<6x128x64xf32, #tpu.memory_space<vmem>> -> memref<1x128x64xf32, #tpu.memory_space<vmem>>
        %dma_wait3A_170 = tpu.memref_squeeze %dma_wait3A_169 : memref<1x128x64xf32, #tpu.memory_space<vmem>> -> memref<128x64xf32, #tpu.memory_space<vmem>>
        %dma_wait3A_171 = arith.constant 0 : i32
        %dma_wait3A_172 = arith.constant 0 : i32
        %dma_wait3A_173 = tpu.memref_slice %arg2[%arg0, %dma_wait3A_171, %dma_wait3A_172] : memref<2x10000x64xf32, #tpu.memory_space<hbm>> -> memref<1x10000x64xf32, #tpu.memory_space<hbm>>
        %dma_wait3A_174 = tpu.memref_squeeze %dma_wait3A_173 : memref<1x10000x64xf32, #tpu.memory_space<hbm>> -> memref<10000x64xf32, #tpu.memory_space<hbm>>
        %dma_wait3A_175 = arith.constant 0 : i32
        %dma_wait3A_176 = arith.constant 0 : i32
        %dma_wait3A_177 = tpu.memref_slice %dma_wait3A_174[%dma_wait3A_175, %dma_wait3A_176] : memref<10000x64xf32, #tpu.memory_space<hbm>> -> memref<128x64xf32, #tpu.memory_space<hbm>>
        tpu.wait_dma2 semaphore(%arg16 : memref<!tpu.dma_semaphore, #tpu.memory_space<semaphore_mem>>) src(%dma_wait3A_177 : memref<128x64xf32, #tpu.memory_space<hbm>>) dst(%dma_wait3A_170 : memref<128x64xf32, #tpu.memory_space<vmem>>)
        %run_scoped3A = arith.constant 5 : i32
        "tpu.region"() ({
          %run_scoped3A_178 = tpu.sem_alloc : memref<!tpu.dma_semaphore, #tpu.memory_space<semaphore_mem>>
          %dma_start3A = arith.constant 0 : i32
          %dma_start3A_179 = arith.constant 0 : i32
          %dma_start3A_180 = tpu.memref_slice %arg9[%run_scoped3A, %dma_start3A, %dma_start3A_179] : memref<6x128x64xf32, #tpu.memory_space<vmem>> -> memref<1x128x64xf32, #tpu.memory_space<vmem>>
          %dma_start3A_181 = tpu.memref_squeeze %dma_start3A_180 : memref<1x128x64xf32, #tpu.memory_space<vmem>> -> memref<128x64xf32, #tpu.memory_space<vmem>>
          %dma_start3A_182 = arith.constant 0 : i32
          %dma_start3A_183 = tpu.memref_slice %arg8[%add3A_141, %dma_start3A_182] : memref<79x128xi32, #tpu.memory_space<vmem>> -> memref<1x128xi32, #tpu.memory_space<vmem>>
          %dma_start3A_184 = tpu.memref_squeeze %dma_start3A_183 : memref<1x128xi32, #tpu.memory_space<vmem>> -> memref<128xi32, #tpu.memory_space<vmem>>
          %dma_start3A_185 = arith.constant 0 : i32
          %dma_start3A_186 = arith.constant 0 : i32
          %dma_start3A_187 = tpu.memref_slice %arg10[%dma_start3A_185, %dma_start3A_186] : memref<10000x64xf32, #tpu.memory_space<vmem_shared>> -> memref<10000x64xf32, #tpu.memory_space<vmem_shared>>
          tpu.enqueue_indirect_dma source(%dma_start3A_181 : memref<128x64xf32, #tpu.memory_space<vmem>>) target(%dma_start3A_187 : memref<10000x64xf32, #tpu.memory_space<vmem_shared>>) offsets(%dma_start3A_184 : memref<128xi32, #tpu.memory_space<vmem>>) semaphore(%run_scoped3A_178 : memref<!tpu.dma_semaphore, #tpu.memory_space<semaphore_mem>>) {add = true}
          %dma_wait3A_188 = arith.constant 0 : i32
          %dma_wait3A_189 = arith.constant 0 : i32
          %dma_wait3A_190 = tpu.memref_slice %arg9[%run_scoped3A, %dma_wait3A_188, %dma_wait3A_189] : memref<6x128x64xf32, #tpu.memory_space<vmem>> -> memref<1x128x64xf32, #tpu.memory_space<vmem>>
          %dma_wait3A_191 = tpu.memref_squeeze %dma_wait3A_190 : memref<1x128x64xf32, #tpu.memory_space<vmem>> -> memref<128x64xf32, #tpu.memory_space<vmem>>
          %dma_wait3A_192 = arith.constant 0 : i32
          %dma_wait3A_193 = tpu.memref_slice %arg8[%add3A_141, %dma_wait3A_192] : memref<79x128xi32, #tpu.memory_space<vmem>> -> memref<1x128xi32, #tpu.memory_space<vmem>>
          %dma_wait3A_194 = tpu.memref_squeeze %dma_wait3A_193 : memref<1x128xi32, #tpu.memory_space<vmem>> -> memref<128xi32, #tpu.memory_space<vmem>>
          %dma_wait3A_195 = arith.constant 0 : i32
          %dma_wait3A_196 = arith.constant 0 : i32
          %dma_wait3A_197 = tpu.memref_slice %arg10[%dma_wait3A_195, %dma_wait3A_196] : memref<10000x64xf32, #tpu.memory_space<vmem_shared>> -> memref<10000x64xf32, #tpu.memory_space<vmem_shared>>
          tpu.wait_indirect_dma semaphore(%run_scoped3A_178 : memref<!tpu.dma_semaphore, #tpu.memory_space<semaphore_mem>>) src(%dma_wait3A_191 : memref<128x64xf32, #tpu.memory_space<vmem>>) dst(%dma_wait3A_197 : memref<10000x64xf32, #tpu.memory_space<vmem_shared>>)
          tpu.yield
        }) : () -> ()
      } else {
      }
      %lt3A_152 = arith.cmpi slt, %add3A_147, %min3A : i32
      %convert_element_type3A_153 = arith.extui %lt3A_152 : i1 to i32
      %cond3A_154 = arith.constant 0 : i32
      %cond3A_155 = arith.cmpi ne, %convert_element_type3A_153, %cond3A_154 : i32
      scf.if %cond3A_155 {
        %dma_start3A = arith.constant 5 : i32
        %dma_start3A_156 = arith.constant 0 : i32
        %dma_start3A_157 = arith.constant 0 : i32
        %dma_start3A_158 = tpu.memref_slice %arg9[%dma_start3A, %dma_start3A_156, %dma_start3A_157] : memref<6x128x64xf32, #tpu.memory_space<vmem>> -> memref<1x128x64xf32, #tpu.memory_space<vmem>>
        %dma_start3A_159 = tpu.memref_squeeze %dma_start3A_158 : memref<1x128x64xf32, #tpu.memory_space<vmem>> -> memref<128x64xf32, #tpu.memory_space<vmem>>
        %dma_start3A_160 = arith.constant 0 : i32
        %dma_start3A_161 = tpu.memref_slice %arg7[%add3A_147, %dma_start3A_160] : memref<79x128xi32, #tpu.memory_space<vmem>> -> memref<1x128xi32, #tpu.memory_space<vmem>>
        %dma_start3A_162 = tpu.memref_squeeze %dma_start3A_161 : memref<1x128xi32, #tpu.memory_space<vmem>> -> memref<128xi32, #tpu.memory_space<vmem>>
        %dma_start3A_163 = arith.constant 0 : i32
        %dma_start3A_164 = arith.constant 0 : i32
        %dma_start3A_165 = tpu.memref_slice %arg2[%arg0, %dma_start3A_163, %dma_start3A_164] : memref<2x10000x64xf32, #tpu.memory_space<hbm>> -> memref<1x10000x64xf32, #tpu.memory_space<hbm>>
        %dma_start3A_166 = tpu.memref_squeeze %dma_start3A_165 : memref<1x10000x64xf32, #tpu.memory_space<hbm>> -> memref<10000x64xf32, #tpu.memory_space<hbm>>
        %dma_start3A_167 = arith.constant 0 : i32
        %dma_start3A_168 = arith.constant 0 : i32
        %dma_start3A_169 = tpu.memref_slice %dma_start3A_166[%dma_start3A_167, %dma_start3A_168] : memref<10000x64xf32, #tpu.memory_space<hbm>> -> memref<10000x64xf32, #tpu.memory_space<hbm>>
        tpu.enqueue_indirect_dma source(%dma_start3A_169 : memref<10000x64xf32, #tpu.memory_space<hbm>>) target(%dma_start3A_159 : memref<128x64xf32, #tpu.memory_space<vmem>>) offsets(%dma_start3A_162 : memref<128xi32, #tpu.memory_space<vmem>>) semaphore(%arg16 : memref<!tpu.dma_semaphore, #tpu.memory_space<semaphore_mem>>)
      } else {
      }
    }
    %scan3A_40 = arith.constant 14 : i32
    %barrier3A_41 = arith.constant 0 : index
    tpu.barrier barrier_id(%barrier3A_41)
    %mul3A_42 = arith.constant 64 : i32
    %mul3A_43 = arith.muli %arg0, %mul3A_42 : i32
    "tpu.region"() ({
      %run_scoped3A = tpu.sem_alloc : memref<!tpu.dma_semaphore, #tpu.memory_space<semaphore_mem>>
      %dma_start3A = tpu.memref_slice %arg6[%mul3A_0, %mul3A_43] : memref<10000x128xf32, #tpu.memory_space<hbm>> -> memref<624x64xf32, #tpu.memory_space<hbm>>
      %dma_start3A_49 = arith.constant 0 : i32
      %dma_start3A_50 = tpu.memref_slice %arg10[%mul3A_0, %dma_start3A_49] : memref<10000x64xf32, #tpu.memory_space<vmem_shared>> -> memref<624x64xf32, #tpu.memory_space<vmem_shared>>
      tpu.enqueue_dma source(%dma_start3A_50 : memref<624x64xf32, #tpu.memory_space<vmem_shared>>) target(%dma_start3A : memref<624x64xf32, #tpu.memory_space<hbm>>) target_semaphore(%run_scoped3A : memref<!tpu.dma_semaphore, #tpu.memory_space<semaphore_mem>>)
      %dma_wait3A = tpu.memref_slice %arg6[%mul3A_0, %mul3A_43] : memref<10000x128xf32, #tpu.memory_space<hbm>> -> memref<624x64xf32, #tpu.memory_space<hbm>>
      %dma_wait3A_51 = arith.constant 0 : i32
      %dma_wait3A_52 = tpu.memref_slice %arg10[%mul3A_0, %dma_wait3A_51] : memref<10000x64xf32, #tpu.memory_space<vmem_shared>> -> memref<624x64xf32, #tpu.memory_space<vmem_shared>>
      tpu.wait_dma2 semaphore(%run_scoped3A : memref<!tpu.dma_semaphore, #tpu.memory_space<semaphore_mem>>) src(%dma_wait3A_52 : memref<624x64xf32, #tpu.memory_space<vmem_shared>>) dst(%dma_wait3A : memref<624x64xf32, #tpu.memory_space<hbm>>)
      tpu.yield
    }) : () -> ()
    %eq3A_44 = arith.constant 15 : i32
    %eq3A_45 = arith.cmpi eq, %arg1, %eq3A_44 : i32
    %convert_element_type3A_46 = arith.extui %eq3A_45 : i1 to i32
    %cond3A_47 = arith.constant 0 : i32
    %cond3A_48 = arith.cmpi ne, %convert_element_type3A_46, %cond3A_47 : i32
    scf.if %cond3A_48 {
      %mul3A_49 = arith.constant 64 : i32
      %mul3A_50 = arith.muli %arg0, %mul3A_49 : i32
      "tpu.region"() ({
        %run_scoped3A = tpu.sem_alloc : memref<!tpu.dma_semaphore, #tpu.memory_space<semaphore_mem>>
        %dma_start3A = arith.constant 9984 : i32
        %dma_start3A_51 = tpu.memref_slice %arg6[%dma_start3A, %mul3A_50] : memref<10000x128xf32, #tpu.memory_space<hbm>> -> memref<16x64xf32, #tpu.memory_space<hbm>>
        %dma_start3A_52 = arith.constant 9984 : i32
        %dma_start3A_53 = arith.constant 0 : i32
        %dma_start3A_54 = tpu.memref_slice %arg10[%dma_start3A_52, %dma_start3A_53] : memref<10000x64xf32, #tpu.memory_space<vmem_shared>> -> memref<16x64xf32, #tpu.memory_space<vmem_shared>>
        tpu.enqueue_dma source(%dma_start3A_54 : memref<16x64xf32, #tpu.memory_space<vmem_shared>>) target(%dma_start3A_51 : memref<16x64xf32, #tpu.memory_space<hbm>>) target_semaphore(%run_scoped3A : memref<!tpu.dma_semaphore, #tpu.memory_space<semaphore_mem>>)
        %dma_wait3A = arith.constant 9984 : i32
        %dma_wait3A_55 = tpu.memref_slice %arg6[%dma_wait3A, %mul3A_50] : memref<10000x128xf32, #tpu.memory_space<hbm>> -> memref<16x64xf32, #tpu.memory_space<hbm>>
        %dma_wait3A_56 = arith.constant 9984 : i32
        %dma_wait3A_57 = arith.constant 0 : i32
        %dma_wait3A_58 = tpu.memref_slice %arg10[%dma_wait3A_56, %dma_wait3A_57] : memref<10000x64xf32, #tpu.memory_space<vmem_shared>> -> memref<16x64xf32, #tpu.memory_space<vmem_shared>>
        tpu.wait_dma2 semaphore(%run_scoped3A : memref<!tpu.dma_semaphore, #tpu.memory_space<semaphore_mem>>) src(%dma_wait3A_58 : memref<16x64xf32, #tpu.memory_space<vmem_shared>>) dst(%dma_wait3A_55 : memref<16x64xf32, #tpu.memory_space<hbm>>)
        tpu.yield
      }) : () -> ()
    } else {
    }
    return
  }
}

module attributes {stable_mosaic.version = 14 : i64} {
  func.func @_mm_split_block(%arg0: i32, %arg1: memref<2000x128xf32, #tpu.memory_space<vmem>>, %arg2: memref<128x128xf32, #tpu.memory_space<vmem>>, %arg3: memref<1x128xf32, #tpu.memory_space<vmem>>, %arg4: memref<2x2000x64xf32, #tpu.memory_space<vmem>>) attributes {dimension_semantics = [#tpu.dimension_semantics<arbitrary>], iteration_bounds = array<i64: 5>, scalar_prefetch = 0 : i64, scratch_operands = 0 : i64, tpu.core_type = #tpu.core_type<tc>, window_params = [{transform_indices = @transform_0, window_bounds = array<i64: 2000, 128>}, {pipeline_mode = #tpu.pipeline_mode<synchronous>, transform_indices = @transform_1, window_bounds = array<i64: 128, 128>}, {pipeline_mode = #tpu.pipeline_mode<synchronous>, transform_indices = @transform_2, window_bounds = array<i64: 1, 128>}, {transform_indices = @transform_3, window_bounds = array<i64: 2, 2000, 64>}]} {
    %get3A = arith.constant 0 : index
    %get3A_0 = arith.constant 0 : index
    %get3A_1 = vector.load %arg1[%get3A, %get3A_0] : memref<2000x128xf32, #tpu.memory_space<vmem>>, vector<2000x128xf32>
    %get3A_2 = arith.constant 0 : index
    %get3A_3 = arith.constant 0 : index
    %get3A_4 = vector.load %arg2[%get3A_2, %get3A_3] : memref<128x128xf32, #tpu.memory_space<vmem>>, vector<128x128xf32>
    %dot_general3A = arith.constant dense<0.000000e+00> : vector<2000x128xf32>
    %dot_general3A_5 = tpu.matmul %get3A_1, %get3A_4, %dot_general3A {dimension_numbers = #tpu.dot_dimension_numbers<[1], [0], [0], [1], [0, 0, 1, 1], [], []>, transpose_lhs_hint = false} : vector<2000x128xf32>, vector<128x128xf32>, vector<2000x128xf32> -> vector<2000x128xf32>
    %get3A_6 = arith.constant 0 : index
    %get3A_7 = arith.constant 0 : index
    %get3A_8 = vector.load %arg3[%get3A_6, %get3A_7] : memref<1x128xf32, #tpu.memory_space<vmem>>, vector<1x128xf32>
    %add3A = vector.broadcast %get3A_8 : vector<1x128xf32> to vector<2000x128xf32>
    %add3A_9 = arith.addf %dot_general3A_5, %add3A : vector<2000x128xf32>
    %slice3A = vector.extract_strided_slice %add3A_9 {offsets = [0, 0], sizes = [2000, 64], strides = [1, 1]} : vector<2000x128xf32> to vector<2000x64xf32>
    %swap3A = arith.constant 0 : index
    %swap3A_10 = arith.constant 0 : index
    %swap3A_11 = arith.constant 0 : index
    %swap3A_12 = vector.load %arg4[%swap3A, %swap3A_10, %swap3A_11] : memref<2x2000x64xf32, #tpu.memory_space<vmem>>, vector<1x2000x64xf32>
    %swap3A_13 = vector.shape_cast %swap3A_12 : vector<1x2000x64xf32> to vector<2000x64xf32>
    %swap3A_14 = vector.shape_cast %slice3A : vector<2000x64xf32> to vector<1x2000x64xf32>
    tpu.vector_store %arg4[%swap3A, %swap3A_10, %swap3A_11], %swap3A_14 {strides = array<i32>} : memref<2x2000x64xf32, #tpu.memory_space<vmem>>, vector<1x2000x64xf32>,
    %slice3A_15 = vector.extract_strided_slice %add3A_9 {offsets = [0, 64], sizes = [2000, 64], strides = [1, 1]} : vector<2000x128xf32> to vector<2000x64xf32>
    %swap3A_16 = arith.constant 1 : index
    %swap3A_17 = arith.constant 0 : index
    %swap3A_18 = arith.constant 0 : index
    %swap3A_19 = vector.load %arg4[%swap3A_16, %swap3A_17, %swap3A_18] : memref<2x2000x64xf32, #tpu.memory_space<vmem>>, vector<1x2000x64xf32>
    %swap3A_20 = vector.shape_cast %swap3A_19 : vector<1x2000x64xf32> to vector<2000x64xf32>
    %swap3A_21 = vector.shape_cast %slice3A_15 : vector<2000x64xf32> to vector<1x2000x64xf32>
    tpu.vector_store %arg4[%swap3A_16, %swap3A_17, %swap3A_18], %swap3A_21 {strides = array<i32>} : memref<2x2000x64xf32, #tpu.memory_space<vmem>>, vector<1x2000x64xf32>,
    return
  }
  func.func @transform_0(%arg0: i32) -> (i32, i32) {
    %c0_i32 = arith.constant 0 : i32
    %c0_i32_0 = arith.constant 0 : i32
    return %arg0, %c0_i32 : i32, i32
  }
  func.func @transform_1(%arg0: i32) -> (i32, i32) {
    %c0_i32 = arith.constant 0 : i32
    %c0_i32_0 = arith.constant 0 : i32
    %c0_i32_1 = arith.constant 0 : i32
    return %c0_i32, %c0_i32_0 : i32, i32
  }
  func.func @transform_2(%arg0: i32) -> (i32, i32) {
    %c0_i32 = arith.constant 0 : i32
    %c0_i32_0 = arith.constant 0 : i32
    %c0_i32_1 = arith.constant 0 : i32
    return %c0_i32, %c0_i32_0 : i32, i32
  }
  func.func @transform_3(%arg0: i32) -> (i32, i32, i32) {
    %c0_i32 = arith.constant 0 : i32
    %c0_i32_0 = arith.constant 0 : i32
    %c0_i32_1 = arith.constant 0 : i32
    return %c0_i32, %arg0, %c0_i32_0 : i32, i32, i32
  }
}

module attributes {stable_mosaic.version = 14 : i64} {
  func.func @_mm_split_block(%arg0: i32, %arg1: memref<2000x128xf32, #tpu.memory_space<vmem>>, %arg2: memref<128x64xf32, #tpu.memory_space<vmem>>, %arg3: memref<1x64xf32, #tpu.memory_space<vmem>>, %arg4: memref<2x2000x32xf32, #tpu.memory_space<vmem>>) attributes {dimension_semantics = [#tpu.dimension_semantics<arbitrary>], iteration_bounds = array<i64: 5>, scalar_prefetch = 0 : i64, scratch_operands = 0 : i64, tpu.core_type = #tpu.core_type<tc>, window_params = [{transform_indices = @transform_0, window_bounds = array<i64: 2000, 128>}, {pipeline_mode = #tpu.pipeline_mode<synchronous>, transform_indices = @transform_1, window_bounds = array<i64: 128, 64>}, {pipeline_mode = #tpu.pipeline_mode<synchronous>, transform_indices = @transform_2, window_bounds = array<i64: 1, 64>}, {transform_indices = @transform_3, window_bounds = array<i64: 2, 2000, 32>}]} {
    %get3A = arith.constant 0 : index
    %get3A_0 = arith.constant 0 : index
    %get3A_1 = vector.load %arg1[%get3A, %get3A_0] : memref<2000x128xf32, #tpu.memory_space<vmem>>, vector<2000x128xf32>
    %max3A = arith.constant 0.000000e+00 : f32
    %max3A_2 = vector.broadcast %max3A : f32 to vector<2000x128xf32>
    %max3A_3 = arith.maximumf %get3A_1, %max3A_2 : vector<2000x128xf32>
    %get3A_4 = arith.constant 0 : index
    %get3A_5 = arith.constant 0 : index
    %get3A_6 = vector.load %arg2[%get3A_4, %get3A_5] : memref<128x64xf32, #tpu.memory_space<vmem>>, vector<128x64xf32>
    %dot_general3A = arith.constant dense<0.000000e+00> : vector<2000x64xf32>
    %dot_general3A_7 = tpu.matmul %max3A_3, %get3A_6, %dot_general3A {dimension_numbers = #tpu.dot_dimension_numbers<[1], [0], [0], [1], [0, 0, 1, 1], [], []>, transpose_lhs_hint = false} : vector<2000x128xf32>, vector<128x64xf32>, vector<2000x64xf32> -> vector<2000x64xf32>
    %get3A_8 = arith.constant 0 : index
    %get3A_9 = arith.constant 0 : index
    %get3A_10 = vector.load %arg3[%get3A_8, %get3A_9] : memref<1x64xf32, #tpu.memory_space<vmem>>, vector<1x64xf32>
    %add3A = vector.broadcast %get3A_10 : vector<1x64xf32> to vector<2000x64xf32>
    %add3A_11 = arith.addf %dot_general3A_7, %add3A : vector<2000x64xf32>
    %slice3A = vector.extract_strided_slice %add3A_11 {offsets = [0, 0], sizes = [2000, 32], strides = [1, 1]} : vector<2000x64xf32> to vector<2000x32xf32>
    %swap3A = arith.constant 0 : index
    %swap3A_12 = arith.constant 0 : index
    %swap3A_13 = arith.constant 0 : index
    %swap3A_14 = vector.load %arg4[%swap3A, %swap3A_12, %swap3A_13] : memref<2x2000x32xf32, #tpu.memory_space<vmem>>, vector<1x2000x32xf32>
    %swap3A_15 = vector.shape_cast %swap3A_14 : vector<1x2000x32xf32> to vector<2000x32xf32>
    %swap3A_16 = vector.shape_cast %slice3A : vector<2000x32xf32> to vector<1x2000x32xf32>
    tpu.vector_store %arg4[%swap3A, %swap3A_12, %swap3A_13], %swap3A_16 {strides = array<i32>} : memref<2x2000x32xf32, #tpu.memory_space<vmem>>, vector<1x2000x32xf32>,
    %slice3A_17 = vector.extract_strided_slice %add3A_11 {offsets = [0, 32], sizes = [2000, 32], strides = [1, 1]} : vector<2000x64xf32> to vector<2000x32xf32>
    %swap3A_18 = arith.constant 1 : index
    %swap3A_19 = arith.constant 0 : index
    %swap3A_20 = arith.constant 0 : index
    %swap3A_21 = vector.load %arg4[%swap3A_18, %swap3A_19, %swap3A_20] : memref<2x2000x32xf32, #tpu.memory_space<vmem>>, vector<1x2000x32xf32>
    %swap3A_22 = vector.shape_cast %swap3A_21 : vector<1x2000x32xf32> to vector<2000x32xf32>
    %swap3A_23 = vector.shape_cast %slice3A_17 : vector<2000x32xf32> to vector<1x2000x32xf32>
    tpu.vector_store %arg4[%swap3A_18, %swap3A_19, %swap3A_20], %swap3A_23 {strides = array<i32>} : memref<2x2000x32xf32, #tpu.memory_space<vmem>>, vector<1x2000x32xf32>,
    return
  }
  func.func @transform_0(%arg0: i32) -> (i32, i32) {
    %c0_i32 = arith.constant 0 : i32
    %c0_i32_0 = arith.constant 0 : i32
    return %arg0, %c0_i32 : i32, i32
  }
  func.func @transform_1(%arg0: i32) -> (i32, i32) {
    %c0_i32 = arith.constant 0 : i32
    %c0_i32_0 = arith.constant 0 : i32
    %c0_i32_1 = arith.constant 0 : i32
    return %c0_i32, %c0_i32_0 : i32, i32
  }
  func.func @transform_2(%arg0: i32) -> (i32, i32) {
    %c0_i32 = arith.constant 0 : i32
    %c0_i32_0 = arith.constant 0 : i32
    %c0_i32_1 = arith.constant 0 : i32
    return %c0_i32, %c0_i32_0 : i32, i32
  }
  func.func @transform_3(%arg0: i32) -> (i32, i32, i32) {
    %c0_i32 = arith.constant 0 : i32
    %c0_i32_0 = arith.constant 0 : i32
    %c0_i32_1 = arith.constant 0 : i32
    return %c0_i32, %arg0, %c0_i32_0 : i32, i32, i32
  }
}

</mosaic_0001>

<sc_bundles>
// kernel: kernel.6.cloned.1.call-start
scs
__scs_entry_jumppad:
0x0: {  	(pc) =	sbr.rel $0x88, $3  }
0x1: {  	(tag) =	ssettag $0x0;
	lr =	simm.s32 $0x1  }
0x2: {  	[smem:$0x3F9B] =	sst lr;
	_ =	strace $0xD0000000  }
0x3: {  	_ = 	snop  }
0x4: {  	_ = 	snop  }
0x5: {  	_ = 	snop  }
0x6: {  	_ = 	snop  }
0x7: {  	_ = 	snop  }
__scs_overlays_trampoline_lowered:
0x8: {  	[smem:$0x3FAA] =	sst s0  }
0x9: {  	[smem:$0x3FAB] =	sst s1  }
0xa: {  	[smem:$0x3FAC] =	sst s2  }
0xb: {  	[smem:$0x3FAD] =	sst s3  }
0xc: {  	[smem:$0x3FAE] =	sst s4  }
0xd: {  	[smem:$0x3FAF] =	sst s5  }
0xe: {  	[smem:$0x3FB0] =	sst s6  }
0xf: {  	[smem:$0x3FB1] =	sst s7  }
0x10: {  	[smem:$0x3FB2] =	sst s8  }
0x11: {  	[smem:$0x3FB3] =	sst s9;
	s0 =	simm.s32 @!p0 $0x0  }
0x12: {  	s1 =	sld [smem:$0x3F99];
	s0 =	simm.s32 @p0 $0x1  }
0x13: {  	[smem:$0x3FB4] =	sst s0;
	s0 =	simm.s32 @!p1 $0x0  }
0x14: {  	s2 =	sld [smem:$0x3F98];
	s0 =	simm.s32 @p1 $0x1  }
0x15: {  	[smem:$0x3FB5] =	sst s0;
	s0 =	simm.s32 @!p2 $0x0  }
0x16: {  	s3 =	sld [smem:$0x3FDB];
	s0 =	simm.s32 @p2 $0x1  }
0x17: {  	s4 =	simm.s32 $0x1BF5;
	[smem:$0x3FB7] =	sst s0  }
0x18: {  	s0 =	sld [smem:$0x3F9A];
	_ =	swait.ge [sflag:s4], $0x0  }
0x19: {  	s7 =	sld [smem:$0x3F9B]  }
0x1a: {  	s8 =	sadd.s32 $0xFFFFE003, lr  }
0x1b: {  	s9 =	sadd.s32 $0xFFFFFEF7, lr;
	s5 =	simm.s32 $0xFFFFFFFF;
	p2 =	slt.u32 s8, $0xFFFFF086  }
0x1c: {  	p1 =	slt.u32 s9, $0xF7A;
	s5 =	simm.s32 @!p2 $0x0  }
0x1d: {  	s5 =	simm.s32 @p1 $0x1;
	p0 =	seq.s32 s7, s2  }
0x1e: {  	s7 =	smul.u32 @!p0 $0xF7A, s2;
	p2 =	seq.s32 @!p0 s5, $0x0  }
0x1f: {  	s9 =	smul.u32 $0xF7A, s1;
	s8 =	simm.s32 @!p0 $0x1BF5;
	p2 =	por !p2, p0  }
0x20: {  	[sflag:s8] =	ssyncset.s32 @!p0 $0xFFFFF086;
	s6 =	sadd.s32 @!p0 s3, s7;
	s7 =	simm.s32 @!p0 $0x108  }
0x21: {  	s3 =	sadd.s32 s3, s9;
	s6 =	sadd.s32 @!p0 $0x88, s6;
	s7 =	simm.s32 @p2 $0x1082  }
0x22: {  	[simem:s7], [sflag:s8] =	dma.local @!p0 [hbm:s6], $0xF7A  }
0x23: {  	s9 =	sor.u32 $0xD0000000, s2;
	s6 =	simm.s32 $0x108;
	_ =	swait.ge @!p0 [sflag:s8], $0x0  }
0x24: {  	s3 =	sadd.s32 $0x88, s3;
	s6 =	simm.s32 @!p1 $0x1082;
	[sflag:s4] =	ssyncset.s32 $0xFFFFF086  }
0x25: {  	[simem:s6], [sflag:s4] =	dma.local [hbm:s3], $0xF7A  }
0x26: {  	[smem:$0x3F9B] =	sst s1;
	(tag) =	ssettag s2;
	_ =	strace s9  }
0x27: {  	s1 =	sld [smem:$0x3FAB]  }
0x28: {  	s2 =	sld [smem:$0x3FAC]  }
0x29: {  	s4 =	sld [smem:$0x3FAE]  }
0x2a: {  	p0 =	seq.s32 s5, $0x0;
	s5 =	sld [smem:$0x3FAF]  }
0x2b: {  	s6 =	sld [smem:$0x3FB0]  }
0x2c: {  	s7 =	sld [smem:$0x3FB1]  }
0x2d: {  	s3 =	simm.s32 $0x108;
	s8 =	sld [smem:$0x3FB2]  }
0x2e: {  	s3 =	simm.s32 @!p0 $0x1082;
	s9 =	sld [smem:$0x3FB3]  }
0x2f: {  	lr =	sadd.s32 s0, s3;
	s0 =	sld [smem:$0x3FAA]  }
0x30: {  	s3 =	sld [smem:$0x3FAD]  }
0x31: {  	[smem:$0x3FB6] =	sst s10  }
0x32: {  	s10 =	sld [smem:$0x3FB4];
	_ =	sdelay $0x3  }
0x33: {  	p0 =	seq.s32 s10, $0x1;
	s10 =	sld [smem:$0x3FB6];
	_ =	sdelay $0x3  }
0x34: {  	[smem:$0x3FB6] =	sst s10  }
0x35: {  	s10 =	sld [smem:$0x3FB5];
	_ =	sdelay $0x3  }
0x36: {  	p1 =	seq.s32 s10, $0x1;
	s10 =	sld [smem:$0x3FB6];
	_ =	sdelay $0x3  }
0x37: {  	[smem:$0x3FB6] =	sst s10  }
0x38: {  	s10 =	sld [smem:$0x3FB7]  }
0x39: {  	_ = 	snop;
	(pc) =	sbr.ind lr, $3  }
0x3a: {  	_ = 	snop  }
0x3b: {  	_ = 	snop  }
0x3c: {  	p2 =	seq.s32 s10, $0x1;
	s10 =	sld [smem:$0x3FB6]  }
0x3d: {  	_ =	shalt  }
0x3e: {  	_ =	shalt  }
0x3f: {  	_ =	shalt  }
0x40: {  	_ =	shalt  }
0x41: {  	_ =	shalt  }
0x42: {  	_ =	shalt  }
0x43: {  	_ =	shalt  }
0x44: {  	_ =	shalt  }
0x45: {  	_ =	shalt  }
0x46: {  	_ =	shalt  }
0x47: {  	_ =	shalt  }
0x48: {  	_ =	shalt  }
0x49: {  	_ =	shalt  }
0x4a: {  	_ =	shalt  }
0x4b: {  	_ =	shalt  }
0x4c: {  	_ =	shalt  }
0x4d: {  	_ =	shalt  }
0x4e: {  	_ =	shalt  }
0x4f: {  	_ =	shalt  }
0x50: {  	_ =	shalt  }
0x51: {  	_ =	shalt  }
0x52: {  	_ =	shalt  }
0x53: {  	_ =	shalt  }
0x54: {  	_ =	shalt  }
0x55: {  	_ =	shalt  }
0x56: {  	_ =	shalt  }
0x57: {  	_ =	shalt  }
0x58: {  	_ =	shalt  }
0x59: {  	_ =	shalt  }
0x5a: {  	_ =	shalt  }
0x5b: {  	_ =	shalt  }
0x5c: {  	_ =	shalt  }
0x5d: {  	_ =	shalt  }
0x5e: {  	_ =	shalt  }
0x5f: {  	_ =	shalt  }
0x60: {  	_ =	shalt  }
0x61: {  	_ =	shalt  }
0x62: {  	_ =	shalt  }
0x63: {  	_ =	shalt  }
0x64: {  	_ =	shalt  }
0x65: {  	_ =	shalt  }
0x66: {  	_ =	shalt  }
0x67: {  	_ =	shalt  }
0x68: {  	_ =	shalt  }
0x69: {  	_ =	shalt  }
0x6a: {  	_ =	shalt  }
0x6b: {  	_ =	shalt  }
0x6c: {  	_ =	shalt  }
0x6d: {  	_ =	shalt  }
0x6e: {  	_ =	shalt  }
0x6f: {  	_ =	shalt  }
0x70: {  	_ =	shalt  }
0x71: {  	_ =	shalt  }
0x72: {  	_ =	shalt  }
0x73: {  	_ =	shalt  }
0x74: {  	_ =	shalt  }
0x75: {  	_ =	shalt  }
0x76: {  	_ =	shalt  }
0x77: {  	_ =	shalt  }
0x78: {  	_ =	shalt  }
0x79: {  	_ =	shalt  }
0x7a: {  	_ =	shalt  }
0x7b: {  	_ =	shalt  }
0x7c: {  	_ =	shalt  }
0x7d: {  	_ =	shalt  }
0x7e: {  	_ =	shalt  }
0x7f: {  	_ =	shalt  }
0x80: {  	_ =	shalt  }
0x81: {  	_ =	shalt  }
0x82: {  	_ =	shalt  }
0x83: {  	_ =	shalt  }
0x84: {  	_ =	shalt  }
0x85: {  	_ =	shalt  }
0x86: {  	_ =	shalt  }
0x87: {  	_ =	shalt  }
.Lfunc_end0:
.L_simem_size_0:
called_computation_lowered:
.L_overlay_start_0:
0x88: {  	s2 =	sld [smem:$0x3FD9]  }
0x89: {  	s3 =	sld [smem:$0x3FFE];
	_ =	sdelay $0x1  }
0x8a: {  	s1 =	srdreg.scid  }
0x8b: {  	s0 =	sand.u32 $0x1, s1  }
0x8c: {  	s17 =	sshll.u32 s0, $0xA;
	s2 =	sadd.s32 s3, s2  }
0x8d: {  	s2 =	sadd.s32 s2, s17  }
0x8e: {  	[smem:$0x3FC2] =	sst s2  }
0x8f: {  	_ = 	snop  }
0x90: {  	s2 =	sld [smem:$0x3FD0];
	(tm) =	ssettm $0x1  }
0x91: {  	s18 =	sld [smem:$0x3FFB];
	_ =	sdelay $0x3  }
0x92: {  	_ =	strace s18  }
0x93: {  	s3 =	sld [smem:$0x3FFC];
	_ =	sdelay $0x3  }
0x94: {  	_ =	strace s3  }
0x95: {  	s3 =	sld [smem:$0x3FFD];
	_ =	sdelay $0x3  }
0x96: {  	_ =	strace s3  }
0x97: {  	_ =	strace $0x8FFFFFFF  }
0x98: {  	s19 =	sld [smem:$0x3FDB];
	_ =	sdelay $0x1  }
0x99: {  	s4 =	simm.s32 $_scs_section_size  }
0x9a: {  	s5 =	simm.s32 $_size__tile_overlayer_lowered;
	s6 =	simm.s32 $_tile_overlayer_lowered  }
0x9b: {  	s22 =	simm.s32 $0x1BFF;
	s21 =	sshll.u32 s6, $0x1;
	s3 =	sadd.s32 s4, s19  }
0x9c: {  	s7 =	simm.s32 $0x0;
	s20 =	sshll.u32 s5, $0x1;
	s5 =	sadd.s32 s21, s3  }
0x9d: {  	[timem:s7], [sflag:s22] =	dma.local [hbm:s5], s20  }
0x9e: {  	_ =	swait.ge [sflag:s22], s20  }
0x9f: {  	s4 =	ssub.s32 $0x0, s20;
	[sflag:s22] =	ssyncset.done $0x0  }
0xa0: {  	[sflag:s22] =	ssyncadd.s32 s4;
	_ =	sdelay $0x1  }
0xa1: {  	s23 =	simm.s32 $0x1B8B  }
0xa2: {  	_ =	swait.ge [sflag:s23], $0x1  }
0xa3: {  	[sflag:s23] =	ssyncset.done $0x0  }
0xa4: {  	s25 =	simm.s32 $0x1B8E;
	s24 =	sld [smem:$0x3FFE];
	[sflag:s23] =	ssyncadd.s32 $0xFFFFFFFF  }
0xa5: {  	s26 =	simm.s32 $execute0_lowered;
	[smem:$0x3FD2] =	sst s25  }
0xa6: {  	s5 =	sshll.u32 s26, $0x1;
	_ =	strace $0x80000046;
	[dreg:$0x1] =	wrdreg $0xFFFFFFFF  }
0xa7: {  	s28 =	simm.s32 $_size_execute0_lowered;
	s3 =	sadd.s32 s3, s5;
	[dreg:$0x0] =	wrdreg $0x0  }
0xa8: {  	s5 =	sshll.u32 s28, $0x1;
	[dreg:$0x2] =	wrdreg s3  }
0xa9: {  	[dreg:$0x3] =	wrdreg s5  }
0xaa: {  	[dreg:$0x4] =	wrdreg $0xC0  }
0xab: {  	_ =	task [dreg:s7], $0x5FFFF  }
0xac: {  	[dreg:$0x1] =	wrdreg $0xFFFFFFFF  }
0xad: {  	[dreg:$0x0] =	wrdreg $0x60  }
0xae: {  	[dreg:$0x2] =	wrdreg s24  }
0xaf: {  	[dreg:$0x3] =	wrdreg s2  }
0xb0: {  	[dreg:$0x4] =	wrdreg $0x10F000  }
0xb1: {  	[dreg:$0x5] =	wrdreg $0x9  }
0xb2: {  	_ =	task.clear_ibuf [dreg:s7], $0x6FFFF;
	_ =	strace $0x90000046  }
0xb3: {  	s29 =	simm.s32 $0x9;
	_ =	strace $0x80000048  }
0xb4: {  	_ =	swait.ge [sflag:s29], $0x1  }
0xb5: {  	[sflag:s29] =	ssyncadd.s32 $0xFFFFFFFF  }
0xb6: {  	_ =	strace $0x90000048  }
0xb7: {  	_ =	sfence  }
0xb8: {  	s30 =	sld [smem:$0x0];
	_ =	sdelay $0x2  }
0xb9: {  	s31 =	sshll.u32 s1, $0xD;
	s1 =	sshrl.u32 s1, $0x2  }
0xba: {  	s3 =	sand.u32 $0x4000, s31;
	s1 =	sadd.s32 s1, s30  }
0xbb: {  	s0 =	sor.u32 s3, s0;
	s1 =	sshll.u32 s1, $0x11  }
0xbc: {  	s0 =	sor.u32 s1, s0  }
0xbd: {  	s0 =	sadd.s32 $0x8F2B, s0  }
0xbe: {  	[sflag:s0] =	ssyncadd.remote.s32 $0x1  }
0xbf: {  	_ =	sfence.sel $0xFFFF  }
0xc0: {  	[dreg:$0x0] =	wrdreg $0xFFFFFFFF;
	(pc) =	sbr.abs _section_cstart, $3  }
0xc1: {  	[dreg:$0x1] =	wrdreg $0xFFFFFFFF  }
0xc2: {  	_ =	task.clear_ibuf [dreg:s7], $0x2FFFF;
	_ =	strace $0x9FFFFFFF  }
0xc3: {  	(tm) =	ssettm $0x7FFFFFFF  }
tec
execute0_lowered:
.L_overlay_start_1:
0x0: {  	(tag) =	ssettag $0x1  }
0x1: {  	s2 =	srdreg.scid  }
0x2: {  	s0 =	rddreg [dreg:$0x0];
	s12 =	sand.u32 $0x1, s2  }
0x3: {  	s2 =	stileid.u32;
	s4 =	smul.u32 $0x13880, s12  }
0x4: {  	s11 =	rddreg [dreg:$0x1];
	s5 =	smul.u32 $0x4F0, s2  }
0x5: {  	s1 =	rddreg [dreg:$0x2];
	s3 =	simm.s32 $0x0;
	s6 =	smul.u32 $0xFFFFFFB1, s2  }
0x6: {  	s17 =	simm.s32 $0x80;
	[smem:$0x7FF] =	sst s3;
	s9 =	smul.u32 $0x9C00, s2  }
0x7: {  	_ =	strace $0x80000047;
	s29 =	ssub.s32 $0x2, s12;
	s13 =	smul.u32 $0x13800, s2  }
0x8: {  	s15 =	sshll.u32 s12, $0x6;
	s12 =	sshll.u32 s12, $0x3;
	s30 =	sshrl.u32 s29, $0x1  }
0x9: {  	s7 =	sadd.s32 s4, s0;
	s8 =	sadd.s32 s5, s0;
	s0 =	sadd.s32 $0x32800, s0  }
0xa: {  	p0 =	slt.s32 s6, $0xFFFFFB6D;
	s14 =	ssub.s32 s29, s30;
	s10 =	sshrl.u32 s9, $0x3  }
0xb: {  	s13 =	sor.u32 s15, s13;
	s15 =	simm.s32 $0x7;
	s6 =	simm.s32 @!p0 $0xFFFFFB6D  }
0xc: {  	s5 =	sadd.s32 $0x6600, s8;
	s7 =	sadd.s32 $0xB600, s7;
	s13 =	sshrl.u32 s13, $0x3  }
0xd: {  	s31 =	sadd.s32 s12, s0;
	s14 =	smax.u32 s14, $0x1;
	p0 =	sne.s32 s2, $0xF  }
0xe: {  	s4 =	sadd.s32 $0x4E2, s6;
	s6 =	sadd.s32 $0x1600, s8;
	s8 =	sadd.s32 s9, s1  }
0xf: {  	s9 =	sadd.s32 s11, s10;
	s10 =	sadd.s32 $0x9C000, s1;
	s11 =	sadd.s32 $0x13800, s11  }
0x10: {  	s12 =	sadd.s32 s0, s13;
	s13 =	sadd.s32 $0x27000, s31;
	s0 =	simm.s32 $0x0  }
.LBB2_1:
0x11: {  	[tilespmem:s3], [sflag:$0x7] =	stream.linear.gather [hbm4b:s5+s3], $0x2780, $0x38;
	[tilespmem:$0x1AB40] =	vst v63  }
0x12: {  	_ =	swait.ge [sflag:s15], $0x2780  }
0x13: {  	[sflag:s15] =	ssyncset.done $0x0  }
0x14: {  	s16 =	simm.s32 $0x2780;
	[sflag:s15] =	ssyncadd.s32 $0xFFFFD880  }
0x15: {  	[tilespmem:s16], [sflag:$0x7] =	stream.linear.gather [hbm4b:s6+s3], $0x2780, $0x38;
	[tilespmem:$0x1AB40] =	vst v63  }
0x16: {  	_ =	swait.ge [sflag:s15], $0x2780  }
0x17: {  	[sflag:s15] =	ssyncset.done $0x0  }
0x18: {  	s19 =	simm.s32 $0x4F00;
	[sflag:s15] =	ssyncadd.s32 $0xFFFFD880  }
0x19: {  	[tilespmem:s19], [sflag:$0x1] =	stream.indirect.gather [hbm4b:s7+s17], $0x40, s3, s17, $0xb8;
	[tilespmem:$0x1AB40] =	vst v63  }
0x1a: {  	s20 =	simm.s32 $0x6F00  }
0x1b: {  	[tilespmem:s20], [sflag:$0x2] =	stream.indirect.gather [hbm4b:s7+s17], $0x40, s17, s17, $0xb8;
	[tilespmem:$0x1AB40] =	vst v63  }
0x1c: {  	s21 =	simm.s32 $0x100;
	s18 =	simm.s32 $0x8F00  }
0x1d: {  	[tilespmem:s18], [sflag:$0x3] =	stream.indirect.gather [hbm4b:s7+s17], $0x40, s21, s17, $0xb8;
	[tilespmem:$0x1AB40] =	vst v63  }
0x1e: {  	s22 =	simm.s32 $0x180;
	s23 =	simm.s32 $0xAF00;
	s24 =	simm.s32 $0x200  }
0x1f: {  	[tilespmem:s23], [sflag:$0x4] =	stream.indirect.gather [hbm4b:s7+s17], $0x40, s22, s17, $0xb8;
	[tilespmem:$0x1AB40] =	vst v63  }
0x20: {  	s25 =	simm.s32 $0xCF00;
	s26 =	simm.s32 $0x280;
	s31 =	sshll.u32 s2, $0x6  }
0x21: {  	[tilespmem:s25], [sflag:$0x5] =	stream.indirect.gather [hbm4b:s7+s17], $0x40, s24, s17, $0xb8;
	[tilespmem:$0x1AB40] =	vst v63  }
0x22: {  	s30 =	simm.s32 $0xEF00;
	s16 =	sor.u32 $0x1C07, s31;
	s19 =	sshrl.u32 s8, $0x3  }
0x23: {  	[tilespmem:s30], [sflag:$0x6] =	stream.indirect.gather [hbm4b:s7+s17], $0x40, s26, s17, $0xb8;
	[tilespmem:$0x1AB40] =	vst v63  }
0x24: {  	[spmem:s19], [sflag:s16] =	dma.local [hbm:s9], $0x1380  }
0x25: {  	_ =	swait.ge [sflag:s15], $0x1380  }
0x26: {  	[sflag:s15] =	ssyncset.done $0x0  }
0x27: {  	s20 =	simm.s32 @!p0 $0x7;
	s18 =	sshrl.u32 @!p0 s10, $0x3;
	[sflag:s15] =	ssyncadd.s32 $0xFFFFEC80  }
0x28: {  	[spmem:s18], [sflag:s16] =	dma.local @!p0 [hbm:s11], $0x80  }
0x29: {  	_ =	swait.ge @!p0 [sflag:s20], $0x80  }
0x2a: {  	[sflag:s20] =	ssyncset.done @!p0 $0x0  }
0x2b: {  	p1 =	sle.u32 s4, $0x0;
	[sflag:s20] =	ssyncadd.s32 @!p0 $0xFFFFFF80  }
0x2c: {  	s20 =	simm.s32 @!p1 $0x1;
	[bflag:$0x0] =	sbarrier.arrive $0xFFFF  }
0x2d: {  	_ =	swait.ge @!p1 [sflag:s20], $0x2000  }
0x2e: {  	s21 =	simm.s32 @!p1 $0x2780;
	s22 =	simm.s32 @!p1 $0x7;
	[sflag:s20] =	ssyncset.done @!p1 $0x0  }
0x2f: {  	s23 =	simm.s32 @!p1 $0x4F00;
	[sflag:s20] =	ssyncadd.s32 @!p1 $0xFFFFE000;
	s20 =	simm.s32 @!p1 $0x80  }
0x30: {  	[spmem:s1] =	stream.indirect.scatter.add.f32 @!p1 [tilespmem:s23], [sflag:$0x7], $0x40, s21, s20, $0xb8;
	[tilespmem:$0x1AB40] =	vst v63  }
0x31: {  	p2 =	sle.u32 s4, $0x6;
	_ =	swait.ge @!p1 [sflag:s22], $0x2000  }
0x32: {  	s20 =	simm.s32 @!p2 $0x80;
	s21 =	simm.s32 @!p2 $0x300;
	[sflag:s22] =	ssyncset.done @!p1 $0x0  }
0x33: {  	[sflag:s22] =	ssyncadd.s32 @!p1 $0xFFFFE000;
	s22 =	simm.s32 @!p2 $0x4F00;
	p1 =	sle.u32 s4, $0x1  }
0x34: {  	[tilespmem:s22], [sflag:$0x1] =	stream.indirect.gather @!p2 [hbm4b:s7+s20], $0x40, s21, s20, $0xb8;
	[tilespmem:$0x1AB40] =	vst v63  }
0x35: {  	s20 =	simm.s32 @!p1 $0x2  }
0x36: {  	_ =	swait.ge @!p1 [sflag:s20], $0x2000  }
0x37: {  	s21 =	simm.s32 @!p1 $0x2800;
	s22 =	simm.s32 @!p1 $0x80;
	[sflag:s20] =	ssyncset.done @!p1 $0x0  }
0x38: {  	s23 =	simm.s32 @!p1 $0x6F00;
	[sflag:s20] =	ssyncadd.s32 @!p1 $0xFFFFE000;
	s20 =	simm.s32 @!p1 $0x7  }
0x39: {  	[spmem:s1] =	stream.indirect.scatter.add.f32 @!p1 [tilespmem:s23], [sflag:$0x7], $0x40, s21, s22, $0xb8;
	[tilespmem:$0x1AB40] =	vst v63  }
0x3a: {  	_ =	swait.ge @!p1 [sflag:s20], $0x2000  }
0x3b: {  	p2 =	sle.u32 s4, $0x7;
	[sflag:s20] =	ssyncset.done @!p1 $0x0  }
0x3c: {  	s21 =	simm.s32 @!p2 $0x80;
	[sflag:s20] =	ssyncadd.s32 @!p1 $0xFFFFE000;
	p1 =	sle.u32 s4, $0x2  }
0x3d: {  	s22 =	simm.s32 @!p2 $0x6F00;
	s20 =	simm.s32 @!p2 $0x380;
	s23 =	simm.s32 @!p1 $0x3  }
0x3e: {  	[tilespmem:s22], [sflag:$0x2] =	stream.indirect.gather @!p2 [hbm4b:s7+s21], $0x40, s20, s21, $0xb8;
	[tilespmem:$0x1AB40] =	vst v63  }
0x3f: {  	_ =	swait.ge @!p1 [sflag:s23], $0x2000  }
0x40: {  	s20 =	simm.s32 @!p1 $0x2880;
	s21 =	simm.s32 @!p1 $0x8F00;
	[sflag:s23] =	ssyncset.done @!p1 $0x0  }
0x41: {  	s22 =	simm.s32 @!p1 $0x80;
	[sflag:s23] =	ssyncadd.s32 @!p1 $0xFFFFE000;
	s23 =	simm.s32 @!p1 $0x7  }
0x42: {  	[spmem:s1] =	stream.indirect.scatter.add.f32 @!p1 [tilespmem:s21], [sflag:$0x7], $0x40, s20, s22, $0xb8;
	[tilespmem:$0x1AB40] =	vst v63  }
0x43: {  	_ =	swait.ge @!p1 [sflag:s23], $0x2000  }
0x44: {  	p2 =	sle.u32 s4, $0x8;
	[sflag:s23] =	ssyncset.done @!p1 $0x0  }
0x45: {  	s20 =	simm.s32 @!p2 $0x80;
	[sflag:s23] =	ssyncadd.s32 @!p1 $0xFFFFE000;
	p1 =	sle.u32 s4, $0x3  }
0x46: {  	s21 =	simm.s32 @!p2 $0x400;
	s22 =	simm.s32 @!p2 $0x8F00;
	s23 =	simm.s32 @!p1 $0x4  }
0x47: {  	[tilespmem:s22], [sflag:$0x3] =	stream.indirect.gather @!p2 [hbm4b:s7+s20], $0x40, s21, s20, $0xb8;
	[tilespmem:$0x1AB40] =	vst v63  }
0x48: {  	p3 =	sle.u32 s4, $0x9;
	_ =	swait.ge @!p1 [sflag:s23], $0x2000  }
0x49: {  	s20 =	simm.s32 @!p1 $0x2900;
	s21 =	simm.s32 @!p1 $0xAF00;
	[sflag:s23] =	ssyncset.done @!p1 $0x0  }
0x4a: {  	s22 =	simm.s32 @!p1 $0x80;
	[sflag:s23] =	ssyncadd.s32 @!p1 $0xFFFFE000;
	s23 =	simm.s32 @!p1 $0x7  }
0x4b: {  	[spmem:s1] =	stream.indirect.scatter.add.f32 @!p1 [tilespmem:s21], [sflag:$0x7], $0x40, s20, s22, $0xb8;
	[tilespmem:$0x1AB40] =	vst v63  }
0x4c: {  	p4 =	sle.u32 s4, $0xA;
	p2 =	sle.u32 s4, $0x4;
	_ =	swait.ge @!p1 [sflag:s23], $0x2000  }
0x4d: {  	s20 =	simm.s32 @!p3 $0x80;
	s21 =	simm.s32 @!p3 $0x480;
	[sflag:s23] =	ssyncset.done @!p1 $0x0  }
0x4e: {  	s22 =	simm.s32 @!p3 $0xAF00;
	[sflag:s23] =	ssyncadd.s32 @!p1 $0xFFFFE000;
	s23 =	simm.s32 @!p2 $0x5  }
0x4f: {  	[tilespmem:s22], [sflag:$0x4] =	stream.indirect.gather @!p3 [hbm4b:s7+s20], $0x40, s21, s20, $0xb8;
	[tilespmem:$0x1AB40] =	vst v63  }
0x50: {  	p1 =	sle.u32 s4, $0xB;
	s20 =	simm.s32 @!p2 $0x2980;
	s21 =	simm.s32 @!p2 $0x80  }
0x51: {  	s22 =	simm.s32 @!p2 $0xCF00;
	s24 =	simm.s32 @!p1 $0xEF00;
	_ =	swait.ge @!p2 [sflag:s23], $0x2000  }
0x52: {  	p3 =	sle.u32 s4, $0x5;
	s25 =	simm.s32 @!p1 $0x80;
	[sflag:s23] =	ssyncset.done @!p2 $0x0  }
0x53: {  	s26 =	simm.s32 @!p3 $0x6;
	[sflag:s23] =	ssyncadd.s32 @!p2 $0xFFFFE000;
	s23 =	simm.s32 @!p2 $0x7  }
0x54: {  	[spmem:s1] =	stream.indirect.scatter.add.f32 @!p2 [tilespmem:s22], [sflag:$0x7], $0x40, s20, s21, $0xb8;
	[tilespmem:$0x1AB40] =	vst v63  }
0x55: {  	s28 =	simm.s32 @!p3 $0x2A00;
	s29 =	simm.s32 @!p3 $0x80;
	_ =	swait.ge @!p2 [sflag:s23], $0x2000  }
0x56: {  	s20 =	simm.s32 $0x11;
	s21 =	simm.s32 @!p4 $0x80;
	[sflag:s23] =	ssyncset.done @!p2 $0x0  }
0x57: {  	s22 =	simm.s32 @!p4 $0x500;
	[sflag:s23] =	ssyncadd.s32 @!p2 $0xFFFFE000;
	s23 =	simm.s32 @!p4 $0xCF00  }
0x58: {  	[tilespmem:s23], [sflag:$0x5] =	stream.indirect.gather @!p4 [hbm4b:s7+s21], $0x40, s22, s21, $0xb8;
	[tilespmem:$0x1AB40] =	vst v63  }
0x59: {  	s21 =	simm.s32 $0xC00;
	s22 =	simm.s32 $0x0;
	_ =	swait.ge @!p3 [sflag:s26], $0x2000  }
.LBB2_2:
0x5a: {  	[sflag:s26] =	ssyncset.done @!p3 $0x0  }
0x5b: {  	s30 =	simm.s32 @!p3 $0xEF00;
	s23 =	smov.u32 s20;
	s20 =	sadd.s32 $0x6, s20  }
0x5c: {  	p2 =	sne.s32 s20, $0x5F;
	[sflag:s26] =	ssyncadd.s32 @!p3 $0xFFFFE000;
	s26 =	simm.s32 @!p3 $0x7  }
0x5d: {  	[spmem:s1] =	stream.indirect.scatter.add.f32 @!p3 [tilespmem:s30], [sflag:$0x7], $0x40, s28, s29, $0xb8;
	[tilespmem:$0x1AB40] =	vst v63  }
0x5e: {  	s22 =	sshra.s32 @!p1 s22, $0x2;
	s28 =	sadd.s32 $0xFFFFFFF5, s23;
	_ =	swait.ge @!p3 [sflag:s26], $0x2000  }
0x5f: {  	s22 =	sadd.s32 @!p1 $0x580, s22;
	p4 =	sge.u32 s28, s4;
	[sflag:s26] =	ssyncset.done @!p3 $0x0  }
0x60: {  	s28 =	simm.s32 @!p4 $0x1;
	s29 =	sshra.s32 @!p4 s21, $0x2;
	[sflag:s26] =	ssyncadd.s32 @!p3 $0xFFFFE000  }
0x61: {  	[tilespmem:s24], [sflag:$0x6] =	stream.indirect.gather @!p1 [hbm4b:s7+s25], $0x40, s22, s25, $0xb8;
	[tilespmem:$0x1AB40] =	vst v63  }
0x62: {  	s24 =	sadd.s32 @!p4 $0x2780, s29;
	s22 =	smov.u32 s21;
	_ =	swait.ge @!p4 [sflag:s28], $0x2000  }
0x63: {  	s26 =	simm.s32 @!p4 $0x7;
	s25 =	sadd.s32 $0xFFFFFFFB, s23;
	[sflag:s28] =	ssyncset.done @!p4 $0x0  }
0x64: {  	s29 =	simm.s32 @!p4 $0x4F00;
	[sflag:s28] =	ssyncadd.s32 @!p4 $0xFFFFE000;
	s28 =	simm.s32 @!p4 $0x80  }
0x65: {  	[spmem:s1] =	stream.indirect.scatter.add.f32 @!p4 [tilespmem:s29], [sflag:$0x7], $0x40, s24, s28, $0xb8;
	[tilespmem:$0x1AB40] =	vst v63  }
0x66: {  	p1 =	sge.u32 s25, s4;
	s24 =	sadd.s32 $0xFFFFFFF6, s23;
	_ =	swait.ge @!p4 [sflag:s26], $0x2000  }
0x67: {  	s25 =	sshra.s32 @!p1 s21, $0x2;
	s28 =	simm.s32 @!p1 $0x80;
	[sflag:s26] =	ssyncset.done @!p4 $0x0  }
0x68: {  	s25 =	sadd.s32 @!p1 $0x300, s25;
	[sflag:s26] =	ssyncadd.s32 @!p4 $0xFFFFE000;
	s26 =	simm.s32 @!p1 $0x4F00  }
0x69: {  	[tilespmem:s26], [sflag:$0x1] =	stream.indirect.gather @!p1 [hbm4b:s7+s28], $0x40, s25, s28, $0xb8;
	[tilespmem:$0x1AB40] =	vst v63  }
0x6a: {  	p3 =	sge.u32 s24, s4  }
0x6b: {  	s24 =	simm.s32 @!p3 $0x2;
	s25 =	sshra.s32 @!p3 s21, $0x2  }
0x6c: {  	p1 =	sge.u32 s23, s4;
	s25 =	sadd.s32 @!p3 $0x2800, s25;
	_ =	swait.ge @!p3 [sflag:s24], $0x2000  }
0x6d: {  	s26 =	simm.s32 @!p3 $0x80;
	s28 =	simm.s32 @!p3 $0x6F00;
	[sflag:s24] =	ssyncset.done @!p3 $0x0  }
0x6e: {  	s29 =	sadd.s32 $0xFFFFFFFC, s23;
	[sflag:s24] =	ssyncadd.s32 @!p3 $0xFFFFE000;
	s24 =	simm.s32 @!p3 $0x7  }
0x6f: {  	[spmem:s1] =	stream.indirect.scatter.add.f32 @!p3 [tilespmem:s28], [sflag:$0x7], $0x40, s25, s26, $0xb8;
	[tilespmem:$0x1AB40] =	vst v63  }
0x70: {  	p4 =	sge.u32 s29, s4;
	s25 =	sadd.s32 $0xFFFFFFF7, s23;
	_ =	swait.ge @!p3 [sflag:s24], $0x2000  }
0x71: {  	s26 =	sshra.s32 @!p4 s21, $0x2;
	s28 =	simm.s32 @!p4 $0x80;
	[sflag:s24] =	ssyncset.done @!p3 $0x0  }
0x72: {  	[sflag:s24] =	ssyncadd.s32 @!p3 $0xFFFFE000;
	s24 =	sadd.s32 @!p4 $0x380, s26;
	p3 =	sge.u32 s25, s4  }
0x73: {  	s25 =	simm.s32 @!p4 $0x6F00;
	s26 =	simm.s32 @!p3 $0x3;
	s29 =	sshra.s32 @!p3 s21, $0x2  }
0x74: {  	[tilespmem:s25], [sflag:$0x2] =	stream.indirect.gather @!p4 [hbm4b:s7+s28], $0x40, s24, s28, $0xb8;
	[tilespmem:$0x1AB40] =	vst v63  }
0x75: {  	s25 =	sadd.s32 @!p3 $0x2880, s29;
	s28 =	simm.s32 @!p3 $0x8F00;
	_ =	swait.ge @!p3 [sflag:s26], $0x2000  }
0x76: {  	s29 =	simm.s32 @!p3 $0x80;
	s24 =	simm.s32 @!p1 $0xEF00;
	[sflag:s26] =	ssyncset.done @!p3 $0x0  }
0x77: {  	s30 =	sadd.s32 $0xFFFFFFFD, s23;
	[sflag:s26] =	ssyncadd.s32 @!p3 $0xFFFFE000;
	s26 =	simm.s32 @!p3 $0x7  }
0x78: {  	[spmem:s1] =	stream.indirect.scatter.add.f32 @!p3 [tilespmem:s28], [sflag:$0x7], $0x40, s25, s29, $0xb8;
	[tilespmem:$0x1AB40] =	vst v63  }
0x79: {  	p4 =	sge.u32 s30, s4;
	s25 =	sadd.s32 $0xFFFFFFF8, s23;
	_ =	swait.ge @!p3 [sflag:s26], $0x2000  }
0x7a: {  	s28 =	sshra.s32 @!p4 s21, $0x2;
	s29 =	simm.s32 @!p4 $0x80;
	[sflag:s26] =	ssyncset.done @!p3 $0x0  }
0x7b: {  	[sflag:s26] =	ssyncadd.s32 @!p3 $0xFFFFE000;
	s26 =	sadd.s32 @!p4 $0x400, s28;
	p3 =	sge.u32 s25, s4  }
0x7c: {  	s25 =	simm.s32 @!p4 $0x8F00;
	s28 =	simm.s32 @!p3 $0x4;
	s30 =	sshra.s32 @!p3 s21, $0x2  }
0x7d: {  	[tilespmem:s25], [sflag:$0x3] =	stream.indirect.gather @!p4 [hbm4b:s7+s29], $0x40, s26, s29, $0xb8;
	[tilespmem:$0x1AB40] =	vst v63  }
0x7e: {  	s26 =	sadd.s32 @!p3 $0x2900, s30;
	s29 =	simm.s32 @!p3 $0xAF00;
	_ =	swait.ge @!p3 [sflag:s28], $0x2000  }
0x7f: {  	s30 =	simm.s32 @!p3 $0x80;
	s25 =	simm.s32 @!p1 $0x80;
	[sflag:s28] =	ssyncset.done @!p3 $0x0  }
0x80: {  	s31 =	sadd.s32 $0xFFFFFFFE, s23;
	[sflag:s28] =	ssyncadd.s32 @!p3 $0xFFFFE000;
	s28 =	simm.s32 @!p3 $0x7  }
0x81: {  	[spmem:s1] =	stream.indirect.scatter.add.f32 @!p3 [tilespmem:s29], [sflag:$0x7], $0x40, s26, s30, $0xb8;
	[tilespmem:$0x1AB40] =	vst v63  }
0x82: {  	p4 =	sge.u32 s31, s4;
	s26 =	sadd.s32 $0xFFFFFFF9, s23;
	_ =	swait.ge @!p3 [sflag:s28], $0x2000  }
0x83: {  	s29 =	sshra.s32 @!p4 s21, $0x2;
	s30 =	simm.s32 @!p4 $0x80;
	[sflag:s28] =	ssyncset.done @!p3 $0x0  }
0x84: {  	[sflag:s28] =	ssyncadd.s32 @!p3 $0xFFFFE000  }
0x85: {  	s28 =	sadd.s32 @!p4 $0x480, s29;
	p3 =	sge.u32 s26, s4;
	s26 =	simm.s32 @!p4 $0xAF00  }
0x86: {  	s29 =	simm.s32 @!p3 $0x5;
	s31 =	sshra.s32 @!p3 s21, $0x2;
	s21 =	sadd.s32 $0xC00, s21  }
0x87: {  	[tilespmem:s26], [sflag:$0x4] =	stream.indirect.gather @!p4 [hbm4b:s7+s30], $0x40, s28, s30, $0xb8;
	[tilespmem:$0x1AB40] =	vst v63  }
0x88: {  	s26 =	sadd.s32 @!p3 $0x2980, s31;
	s28 =	simm.s32 @!p3 $0x80;
	_ =	swait.ge @!p3 [sflag:s29], $0x2000  }
0x89: {  	s30 =	simm.s32 @!p3 $0xCF00;
	s31 =	sadd.s32 $0xFFFFFFFF, s23;
	[sflag:s29] =	ssyncset.done @!p3 $0x0  }
0x8a: {  	p4 =	sge.u32 s31, s4;
	[sflag:s29] =	ssyncadd.s32 @!p3 $0xFFFFE000;
	s29 =	simm.s32 @!p3 $0x7  }
0x8b: {  	[spmem:s1] =	stream.indirect.scatter.add.f32 @!p3 [tilespmem:s30], [sflag:$0x7], $0x40, s26, s28, $0xb8;
	[tilespmem:$0x1AB40] =	vst v63  }
0x8c: {  	s23 =	sadd.s32 $0xFFFFFFFA, s23;
	s26 =	sshra.s32 @!p4 s22, $0x2;
	_ =	swait.ge @!p3 [sflag:s29], $0x2000  }
.Ltmp0:
0x8d: {  	s28 =	simm.s32 @!p4 $0x80;
	[sflag:s29] =	ssyncset.done @!p3 $0x0;
	(pc) =	sbr.rel @p2 .LBB2_2-.Ltmp0, $4  }
0x8e: {  	[sflag:s29] =	ssyncadd.s32 @!p3 $0xFFFFE000;
	s29 =	sadd.s32 @!p4 $0x500, s26;
	p3 =	sge.u32 s23, s4  }
0x8f: {  	s23 =	simm.s32 @!p4 $0xCF00;
	s26 =	simm.s32 @!p3 $0x6;
	s30 =	sshra.s32 @!p3 s22, $0x2  }
0x90: {  	[tilespmem:s23], [sflag:$0x5] =	stream.indirect.gather @!p4 [hbm4b:s7+s28], $0x40, s29, s28, $0xb8;
	[tilespmem:$0x1AB40] =	vst v63  }
0x91: {  	s28 =	sadd.s32 @!p3 $0x2A00, s30;
	s29 =	simm.s32 @!p3 $0x80;
	_ =	swait.ge @!p3 [sflag:s26], $0x2000  }
0x92: {  	[sflag:s26] =	ssyncset.done @!p3 $0x0  }
0x93: {  	s20 =	simm.s32 @!p3 $0xEF00;
	s21 =	simm.s32 @!p3 $0x7;
	[sflag:s26] =	ssyncadd.s32 @!p3 $0xFFFFE000  }
0x94: {  	[spmem:s1] =	stream.indirect.scatter.add.f32 @!p3 [tilespmem:s20], [sflag:$0x7], $0x40, s28, s29, $0xb8;
	[tilespmem:$0x1AB40] =	vst v63  }
0x95: {  	_ =	swait.ge @!p3 [sflag:s21], $0x2000  }
0x96: {  	s20 =	sshra.s32 @!p1 s22, $0x2;
	[sflag:s21] =	ssyncset.done @!p3 $0x0  }
0x97: {  	s30 =	simm.s32 $0x10;
	s20 =	sadd.s32 @!p1 $0x580, s20;
	[sflag:s21] =	ssyncadd.s32 @!p3 $0xFFFFE000  }
0x98: {  	[tilespmem:s24], [sflag:$0x6] =	stream.indirect.gather @!p1 [hbm4b:s7+s25], $0x40, s20, s25, $0xb8;
	[tilespmem:$0x1AB40] =	vst v63  }
0x99: {  	s31 =	simm.s32 $0x8;
	s29 =	simm.s32 $0x1;
	[bflag:$0x0] =	sbarrier.arrive $0xFFFF  }
0x9a: {  	[hbm:s12@s30], [sflag:s16] =	dma.strided [spmem:s19@s31], $0x1380, s29, $0x8   }
0x9b: {  	s0 =	sadd.s32 $0x1, s0;
	_ =	swait.ge [sflag:s15], $0x1380  }
0x9c: {  	s21 =	simm.s32 @!p0 $0x8;
	s20 =	simm.s32 @!p0 $0x10;
	[sflag:s15] =	ssyncset.done $0x0  }
0x9d: {  	p1 =	sne.s32 s0, s14;
	s19 =	simm.s32 @!p0 $0x1;
	[sflag:s15] =	ssyncadd.s32 $0xFFFFEC80  }
0x9e: {  	[hbm:s13@s20], [sflag:s16] =	dma.strided @!p0 [spmem:s18@s21], $0x80, s19, $0x8   }
.Ltmp1:
0x9f: {  	_ = 	snop;
	(pc) =	sbr.rel @p1 .LBB2_1-.Ltmp1, $4  }
0xa0: {  	s16 =	simm.s32 @!p0 $0x7  }
0xa1: {  	_ =	swait.ge @!p0 [sflag:s16], $0x80  }
0xa2: {  	[sflag:s16] =	ssyncset.done @!p0 $0x0  }
0xa3: {  	[sflag:s16] =	ssyncadd.s32 @!p0 $0xFFFFFF80  }
0xa4: {  	_ =	sfence.sel $0x180000  }
0xa5: {  	[bflag:$0x0] =	sbarrier.arrive $0xFFFF  }
0xa6: {  	_ =	strace $0x90000047  }
0xa7: {  	[bflag:$0x2] =	sbarrier.arrive $0xFFFF  }
0xa8: {  	p0 =	sne.s32 s2, $0x0;
	s0 =	rddreg [dreg:$0x3]  }
0xa9: {  	s0 =	sadd.s32 @!p0 $0x100000, s0  }
0xaa: {  	[sflag:s0] =	ssyncadd.tile.s32 @!p0 $0x1;
	_ =	shalt  }
.Lfunc_end2:
_tile_overlayer_lowered:
.L_overlay_start_2:
0xab: {  	(tag) =	ssettag $0x2  }
0xac: {  	s0 =	rddreg [dreg:$0x0];
	s2 =	stileid.u32  }
0xad: {  	s1 =	rddreg [dreg:$0x1];
	p0 =	sne.s32 s2, $0x0  }
0xae: {  	s3 =	rddreg [dreg:$0x2];
	[bflag:$0x3] =	sbarrier.arrive $0xFFFF;
	s2 =	simm.s32 @!p0 $0x1C07  }
0xaf: {  	[timem:s3], [sflag:s2] =	dma.local @!p0 [hbm:s0], s1  }
0xb0: {  	s0 =	simm.s32 @!p0 $0x7  }
0xb1: {  	_ =	swait.ge @!p0 [sflag:s0], s1  }
0xb2: {  	s1 =	ssub.s32 @!p0 $0x0, s1;
	[sflag:s0] =	ssyncset.done @!p0 $0x0  }
0xb3: {  	[sflag:s0] =	ssyncadd.s32 @!p0 s1  }
0xb4: {  	[bflag:$0x3] =	sbarrier.arrive $0xFFFF  }
0xb5: {  	_ =	shalt  }

// kernel: kernel.9.cloned.1.call-start
scs
__scs_entry_jumppad:
0x0: {  	(pc) =	sbr.rel $0x88, $3  }
0x1: {  	(tag) =	ssettag $0x0;
	lr =	simm.s32 $0x1  }
0x2: {  	[smem:$0x3F9B] =	sst lr;
	_ =	strace $0xD0000000  }
0x3: {  	_ = 	snop  }
0x4: {  	_ = 	snop  }
0x5: {  	_ = 	snop  }
0x6: {  	_ = 	snop  }
0x7: {  	_ = 	snop  }
__scs_overlays_trampoline_lowered:
0x8: {  	[smem:$0x3FAA] =	sst s0  }
0x9: {  	[smem:$0x3FAB] =	sst s1  }
0xa: {  	[smem:$0x3FAC] =	sst s2  }
0xb: {  	[smem:$0x3FAD] =	sst s3  }
0xc: {  	[smem:$0x3FAE] =	sst s4  }
0xd: {  	[smem:$0x3FAF] =	sst s5  }
0xe: {  	[smem:$0x3FB0] =	sst s6  }
0xf: {  	[smem:$0x3FB1] =	sst s7  }
0x10: {  	[smem:$0x3FB2] =	sst s8  }
0x11: {  	[smem:$0x3FB3] =	sst s9;
	s0 =	simm.s32 @!p0 $0x0  }
0x12: {  	s1 =	sld [smem:$0x3F99];
	s0 =	simm.s32 @p0 $0x1  }
0x13: {  	[smem:$0x3FB4] =	sst s0;
	s0 =	simm.s32 @!p1 $0x0  }
0x14: {  	s2 =	sld [smem:$0x3F98];
	s0 =	simm.s32 @p1 $0x1  }
0x15: {  	[smem:$0x3FB5] =	sst s0;
	s0 =	simm.s32 @!p2 $0x0  }
0x16: {  	s3 =	sld [smem:$0x3FDB];
	s0 =	simm.s32 @p2 $0x1  }
0x17: {  	s4 =	simm.s32 $0x1BF5;
	[smem:$0x3FB7] =	sst s0  }
0x18: {  	s0 =	sld [smem:$0x3F9A];
	_ =	swait.ge [sflag:s4], $0x0  }
0x19: {  	s7 =	sld [smem:$0x3F9B]  }
0x1a: {  	s8 =	sadd.s32 $0xFFFFE003, lr  }
0x1b: {  	s9 =	sadd.s32 $0xFFFFFEF7, lr;
	s5 =	simm.s32 $0xFFFFFFFF;
	p2 =	slt.u32 s8, $0xFFFFF086  }
0x1c: {  	p1 =	slt.u32 s9, $0xF7A;
	s5 =	simm.s32 @!p2 $0x0  }
0x1d: {  	s5 =	simm.s32 @p1 $0x1;
	p0 =	seq.s32 s7, s2  }
0x1e: {  	s7 =	smul.u32 @!p0 $0xF7A, s2;
	p2 =	seq.s32 @!p0 s5, $0x0  }
0x1f: {  	s9 =	smul.u32 $0xF7A, s1;
	s8 =	simm.s32 @!p0 $0x1BF5;
	p2 =	por !p2, p0  }
0x20: {  	[sflag:s8] =	ssyncset.s32 @!p0 $0xFFFFF086;
	s6 =	sadd.s32 @!p0 s3, s7;
	s7 =	simm.s32 @!p0 $0x108  }
0x21: {  	s3 =	sadd.s32 s3, s9;
	s6 =	sadd.s32 @!p0 $0x88, s6;
	s7 =	simm.s32 @p2 $0x1082  }
0x22: {  	[simem:s7], [sflag:s8] =	dma.local @!p0 [hbm:s6], $0xF7A  }
0x23: {  	s9 =	sor.u32 $0xD0000000, s2;
	s6 =	simm.s32 $0x108;
	_ =	swait.ge @!p0 [sflag:s8], $0x0  }
0x24: {  	s3 =	sadd.s32 $0x88, s3;
	s6 =	simm.s32 @!p1 $0x1082;
	[sflag:s4] =	ssyncset.s32 $0xFFFFF086  }
0x25: {  	[simem:s6], [sflag:s4] =	dma.local [hbm:s3], $0xF7A  }
0x26: {  	[smem:$0x3F9B] =	sst s1;
	(tag) =	ssettag s2;
	_ =	strace s9  }
0x27: {  	s1 =	sld [smem:$0x3FAB]  }
0x28: {  	s2 =	sld [smem:$0x3FAC]  }
0x29: {  	s4 =	sld [smem:$0x3FAE]  }
0x2a: {  	p0 =	seq.s32 s5, $0x0;
	s5 =	sld [smem:$0x3FAF]  }
0x2b: {  	s6 =	sld [smem:$0x3FB0]  }
0x2c: {  	s7 =	sld [smem:$0x3FB1]  }
0x2d: {  	s3 =	simm.s32 $0x108;
	s8 =	sld [smem:$0x3FB2]  }
0x2e: {  	s3 =	simm.s32 @!p0 $0x1082;
	s9 =	sld [smem:$0x3FB3]  }
0x2f: {  	lr =	sadd.s32 s0, s3;
	s0 =	sld [smem:$0x3FAA]  }
0x30: {  	s3 =	sld [smem:$0x3FAD]  }
0x31: {  	[smem:$0x3FB6] =	sst s10  }
0x32: {  	s10 =	sld [smem:$0x3FB4];
	_ =	sdelay $0x3  }
0x33: {  	p0 =	seq.s32 s10, $0x1;
	s10 =	sld [smem:$0x3FB6];
	_ =	sdelay $0x3  }
0x34: {  	[smem:$0x3FB6] =	sst s10  }
0x35: {  	s10 =	sld [smem:$0x3FB5];
	_ =	sdelay $0x3  }
0x36: {  	p1 =	seq.s32 s10, $0x1;
	s10 =	sld [smem:$0x3FB6];
	_ =	sdelay $0x3  }
0x37: {  	[smem:$0x3FB6] =	sst s10  }
0x38: {  	s10 =	sld [smem:$0x3FB7]  }
0x39: {  	_ = 	snop;
	(pc) =	sbr.ind lr, $3  }
0x3a: {  	_ = 	snop  }
0x3b: {  	_ = 	snop  }
0x3c: {  	p2 =	seq.s32 s10, $0x1;
	s10 =	sld [smem:$0x3FB6]  }
0x3d: {  	_ =	shalt  }
0x3e: {  	_ =	shalt  }
0x3f: {  	_ =	shalt  }
0x40: {  	_ =	shalt  }
0x41: {  	_ =	shalt  }
0x42: {  	_ =	shalt  }
0x43: {  	_ =	shalt  }
0x44: {  	_ =	shalt  }
0x45: {  	_ =	shalt  }
0x46: {  	_ =	shalt  }
0x47: {  	_ =	shalt  }
0x48: {  	_ =	shalt  }
0x49: {  	_ =	shalt  }
0x4a: {  	_ =	shalt  }
0x4b: {  	_ =	shalt  }
0x4c: {  	_ =	shalt  }
0x4d: {  	_ =	shalt  }
0x4e: {  	_ =	shalt  }
0x4f: {  	_ =	shalt  }
0x50: {  	_ =	shalt  }
0x51: {  	_ =	shalt  }
0x52: {  	_ =	shalt  }
0x53: {  	_ =	shalt  }
0x54: {  	_ =	shalt  }
0x55: {  	_ =	shalt  }
0x56: {  	_ =	shalt  }
0x57: {  	_ =	shalt  }
0x58: {  	_ =	shalt  }
0x59: {  	_ =	shalt  }
0x5a: {  	_ =	shalt  }
0x5b: {  	_ =	shalt  }
0x5c: {  	_ =	shalt  }
0x5d: {  	_ =	shalt  }
0x5e: {  	_ =	shalt  }
0x5f: {  	_ =	shalt  }
0x60: {  	_ =	shalt  }
0x61: {  	_ =	shalt  }
0x62: {  	_ =	shalt  }
0x63: {  	_ =	shalt  }
0x64: {  	_ =	shalt  }
0x65: {  	_ =	shalt  }
0x66: {  	_ =	shalt  }
0x67: {  	_ =	shalt  }
0x68: {  	_ =	shalt  }
0x69: {  	_ =	shalt  }
0x6a: {  	_ =	shalt  }
0x6b: {  	_ =	shalt  }
0x6c: {  	_ =	shalt  }
0x6d: {  	_ =	shalt  }
0x6e: {  	_ =	shalt  }
0x6f: {  	_ =	shalt  }
0x70: {  	_ =	shalt  }
0x71: {  	_ =	shalt  }
0x72: {  	_ =	shalt  }
0x73: {  	_ =	shalt  }
0x74: {  	_ =	shalt  }
0x75: {  	_ =	shalt  }
0x76: {  	_ =	shalt  }
0x77: {  	_ =	shalt  }
0x78: {  	_ =	shalt  }
0x79: {  	_ =	shalt  }
0x7a: {  	_ =	shalt  }
0x7b: {  	_ =	shalt  }
0x7c: {  	_ =	shalt  }
0x7d: {  	_ =	shalt  }
0x7e: {  	_ =	shalt  }
0x7f: {  	_ =	shalt  }
0x80: {  	_ =	shalt  }
0x81: {  	_ =	shalt  }
0x82: {  	_ =	shalt  }
0x83: {  	_ =	shalt  }
0x84: {  	_ =	shalt  }
0x85: {  	_ =	shalt  }
0x86: {  	_ =	shalt  }
0x87: {  	_ =	shalt  }
.Lfunc_end0:
.L_simem_size_0:
called_computation.1_lowered:
.L_overlay_start_0:
0x88: {  	s2 =	sld [smem:$0x3FD9]  }
0x89: {  	s3 =	sld [smem:$0x3FFE];
	_ =	sdelay $0x1  }
0x8a: {  	s1 =	srdreg.scid  }
0x8b: {  	s0 =	sand.u32 $0x1, s1  }
0x8c: {  	s17 =	sshll.u32 s0, $0xA;
	s2 =	sadd.s32 s3, s2  }
0x8d: {  	s2 =	sadd.s32 s2, s17  }
0x8e: {  	[smem:$0x3FC2] =	sst s2  }
0x8f: {  	_ = 	snop  }
0x90: {  	s2 =	sld [smem:$0x3FD0];
	(tm) =	ssettm $0x1  }
0x91: {  	s18 =	sld [smem:$0x3FFB];
	_ =	sdelay $0x3  }
0x92: {  	_ =	strace s18  }
0x93: {  	s3 =	sld [smem:$0x3FFC];
	_ =	sdelay $0x3  }
0x94: {  	_ =	strace s3  }
0x95: {  	s3 =	sld [smem:$0x3FFD];
	_ =	sdelay $0x3  }
0x96: {  	_ =	strace s3  }
0x97: {  	_ =	strace $0x8FFFFFFF  }
0x98: {  	s19 =	sld [smem:$0x3FDB];
	_ =	sdelay $0x1  }
0x99: {  	s4 =	simm.s32 $_scs_section_size  }
0x9a: {  	s5 =	simm.s32 $_size__tile_overlayer_lowered;
	s6 =	simm.s32 $_tile_overlayer_lowered  }
0x9b: {  	s22 =	simm.s32 $0x1BFF;
	s21 =	sshll.u32 s6, $0x1;
	s3 =	sadd.s32 s4, s19  }
0x9c: {  	s7 =	simm.s32 $0x0;
	s20 =	sshll.u32 s5, $0x1;
	s5 =	sadd.s32 s21, s3  }
0x9d: {  	[timem:s7], [sflag:s22] =	dma.local [hbm:s5], s20  }
0x9e: {  	_ =	swait.ge [sflag:s22], s20  }
0x9f: {  	s4 =	ssub.s32 $0x0, s20;
	[sflag:s22] =	ssyncset.done $0x0  }
0xa0: {  	[sflag:s22] =	ssyncadd.s32 s4;
	_ =	sdelay $0x1  }
0xa1: {  	s23 =	simm.s32 $0x1B8B  }
0xa2: {  	_ =	swait.ge [sflag:s23], $0x1  }
0xa3: {  	[sflag:s23] =	ssyncset.done $0x0  }
0xa4: {  	s25 =	simm.s32 $0x1B8E;
	s24 =	sld [smem:$0x3FFE];
	[sflag:s23] =	ssyncadd.s32 $0xFFFFFFFF  }
0xa5: {  	s26 =	simm.s32 $execute0_lowered;
	[smem:$0x3FD2] =	sst s25  }
0xa6: {  	s5 =	sshll.u32 s26, $0x1;
	_ =	strace $0x80000049;
	[dreg:$0x1] =	wrdreg $0xFFFFFFFF  }
0xa7: {  	s28 =	simm.s32 $_size_execute0_lowered;
	s3 =	sadd.s32 s3, s5;
	[dreg:$0x0] =	wrdreg $0x0  }
0xa8: {  	s5 =	sshll.u32 s28, $0x1;
	[dreg:$0x2] =	wrdreg s3  }
0xa9: {  	[dreg:$0x3] =	wrdreg s5  }
0xaa: {  	[dreg:$0x4] =	wrdreg $0xC0  }
0xab: {  	_ =	task [dreg:s7], $0x5FFFF  }
0xac: {  	[dreg:$0x1] =	wrdreg $0xFFFFFFFF  }
0xad: {  	[dreg:$0x0] =	wrdreg $0x60  }
0xae: {  	[dreg:$0x2] =	wrdreg s2  }
0xaf: {  	[dreg:$0x3] =	wrdreg s24  }
0xb0: {  	[dreg:$0x4] =	wrdreg $0xAF000  }
0xb1: {  	[dreg:$0x5] =	wrdreg $0x9  }
0xb2: {  	_ =	task.clear_ibuf [dreg:s7], $0x6FFFF;
	_ =	strace $0x90000049  }
0xb3: {  	s29 =	simm.s32 $0x9;
	_ =	strace $0x8000004B  }
0xb4: {  	_ =	swait.ge [sflag:s29], $0x1  }
0xb5: {  	[sflag:s29] =	ssyncadd.s32 $0xFFFFFFFF  }
0xb6: {  	_ =	strace $0x9000004B  }
0xb7: {  	_ =	sfence  }
0xb8: {  	s30 =	sld [smem:$0x0];
	_ =	sdelay $0x2  }
0xb9: {  	s31 =	sshll.u32 s1, $0xD;
	s1 =	sshrl.u32 s1, $0x2  }
0xba: {  	s3 =	sand.u32 $0x4000, s31;
	s1 =	sadd.s32 s1, s30  }
0xbb: {  	s0 =	sor.u32 s3, s0;
	s1 =	sshll.u32 s1, $0x11  }
0xbc: {  	s0 =	sor.u32 s1, s0  }
0xbd: {  	s0 =	sadd.s32 $0x8F2B, s0  }
0xbe: {  	[sflag:s0] =	ssyncadd.remote.s32 $0x1  }
0xbf: {  	_ =	sfence.sel $0xFFFF  }
0xc0: {  	[dreg:$0x0] =	wrdreg $0xFFFFFFFF;
	(pc) =	sbr.abs _section_cstart, $3  }
0xc1: {  	[dreg:$0x1] =	wrdreg $0xFFFFFFFF  }
0xc2: {  	_ =	task.clear_ibuf [dreg:s7], $0x2FFFF;
	_ =	strace $0x9FFFFFFF  }
0xc3: {  	(tm) =	ssettm $0x7FFFFFFF  }
tec
execute0_lowered:
.L_overlay_start_1:
0x0: {  	(tag) =	ssettag $0x1  }
0x1: {  	s0 =	rddreg [dreg:$0x0]  }
0x2: {  	s11 =	rddreg [dreg:$0x1]  }
0x3: {  	s2 =	rddreg [dreg:$0x2];
	s1 =	stileid.u32  }
0x4: {  	s3 =	simm.s32 $0x0;
	s6 =	srdreg.scid;
	s8 =	smul.u32 $0x4E00, s1  }
0x5: {  	s17 =	simm.s32 $0x80;
	[smem:$0x7FF] =	sst s3;
	s4 =	smul.u32 $0x4F0, s1  }
0x6: {  	s7 =	smul.u32 $0xFFFFFFB1, s1;
	s12 =	sand.u32 $0x1, s6;
	s13 =	sadd.s32 $0x15400, s11  }
0x7: {  	s29 =	smul.u32 $0x9C00, s1;
	_ =	strace $0x8000004A;
	s26 =	ssub.s32 $0x2, s12  }
0x8: {  	s14 =	smul.u32 $0x9C40, s12;
	s30 =	sshll.u32 s12, $0x5;
	s12 =	sshll.u32 s12, $0x2  }
0x9: {  	s5 =	sshrl.u32 s8, $0x3;
	s9 =	sadd.s32 s4, s11;
	p0 =	slt.s32 s7, $0xFFFFFB6D  }
0xa: {  	s28 =	sshrl.u32 s26, $0x1;
	s8 =	sadd.s32 s8, s2;
	s31 =	sadd.s32 s12, s13  }
0xb: {  	s10 =	sadd.s32 s5, s11;
	s7 =	simm.s32 @!p0 $0xFFFFFB6D;
	s15 =	ssub.s32 s26, s28  }
0xc: {  	s5 =	sadd.s32 $0x6600, s9;
	s6 =	sadd.s32 $0x1600, s9;
	s11 =	sadd.s32 $0x15200, s11  }
0xd: {  	p0 =	sne.s32 s1, $0xF;
	s4 =	sadd.s32 $0x4E2, s7;
	s7 =	sadd.s32 s0, s14  }
0xe: {  	s9 =	sadd.s32 $0xB600, s10;
	s10 =	sadd.s32 $0x4E000, s2;
	s0 =	sor.u32 s30, s29  }
0xf: {  	s14 =	smax.u32 s15, $0x1;
	s15 =	simm.s32 $0x7;
	s0 =	sshrl.u32 s0, $0x3  }
0x10: {  	s12 =	sadd.s32 s13, s0;
	s13 =	sadd.s32 $0x13800, s31;
	s0 =	simm.s32 $0x0  }
.LBB2_1:
0x11: {  	[tilespmem:s3], [sflag:$0x7] =	stream.linear.gather [hbm4b:s5+s3], $0x2780, $0x38;
	[tilespmem:$0xFD20] =	vst v63  }
0x12: {  	_ =	swait.ge [sflag:s15], $0x2780  }
0x13: {  	[sflag:s15] =	ssyncset.done $0x0  }
0x14: {  	s16 =	simm.s32 $0x2780;
	[sflag:s15] =	ssyncadd.s32 $0xFFFFD880  }
0x15: {  	[tilespmem:s16], [sflag:$0x7] =	stream.linear.gather [hbm4b:s6+s3], $0x2780, $0x38;
	[tilespmem:$0xFD20] =	vst v63  }
0x16: {  	_ =	swait.ge [sflag:s15], $0x2780  }
0x17: {  	[sflag:s15] =	ssyncset.done $0x0  }
0x18: {  	s19 =	simm.s32 $0x4F00;
	[sflag:s15] =	ssyncadd.s32 $0xFFFFD880  }
0x19: {  	[tilespmem:s19], [sflag:$0x1] =	stream.indirect.gather [hbm4b:s7+s17], $0x20, s3, s17, $0xb8;
	[tilespmem:$0xFD20] =	vst v63  }
0x1a: {  	s20 =	simm.s32 $0x5F00  }
0x1b: {  	[tilespmem:s20], [sflag:$0x2] =	stream.indirect.gather [hbm4b:s7+s17], $0x20, s17, s17, $0xb8;
	[tilespmem:$0xFD20] =	vst v63  }
0x1c: {  	s21 =	simm.s32 $0x100;
	s18 =	simm.s32 $0x6F00  }
0x1d: {  	[tilespmem:s18], [sflag:$0x3] =	stream.indirect.gather [hbm4b:s7+s17], $0x20, s21, s17, $0xb8;
	[tilespmem:$0xFD20] =	vst v63  }
0x1e: {  	s22 =	simm.s32 $0x180;
	s23 =	simm.s32 $0x7F00;
	s24 =	simm.s32 $0x200  }
0x1f: {  	[tilespmem:s23], [sflag:$0x4] =	stream.indirect.gather [hbm4b:s7+s17], $0x20, s22, s17, $0xb8;
	[tilespmem:$0xFD20] =	vst v63  }
0x20: {  	s25 =	simm.s32 $0x8F00;
	s26 =	simm.s32 $0x280;
	s31 =	sshll.u32 s1, $0x6  }
0x21: {  	[tilespmem:s25], [sflag:$0x5] =	stream.indirect.gather [hbm4b:s7+s17], $0x20, s24, s17, $0xb8;
	[tilespmem:$0xFD20] =	vst v63  }
0x22: {  	s30 =	simm.s32 $0x9F00;
	s16 =	sor.u32 $0x1C07, s31;
	s19 =	sshrl.u32 s8, $0x3  }
0x23: {  	[tilespmem:s30], [sflag:$0x6] =	stream.indirect.gather [hbm4b:s7+s17], $0x20, s26, s17, $0xb8;
	[tilespmem:$0xFD20] =	vst v63  }
0x24: {  	[spmem:s19], [sflag:s16] =	dma.local [hbm:s9], $0x9C0  }
0x25: {  	_ =	swait.ge [sflag:s15], $0x9C0  }
0x26: {  	[sflag:s15] =	ssyncset.done $0x0  }
0x27: {  	s20 =	simm.s32 @!p0 $0x7;
	s18 =	sshrl.u32 @!p0 s10, $0x3;
	[sflag:s15] =	ssyncadd.s32 $0xFFFFF640  }
0x28: {  	[spmem:s18], [sflag:s16] =	dma.local @!p0 [hbm:s11], $0x40  }
0x29: {  	_ =	swait.ge @!p0 [sflag:s20], $0x40  }
0x2a: {  	[sflag:s20] =	ssyncset.done @!p0 $0x0  }
0x2b: {  	p1 =	sle.u32 s4, $0x0;
	[sflag:s20] =	ssyncadd.s32 @!p0 $0xFFFFFFC0  }
0x2c: {  	s20 =	simm.s32 @!p1 $0x1;
	[bflag:$0x0] =	sbarrier.arrive $0xFFFF  }
0x2d: {  	_ =	swait.ge @!p1 [sflag:s20], $0x1000  }
0x2e: {  	s21 =	simm.s32 @!p1 $0x2780;
	s22 =	simm.s32 @!p1 $0x7;
	[sflag:s20] =	ssyncset.done @!p1 $0x0  }
0x2f: {  	s23 =	simm.s32 @!p1 $0x4F00;
	[sflag:s20] =	ssyncadd.s32 @!p1 $0xFFFFF000;
	s20 =	simm.s32 @!p1 $0x80  }
0x30: {  	[spmem:s2] =	stream.indirect.scatter.add.f32 @!p1 [tilespmem:s23], [sflag:$0x7], $0x20, s21, s20, $0xb8;
	[tilespmem:$0xFD20] =	vst v63  }
0x31: {  	p2 =	sle.u32 s4, $0x6;
	_ =	swait.ge @!p1 [sflag:s22], $0x1000  }
0x32: {  	s20 =	simm.s32 @!p2 $0x80;
	s21 =	simm.s32 @!p2 $0x300;
	[sflag:s22] =	ssyncset.done @!p1 $0x0  }
0x33: {  	[sflag:s22] =	ssyncadd.s32 @!p1 $0xFFFFF000;
	s22 =	simm.s32 @!p2 $0x4F00;
	p1 =	sle.u32 s4, $0x1  }
0x34: {  	[tilespmem:s22], [sflag:$0x1] =	stream.indirect.gather @!p2 [hbm4b:s7+s20], $0x20, s21, s20, $0xb8;
	[tilespmem:$0xFD20] =	vst v63  }
0x35: {  	s20 =	simm.s32 @!p1 $0x2  }
0x36: {  	_ =	swait.ge @!p1 [sflag:s20], $0x1000  }
0x37: {  	s21 =	simm.s32 @!p1 $0x2800;
	s22 =	simm.s32 @!p1 $0x80;
	[sflag:s20] =	ssyncset.done @!p1 $0x0  }
0x38: {  	s23 =	simm.s32 @!p1 $0x5F00;
	[sflag:s20] =	ssyncadd.s32 @!p1 $0xFFFFF000;
	s20 =	simm.s32 @!p1 $0x7  }
0x39: {  	[spmem:s2] =	stream.indirect.scatter.add.f32 @!p1 [tilespmem:s23], [sflag:$0x7], $0x20, s21, s22, $0xb8;
	[tilespmem:$0xFD20] =	vst v63  }
0x3a: {  	_ =	swait.ge @!p1 [sflag:s20], $0x1000  }
0x3b: {  	p2 =	sle.u32 s4, $0x7;
	[sflag:s20] =	ssyncset.done @!p1 $0x0  }
0x3c: {  	s21 =	simm.s32 @!p2 $0x80;
	[sflag:s20] =	ssyncadd.s32 @!p1 $0xFFFFF000;
	p1 =	sle.u32 s4, $0x2  }
0x3d: {  	s22 =	simm.s32 @!p2 $0x5F00;
	s20 =	simm.s32 @!p2 $0x380;
	s23 =	simm.s32 @!p1 $0x3  }
0x3e: {  	[tilespmem:s22], [sflag:$0x2] =	stream.indirect.gather @!p2 [hbm4b:s7+s21], $0x20, s20, s21, $0xb8;
	[tilespmem:$0xFD20] =	vst v63  }
0x3f: {  	_ =	swait.ge @!p1 [sflag:s23], $0x1000  }
0x40: {  	s20 =	simm.s32 @!p1 $0x2880;
	s21 =	simm.s32 @!p1 $0x6F00;
	[sflag:s23] =	ssyncset.done @!p1 $0x0  }
0x41: {  	s22 =	simm.s32 @!p1 $0x80;
	[sflag:s23] =	ssyncadd.s32 @!p1 $0xFFFFF000;
	s23 =	simm.s32 @!p1 $0x7  }
0x42: {  	[spmem:s2] =	stream.indirect.scatter.add.f32 @!p1 [tilespmem:s21], [sflag:$0x7], $0x20, s20, s22, $0xb8;
	[tilespmem:$0xFD20] =	vst v63  }
0x43: {  	_ =	swait.ge @!p1 [sflag:s23], $0x1000  }
0x44: {  	p2 =	sle.u32 s4, $0x8;
	[sflag:s23] =	ssyncset.done @!p1 $0x0  }
0x45: {  	s20 =	simm.s32 @!p2 $0x80;
	[sflag:s23] =	ssyncadd.s32 @!p1 $0xFFFFF000;
	p1 =	sle.u32 s4, $0x3  }
0x46: {  	s21 =	simm.s32 @!p2 $0x400;
	s22 =	simm.s32 @!p2 $0x6F00;
	s23 =	simm.s32 @!p1 $0x4  }
0x47: {  	[tilespmem:s22], [sflag:$0x3] =	stream.indirect.gather @!p2 [hbm4b:s7+s20], $0x20, s21, s20, $0xb8;
	[tilespmem:$0xFD20] =	vst v63  }
0x48: {  	p3 =	sle.u32 s4, $0x9;
	_ =	swait.ge @!p1 [sflag:s23], $0x1000  }
0x49: {  	s20 =	simm.s32 @!p1 $0x2900;
	s21 =	simm.s32 @!p1 $0x7F00;
	[sflag:s23] =	ssyncset.done @!p1 $0x0  }
0x4a: {  	s22 =	simm.s32 @!p1 $0x80;
	[sflag:s23] =	ssyncadd.s32 @!p1 $0xFFFFF000;
	s23 =	simm.s32 @!p1 $0x7  }
0x4b: {  	[spmem:s2] =	stream.indirect.scatter.add.f32 @!p1 [tilespmem:s21], [sflag:$0x7], $0x20, s20, s22, $0xb8;
	[tilespmem:$0xFD20] =	vst v63  }
0x4c: {  	p4 =	sle.u32 s4, $0xA;
	p2 =	sle.u32 s4, $0x4;
	_ =	swait.ge @!p1 [sflag:s23], $0x1000  }
0x4d: {  	s20 =	simm.s32 @!p3 $0x80;
	s21 =	simm.s32 @!p3 $0x480;
	[sflag:s23] =	ssyncset.done @!p1 $0x0  }
0x4e: {  	s22 =	simm.s32 @!p3 $0x7F00;
	[sflag:s23] =	ssyncadd.s32 @!p1 $0xFFFFF000;
	s23 =	simm.s32 @!p2 $0x5  }
0x4f: {  	[tilespmem:s22], [sflag:$0x4] =	stream.indirect.gather @!p3 [hbm4b:s7+s20], $0x20, s21, s20, $0xb8;
	[tilespmem:$0xFD20] =	vst v63  }
0x50: {  	p1 =	sle.u32 s4, $0xB;
	s20 =	simm.s32 @!p2 $0x2980;
	s21 =	simm.s32 @!p2 $0x80  }
0x51: {  	s22 =	simm.s32 @!p2 $0x8F00;
	s24 =	simm.s32 @!p1 $0x9F00;
	_ =	swait.ge @!p2 [sflag:s23], $0x1000  }
0x52: {  	p3 =	sle.u32 s4, $0x5;
	s25 =	simm.s32 @!p1 $0x80;
	[sflag:s23] =	ssyncset.done @!p2 $0x0  }
0x53: {  	s26 =	simm.s32 @!p3 $0x6;
	[sflag:s23] =	ssyncadd.s32 @!p2 $0xFFFFF000;
	s23 =	simm.s32 @!p2 $0x7  }
0x54: {  	[spmem:s2] =	stream.indirect.scatter.add.f32 @!p2 [tilespmem:s22], [sflag:$0x7], $0x20, s20, s21, $0xb8;
	[tilespmem:$0xFD20] =	vst v63  }
0x55: {  	s28 =	simm.s32 @!p3 $0x2A00;
	s29 =	simm.s32 @!p3 $0x80;
	_ =	swait.ge @!p2 [sflag:s23], $0x1000  }
0x56: {  	s20 =	simm.s32 $0x11;
	s21 =	simm.s32 @!p4 $0x80;
	[sflag:s23] =	ssyncset.done @!p2 $0x0  }
0x57: {  	s22 =	simm.s32 @!p4 $0x500;
	[sflag:s23] =	ssyncadd.s32 @!p2 $0xFFFFF000;
	s23 =	simm.s32 @!p4 $0x8F00  }
0x58: {  	[tilespmem:s23], [sflag:$0x5] =	stream.indirect.gather @!p4 [hbm4b:s7+s21], $0x20, s22, s21, $0xb8;
	[tilespmem:$0xFD20] =	vst v63  }
0x59: {  	s21 =	simm.s32 $0xC00;
	s22 =	simm.s32 $0x0;
	_ =	swait.ge @!p3 [sflag:s26], $0x1000  }
.LBB2_2:
0x5a: {  	[sflag:s26] =	ssyncset.done @!p3 $0x0  }
0x5b: {  	s30 =	simm.s32 @!p3 $0x9F00;
	s23 =	smov.u32 s20;
	s20 =	sadd.s32 $0x6, s20  }
0x5c: {  	p2 =	sne.s32 s20, $0x5F;
	[sflag:s26] =	ssyncadd.s32 @!p3 $0xFFFFF000;
	s26 =	simm.s32 @!p3 $0x7  }
0x5d: {  	[spmem:s2] =	stream.indirect.scatter.add.f32 @!p3 [tilespmem:s30], [sflag:$0x7], $0x20, s28, s29, $0xb8;
	[tilespmem:$0xFD20] =	vst v63  }
0x5e: {  	s22 =	sshra.s32 @!p1 s22, $0x2;
	s28 =	sadd.s32 $0xFFFFFFF5, s23;
	_ =	swait.ge @!p3 [sflag:s26], $0x1000  }
0x5f: {  	s22 =	sadd.s32 @!p1 $0x580, s22;
	p4 =	sge.u32 s28, s4;
	[sflag:s26] =	ssyncset.done @!p3 $0x0  }
0x60: {  	s28 =	simm.s32 @!p4 $0x1;
	s29 =	sshra.s32 @!p4 s21, $0x2;
	[sflag:s26] =	ssyncadd.s32 @!p3 $0xFFFFF000  }
0x61: {  	[tilespmem:s24], [sflag:$0x6] =	stream.indirect.gather @!p1 [hbm4b:s7+s25], $0x20, s22, s25, $0xb8;
	[tilespmem:$0xFD20] =	vst v63  }
0x62: {  	s24 =	sadd.s32 @!p4 $0x2780, s29;
	s22 =	smov.u32 s21;
	_ =	swait.ge @!p4 [sflag:s28], $0x1000  }
0x63: {  	s26 =	simm.s32 @!p4 $0x7;
	s25 =	sadd.s32 $0xFFFFFFFB, s23;
	[sflag:s28] =	ssyncset.done @!p4 $0x0  }
0x64: {  	s29 =	simm.s32 @!p4 $0x4F00;
	[sflag:s28] =	ssyncadd.s32 @!p4 $0xFFFFF000;
	s28 =	simm.s32 @!p4 $0x80  }
0x65: {  	[spmem:s2] =	stream.indirect.scatter.add.f32 @!p4 [tilespmem:s29], [sflag:$0x7], $0x20, s24, s28, $0xb8;
	[tilespmem:$0xFD20] =	vst v63  }
0x66: {  	p1 =	sge.u32 s25, s4;
	s24 =	sadd.s32 $0xFFFFFFF6, s23;
	_ =	swait.ge @!p4 [sflag:s26], $0x1000  }
0x67: {  	s25 =	sshra.s32 @!p1 s21, $0x2;
	s28 =	simm.s32 @!p1 $0x80;
	[sflag:s26] =	ssyncset.done @!p4 $0x0  }
0x68: {  	s25 =	sadd.s32 @!p1 $0x300, s25;
	[sflag:s26] =	ssyncadd.s32 @!p4 $0xFFFFF000;
	s26 =	simm.s32 @!p1 $0x4F00  }
0x69: {  	[tilespmem:s26], [sflag:$0x1] =	stream.indirect.gather @!p1 [hbm4b:s7+s28], $0x20, s25, s28, $0xb8;
	[tilespmem:$0xFD20] =	vst v63  }
0x6a: {  	p3 =	sge.u32 s24, s4  }
0x6b: {  	s24 =	simm.s32 @!p3 $0x2;
	s25 =	sshra.s32 @!p3 s21, $0x2  }
0x6c: {  	p1 =	sge.u32 s23, s4;
	s25 =	sadd.s32 @!p3 $0x2800, s25;
	_ =	swait.ge @!p3 [sflag:s24], $0x1000  }
0x6d: {  	s26 =	simm.s32 @!p3 $0x80;
	s28 =	simm.s32 @!p3 $0x5F00;
	[sflag:s24] =	ssyncset.done @!p3 $0x0  }
0x6e: {  	s29 =	sadd.s32 $0xFFFFFFFC, s23;
	[sflag:s24] =	ssyncadd.s32 @!p3 $0xFFFFF000;
	s24 =	simm.s32 @!p3 $0x7  }
0x6f: {  	[spmem:s2] =	stream.indirect.scatter.add.f32 @!p3 [tilespmem:s28], [sflag:$0x7], $0x20, s25, s26, $0xb8;
	[tilespmem:$0xFD20] =	vst v63  }
0x70: {  	p4 =	sge.u32 s29, s4;
	s25 =	sadd.s32 $0xFFFFFFF7, s23;
	_ =	swait.ge @!p3 [sflag:s24], $0x1000  }
0x71: {  	s26 =	sshra.s32 @!p4 s21, $0x2;
	s28 =	simm.s32 @!p4 $0x80;
	[sflag:s24] =	ssyncset.done @!p3 $0x0  }
0x72: {  	[sflag:s24] =	ssyncadd.s32 @!p3 $0xFFFFF000;
	s24 =	sadd.s32 @!p4 $0x380, s26;
	p3 =	sge.u32 s25, s4  }
0x73: {  	s25 =	simm.s32 @!p4 $0x5F00;
	s26 =	simm.s32 @!p3 $0x3;
	s29 =	sshra.s32 @!p3 s21, $0x2  }
0x74: {  	[tilespmem:s25], [sflag:$0x2] =	stream.indirect.gather @!p4 [hbm4b:s7+s28], $0x20, s24, s28, $0xb8;
	[tilespmem:$0xFD20] =	vst v63  }
0x75: {  	s25 =	sadd.s32 @!p3 $0x2880, s29;
	s28 =	simm.s32 @!p3 $0x6F00;
	_ =	swait.ge @!p3 [sflag:s26], $0x1000  }
0x76: {  	s29 =	simm.s32 @!p3 $0x80;
	s24 =	simm.s32 @!p1 $0x9F00;
	[sflag:s26] =	ssyncset.done @!p3 $0x0  }
0x77: {  	s30 =	sadd.s32 $0xFFFFFFFD, s23;
	[sflag:s26] =	ssyncadd.s32 @!p3 $0xFFFFF000;
	s26 =	simm.s32 @!p3 $0x7  }
0x78: {  	[spmem:s2] =	stream.indirect.scatter.add.f32 @!p3 [tilespmem:s28], [sflag:$0x7], $0x20, s25, s29, $0xb8;
	[tilespmem:$0xFD20] =	vst v63  }
0x79: {  	p4 =	sge.u32 s30, s4;
	s25 =	sadd.s32 $0xFFFFFFF8, s23;
	_ =	swait.ge @!p3 [sflag:s26], $0x1000  }
0x7a: {  	s28 =	sshra.s32 @!p4 s21, $0x2;
	s29 =	simm.s32 @!p4 $0x80;
	[sflag:s26] =	ssyncset.done @!p3 $0x0  }
0x7b: {  	[sflag:s26] =	ssyncadd.s32 @!p3 $0xFFFFF000;
	s26 =	sadd.s32 @!p4 $0x400, s28;
	p3 =	sge.u32 s25, s4  }
0x7c: {  	s25 =	simm.s32 @!p4 $0x6F00;
	s28 =	simm.s32 @!p3 $0x4;
	s30 =	sshra.s32 @!p3 s21, $0x2  }
0x7d: {  	[tilespmem:s25], [sflag:$0x3] =	stream.indirect.gather @!p4 [hbm4b:s7+s29], $0x20, s26, s29, $0xb8;
	[tilespmem:$0xFD20] =	vst v63  }
0x7e: {  	s26 =	sadd.s32 @!p3 $0x2900, s30;
	s29 =	simm.s32 @!p3 $0x7F00;
	_ =	swait.ge @!p3 [sflag:s28], $0x1000  }
0x7f: {  	s30 =	simm.s32 @!p3 $0x80;
	s25 =	simm.s32 @!p1 $0x80;
	[sflag:s28] =	ssyncset.done @!p3 $0x0  }
0x80: {  	s31 =	sadd.s32 $0xFFFFFFFE, s23;
	[sflag:s28] =	ssyncadd.s32 @!p3 $0xFFFFF000;
	s28 =	simm.s32 @!p3 $0x7  }
0x81: {  	[spmem:s2] =	stream.indirect.scatter.add.f32 @!p3 [tilespmem:s29], [sflag:$0x7], $0x20, s26, s30, $0xb8;
	[tilespmem:$0xFD20] =	vst v63  }
0x82: {  	p4 =	sge.u32 s31, s4;
	s26 =	sadd.s32 $0xFFFFFFF9, s23;
	_ =	swait.ge @!p3 [sflag:s28], $0x1000  }
0x83: {  	s29 =	sshra.s32 @!p4 s21, $0x2;
	s30 =	simm.s32 @!p4 $0x80;
	[sflag:s28] =	ssyncset.done @!p3 $0x0  }
0x84: {  	[sflag:s28] =	ssyncadd.s32 @!p3 $0xFFFFF000  }
0x85: {  	s28 =	sadd.s32 @!p4 $0x480, s29;
	p3 =	sge.u32 s26, s4;
	s26 =	simm.s32 @!p4 $0x7F00  }
0x86: {  	s29 =	simm.s32 @!p3 $0x5;
	s31 =	sshra.s32 @!p3 s21, $0x2;
	s21 =	sadd.s32 $0xC00, s21  }
0x87: {  	[tilespmem:s26], [sflag:$0x4] =	stream.indirect.gather @!p4 [hbm4b:s7+s30], $0x20, s28, s30, $0xb8;
	[tilespmem:$0xFD20] =	vst v63  }
0x88: {  	s26 =	sadd.s32 @!p3 $0x2980, s31;
	s28 =	simm.s32 @!p3 $0x80;
	_ =	swait.ge @!p3 [sflag:s29], $0x1000  }
0x89: {  	s30 =	simm.s32 @!p3 $0x8F00;
	s31 =	sadd.s32 $0xFFFFFFFF, s23;
	[sflag:s29] =	ssyncset.done @!p3 $0x0  }
0x8a: {  	p4 =	sge.u32 s31, s4;
	[sflag:s29] =	ssyncadd.s32 @!p3 $0xFFFFF000;
	s29 =	simm.s32 @!p3 $0x7  }
0x8b: {  	[spmem:s2] =	stream.indirect.scatter.add.f32 @!p3 [tilespmem:s30], [sflag:$0x7], $0x20, s26, s28, $0xb8;
	[tilespmem:$0xFD20] =	vst v63  }
0x8c: {  	s23 =	sadd.s32 $0xFFFFFFFA, s23;
	s26 =	sshra.s32 @!p4 s22, $0x2;
	_ =	swait.ge @!p3 [sflag:s29], $0x1000  }
.Ltmp0:
0x8d: {  	s28 =	simm.s32 @!p4 $0x80;
	[sflag:s29] =	ssyncset.done @!p3 $0x0;
	(pc) =	sbr.rel @p2 .LBB2_2-.Ltmp0, $4  }
0x8e: {  	[sflag:s29] =	ssyncadd.s32 @!p3 $0xFFFFF000;
	s29 =	sadd.s32 @!p4 $0x500, s26;
	p3 =	sge.u32 s23, s4  }
0x8f: {  	s23 =	simm.s32 @!p4 $0x8F00;
	s26 =	simm.s32 @!p3 $0x6;
	s30 =	sshra.s32 @!p3 s22, $0x2  }
0x90: {  	[tilespmem:s23], [sflag:$0x5] =	stream.indirect.gather @!p4 [hbm4b:s7+s28], $0x20, s29, s28, $0xb8;
	[tilespmem:$0xFD20] =	vst v63  }
0x91: {  	s28 =	sadd.s32 @!p3 $0x2A00, s30;
	s29 =	simm.s32 @!p3 $0x80;
	_ =	swait.ge @!p3 [sflag:s26], $0x1000  }
0x92: {  	[sflag:s26] =	ssyncset.done @!p3 $0x0  }
0x93: {  	s20 =	simm.s32 @!p3 $0x9F00;
	s21 =	simm.s32 @!p3 $0x7;
	[sflag:s26] =	ssyncadd.s32 @!p3 $0xFFFFF000  }
0x94: {  	[spmem:s2] =	stream.indirect.scatter.add.f32 @!p3 [tilespmem:s20], [sflag:$0x7], $0x20, s28, s29, $0xb8;
	[tilespmem:$0xFD20] =	vst v63  }
0x95: {  	_ =	swait.ge @!p3 [sflag:s21], $0x1000  }
0x96: {  	s20 =	sshra.s32 @!p1 s22, $0x2;
	[sflag:s21] =	ssyncset.done @!p3 $0x0  }
0x97: {  	s30 =	simm.s32 $0x8;
	s20 =	sadd.s32 @!p1 $0x580, s20;
	[sflag:s21] =	ssyncadd.s32 @!p3 $0xFFFFF000  }
0x98: {  	[tilespmem:s24], [sflag:$0x6] =	stream.indirect.gather @!p1 [hbm4b:s7+s25], $0x20, s20, s25, $0xb8;
	[tilespmem:$0xFD20] =	vst v63  }
0x99: {  	s31 =	simm.s32 $0x4;
	s29 =	simm.s32 $0x1;
	[bflag:$0x0] =	sbarrier.arrive $0xFFFF  }
0x9a: {  	[hbm:s12@s30], [sflag:s16] =	dma.strided [spmem:s19@s31], $0x9C0, s29, $0x4   }
0x9b: {  	s0 =	sadd.s32 $0x1, s0;
	_ =	swait.ge [sflag:s15], $0x9C0  }
0x9c: {  	s21 =	simm.s32 @!p0 $0x4;
	s20 =	simm.s32 @!p0 $0x8;
	[sflag:s15] =	ssyncset.done $0x0  }
0x9d: {  	p1 =	sne.s32 s0, s14;
	s19 =	simm.s32 @!p0 $0x1;
	[sflag:s15] =	ssyncadd.s32 $0xFFFFF640  }
0x9e: {  	[hbm:s13@s20], [sflag:s16] =	dma.strided @!p0 [spmem:s18@s21], $0x40, s19, $0x4   }
.Ltmp1:
0x9f: {  	_ = 	snop;
	(pc) =	sbr.rel @p1 .LBB2_1-.Ltmp1, $4  }
0xa0: {  	s16 =	simm.s32 @!p0 $0x7  }
0xa1: {  	_ =	swait.ge @!p0 [sflag:s16], $0x40  }
0xa2: {  	[sflag:s16] =	ssyncset.done @!p0 $0x0  }
0xa3: {  	[sflag:s16] =	ssyncadd.s32 @!p0 $0xFFFFFFC0  }
0xa4: {  	_ =	sfence.sel $0x180000  }
0xa5: {  	[bflag:$0x0] =	sbarrier.arrive $0xFFFF  }
0xa6: {  	_ =	strace $0x9000004A  }
0xa7: {  	[bflag:$0x2] =	sbarrier.arrive $0xFFFF  }
0xa8: {  	p0 =	sne.s32 s1, $0x0;
	s0 =	rddreg [dreg:$0x3]  }
0xa9: {  	s0 =	sadd.s32 @!p0 $0x100000, s0  }
0xaa: {  	[sflag:s0] =	ssyncadd.tile.s32 @!p0 $0x1;
	_ =	shalt  }
.Lfunc_end2:
_tile_overlayer_lowered:
.L_overlay_start_2:
0xab: {  	(tag) =	ssettag $0x2  }
0xac: {  	s0 =	rddreg [dreg:$0x0];
	s2 =	stileid.u32  }
0xad: {  	s1 =	rddreg [dreg:$0x1];
	p0 =	sne.s32 s2, $0x0  }
0xae: {  	s3 =	rddreg [dreg:$0x2];
	[bflag:$0x3] =	sbarrier.arrive $0xFFFF;
	s2 =	simm.s32 @!p0 $0x1C07  }
0xaf: {  	[timem:s3], [sflag:s2] =	dma.local @!p0 [hbm:s0], s1  }
0xb0: {  	s0 =	simm.s32 @!p0 $0x7  }
0xb1: {  	_ =	swait.ge @!p0 [sflag:s0], s1  }
0xb2: {  	s1 =	ssub.s32 @!p0 $0x0, s1;
	[sflag:s0] =	ssyncset.done @!p0 $0x0  }
0xb3: {  	[sflag:s0] =	ssyncadd.s32 @!p0 s1  }
0xb4: {  	[bflag:$0x3] =	sbarrier.arrive $0xFFFF  }
0xb5: {  	_ =	shalt  }

</sc_bundles>
